<compile_context>
chip_gen: v7x
topology: tpu7x:2x2x1
jax: 0.10.2.dev20260603
libtpu: 0.0.44.dev20260713+nightly
codegen_flags: <defaults>
</compile_context>

<pallas_src>
import functools

import jax
import jax.numpy as jnp
from jax import lax
from jax.experimental import pallas as pl
from jax.experimental.pallas import tpu as pltpu
from jax.experimental.pallas import tpu_sc as plsc

_L = 16
_HQ = 4


def _sc_gather(H, V, S, NC, NS):
    NW = NC * NS
    HG = H // 2
    n_rw = NW // 2
    rows_per_w = S // n_rw
    RB = 8
    n_ib = rows_per_w // RB
    NQ = HG // _HQ
    n_chunks = n_ib * NQ

    mesh = plsc.VectorSubcoreMesh(core_axis_name="c", subcore_axis_name="s")

    @functools.partial(
        pl.kernel,
        out_type=jax.ShapeDtypeStruct((H, S, S), jnp.float32),
        mesh=mesh,
        scratch_types=[
            pltpu.VMEM((HG * V,), jnp.float32),
            pltpu.VMEM((2 * RB, S), jnp.int32),
            pltpu.VMEM((2 * _HQ * RB, S), jnp.float32),
            pltpu.SemaphoreType.DMA((2,)),
            pltpu.SemaphoreType.DMA((2,)),
        ],
        compiler_params=pltpu.CompilerParams(
            needs_layout_passes=False, use_tc_tiling_on_sc=True),
    )
    def run(table_hbm, idx_hbm, out_hbm, table_v, idx_v, out_v, semi, semo):
        wid = lax.axis_index("s") * NC + lax.axis_index("c")
        hg = wid // n_rw
        rw = lax.rem(wid, n_rw)
        hbase = hg * HG
        base_i = rw * rows_per_w
        pltpu.async_copy(
            idx_hbm.at[pl.ds(base_i, RB), :],
            idx_v.at[pl.ds(0, RB), :], semi.at[0])
        pltpu.sync_copy(table_hbm.at[pl.ds(hbase * V, HG * V)], table_v)

        def chunk_body(t, _):
            ib = t // NQ
            hq = t - ib * NQ
            pi = lax.rem(ib, 2)
            po = lax.rem(t, 2)
            h0 = hbase + hq * _HQ
            l0 = hq * _HQ
            i0 = base_i + ib * RB

            @pl.when(jnp.logical_and(hq == 0, ib + 1 < n_ib))
            def _():
                pltpu.async_copy(
                    idx_hbm.at[pl.ds(i0 + RB, RB), :],
                    idx_v.at[pl.ds((1 - pi) * RB, RB), :], semi.at[1 - pi])

            @pl.when(hq == 0)
            def _():
                pltpu.make_async_copy(
                    idx_hbm.at[pl.ds(i0, RB), :],
                    idx_v.at[pl.ds(pi * RB, RB), :], semi.at[pi]).wait()

            @pl.when(t >= 2)
            def _():
                for _q in range(_HQ):
                    pltpu.make_async_copy(
                        out_v.at[pl.ds((po * _HQ + _q) * RB, RB), :],
                        out_hbm.at[h0 + _q, pl.ds(i0, RB), :],
                        semo.at[po]).wait()

            ir = pi * RB
            orow = po * _HQ * RB
            for r in range(RB):
                @plsc.parallel_loop(0, S // _L, unroll=8)
                def _(n):
                    iv = idx_v[ir + r, pl.ds(n * _L, _L)]
                    for q in range(_HQ):
                        out_v[orow + q * RB + r, pl.ds(n * _L, _L)] = (
                            plsc.load_gather(table_v, [(l0 + q) * V + iv]))

            for q in range(_HQ):
                pltpu.async_copy(
                    out_v.at[pl.ds(orow + q * RB, RB), :],
                    out_hbm.at[h0 + q, pl.ds(i0, RB), :], semo.at[po])
            return 0

        lax.fori_loop(0, n_chunks, chunk_body, 0)

        for po in range(2):
            for q in range(_HQ):
                pltpu.make_async_copy(
                    out_v.at[pl.ds((po * _HQ + q) * RB, RB), :],
                    out_hbm.at[hbase + q, pl.ds(base_i, RB), :],
                    semo.at[po]).wait()

    return run


def kernel(relative_position_bias_table, relative_position_index):
    V, H = relative_position_bias_table.shape
    S = relative_position_index.shape[0]
    info = plsc.get_sparse_core_info()
    NC, NS = info.num_cores, info.num_subcores

    tableT = relative_position_bias_table.T.reshape(-1)

    return _sc_gather(H, V, S, NC, NS)(tableT, relative_position_index)

# --- scband reference (transcript-rebuilt; emitter-appended) ---
"""Pipeline reference for scband-relative-position-bias-72499047957006 (READ-ONLY COPY).

The authoritative reference and input builder live on the scoring server;
editing this copy changes nothing except your own understanding.
"""

import jax, jax.numpy as jnp
import numpy as np

WH, WW = 32, 32
NUM_HEADS = 16

def _build_relative_position_index(wh, ww):
    coords_h = np.arange(wh)
    coords_w = np.arange(ww)
    coords = np.stack(np.meshgrid(coords_h, coords_w, indexing='ij'))  # [2, wh, ww]
    coords_flatten = coords.reshape(2, -1)  # [2, wh*ww]
    relative_coords = coords_flatten[:, :, None] - coords_flatten[:, None, :]  # [2, S, S]
    relative_coords = relative_coords.transpose(1, 2, 0).copy()  # [S, S, 2]
    relative_coords[:, :, 0] += wh - 1
    relative_coords[:, :, 1] += ww - 1
    relative_coords[:, :, 0] *= 2 * ww - 1
    relative_position_index = relative_coords.sum(-1)  # [S, S]
    return relative_position_index.astype(np.int32)

def setup_inputs(seed: int = 0) -> dict:
    key = jax.random.key(seed)
    num_relative_distance = (2 * WH - 1) * (2 * WW - 1)
    # trunc_normal(std=0.02) approximated by normal * 0.02
    relative_position_bias_table = jax.random.normal(key, (num_relative_distance, NUM_HEADS), dtype=jnp.float32) * 0.02
    relative_position_index = jnp.asarray(_build_relative_position_index(WH, WW))
    return {
        'relative_position_bias_table': relative_position_bias_table,
        'relative_position_index': relative_position_index,
    }

def reference(relative_position_bias_table, relative_position_index):
    seqlen = relative_position_index.shape[0]
    num_heads = relative_position_bias_table.shape[1]
    flat_idx = relative_position_index.reshape(-1)
    bias = jnp.take(relative_position_bias_table, flat_idx, axis=0)  # [S*S, H]
    bias = bias.reshape(seqlen, seqlen, num_heads)
    return jnp.transpose(bias, (2, 0, 1))  # [H, S, S]

if __name__ == "__main__":
    import jax
    _d = setup_inputs()
    print(jax.jit(kernel)(*tuple(_d.values())))

</pallas_src>

<mosaic_0001>
#map = affine_map<(d0, d1) -> (0)>
#map1 = affine_map<(d0, d1) -> (0, 0)>
#map2 = affine_map<(d0, d1) -> (0, 0, 0)>
module attributes {stable_mosaic.version = 14 : i64} {
  func.func @run(%arg0: i32, %arg1: i32, %arg2: memref<63504xf32, #tpu.memory_space<hbm>>, %arg3: memref<1024x1024xi32, #tpu.memory_space<hbm>>, %arg4: memref<16x1024x1024xf32, #tpu.memory_space<hbm>>, %arg5: memref<31752xf32, #tpu.memory_space<vmem>>, %arg6: memref<16x1024xi32, #tpu.memory_space<vmem>>, %arg7: memref<64x1024xf32, #tpu.memory_space<vmem>>, %arg8: memref<2x!tpu.dma_semaphore, #tpu.memory_space<semaphore_mem>>, %arg9: memref<2x!tpu.dma_semaphore, #tpu.memory_space<semaphore_mem>>) attributes {dimension_semantics = [#tpu.dimension_semantics<core_parallel>, #tpu.dimension_semantics<subcore_parallel>], iteration_bounds = array<i64: 2, 16>, scalar_prefetch = 0 : i64, scratch_operands = 5 : i64, tpu.core_type = #tpu.core_type<sc_vector_subcore>, window_params = [{transform_indices = #map}, {transform_indices = #map1}, {transform_indices = #map2}]} {
    %mul3A = arith.constant 2 : i32
    %mul3A_0 = arith.muli %arg1, %mul3A : i32
    %add3A = arith.addi %mul3A_0, %arg0 : i32
    %jit3A = arith.constant 16 : i32
    %div3A = arith.divsi %add3A, %jit3A : i32
    %sign3A = arith.constant 0 : i32
    %sign3A_1 = arith.cmpi sgt, %add3A, %sign3A : i32
    %sign3A_2 = arith.extui %sign3A_1 : i1 to i32
    %sign3A_3 = arith.constant 0 : i32
    %sign3A_4 = arith.cmpi slt, %add3A, %sign3A_3 : i32
    %sign3A_5 = arith.extui %sign3A_4 : i1 to i32
    %sign3A_6 = arith.subi %sign3A_2, %sign3A_5 : i32
    %sign3A_7 = arith.constant 0 : i32
    %sign3A_8 = arith.cmpi sgt, %jit3A, %sign3A_7 : i32
    %sign3A_9 = arith.extui %sign3A_8 : i1 to i32
    %sign3A_10 = arith.constant 0 : i32
    %sign3A_11 = arith.cmpi slt, %jit3A, %sign3A_10 : i32
    %sign3A_12 = arith.extui %sign3A_11 : i1 to i32
    %sign3A_13 = arith.subi %sign3A_9, %sign3A_12 : i32
    %ne3A = arith.cmpi ne, %sign3A_6, %sign3A_13 : i32
    %rem3A = arith.remsi %add3A, %jit3A : i32
    %ne3A_14 = arith.constant 0 : i32
    %ne3A_15 = arith.cmpi ne, %rem3A, %ne3A_14 : i32
    %and3A = arith.andi %ne3A, %ne3A_15 : i1
    %sub3A = arith.constant 1 : i32
    %sub3A_16 = arith.subi %div3A, %sub3A : i32
    %select_n3A = arith.select %and3A, %sub3A_16, %div3A : i32
    %rem3A_17 = arith.constant 16 : i32
    %rem3A_18 = arith.remsi %add3A, %rem3A_17 : i32
    %mul3A_19 = arith.constant 8 : i32
    %mul3A_20 = arith.muli %select_n3A, %mul3A_19 : i32
    %mul3A_21 = arith.constant 64 : i32
    %mul3A_22 = arith.muli %rem3A_18, %mul3A_21 : i32
    %dma_start3A = arith.constant 0 : i32
    %dma_start3A_23 = arith.constant 0 : i32
    %dma_start3A_24 = arith.constant 0 : i32
    %dma_start3A_25 = tpu.memref_slice %arg6[%dma_start3A_23, %dma_start3A_24] : memref<16x1024xi32, #tpu.memory_space<vmem>> -> memref<8x1024xi32, #tpu.memory_space<vmem>>
    %dma_start3A_26 = arith.constant 0 : i32
    %dma_start3A_27 = tpu.memref_slice %arg3[%mul3A_22, %dma_start3A_26] : memref<1024x1024xi32, #tpu.memory_space<hbm>> -> memref<8x1024xi32, #tpu.memory_space<hbm>>
    %dma_start3A_28 = tpu.memref_slice %arg8[%dma_start3A] : memref<2x!tpu.dma_semaphore, #tpu.memory_space<semaphore_mem>> -> memref<1x!tpu.dma_semaphore, #tpu.memory_space<semaphore_mem>>
    %dma_start3A_29 = tpu.memref_squeeze %dma_start3A_28 : memref<1x!tpu.dma_semaphore, #tpu.memory_space<semaphore_mem>> -> memref<!tpu.dma_semaphore, #tpu.memory_space<semaphore_mem>>
    %dma_start3A_30 = arith.constant 0 : i32
    %dma_start3A_31 = arith.constant 0 : i32
    %dma_start3A_32 = tpu.memref_slice %arg6[%dma_start3A_30, %dma_start3A_31] : memref<16x1024xi32, #tpu.memory_space<vmem>> -> memref<8x1024xi32, #tpu.memory_space<vmem>>
    %dma_start3A_33 = arith.constant 0 : i32
    %dma_start3A_34 = tpu.memref_slice %arg3[%mul3A_22, %dma_start3A_33] : memref<1024x1024xi32, #tpu.memory_space<hbm>> -> memref<8x1024xi32, #tpu.memory_space<hbm>>
    tpu.enqueue_dma source(%dma_start3A_34 : memref<8x1024xi32, #tpu.memory_space<hbm>>) target(%dma_start3A_32 : memref<8x1024xi32, #tpu.memory_space<vmem>>) target_semaphore(%dma_start3A_29 : memref<!tpu.dma_semaphore, #tpu.memory_space<semaphore_mem>>)
    %mul3A_35 = arith.constant 3969 : i32
    %mul3A_36 = arith.muli %mul3A_20, %mul3A_35 : i32
    "tpu.region"() ({
      %run_scoped3A = tpu.sem_alloc : memref<!tpu.dma_semaphore, #tpu.memory_space<semaphore_mem>>
      %dma_start3A_178 = tpu.memref_slice %arg2[%mul3A_36] : memref<63504xf32, #tpu.memory_space<hbm>> -> memref<31752xf32, #tpu.memory_space<hbm>>
      %dma_start3A_179 = tpu.memref_slice %arg2[%mul3A_36] : memref<63504xf32, #tpu.memory_space<hbm>> -> memref<31752xf32, #tpu.memory_space<hbm>>
      tpu.enqueue_dma source(%dma_start3A_179 : memref<31752xf32, #tpu.memory_space<hbm>>) target(%arg5 : memref<31752xf32, #tpu.memory_space<vmem>>) target_semaphore(%run_scoped3A : memref<!tpu.dma_semaphore, #tpu.memory_space<semaphore_mem>>)
      %dma_wait3A_180 = tpu.memref_slice %arg2[%mul3A_36] : memref<63504xf32, #tpu.memory_space<hbm>> -> memref<31752xf32, #tpu.memory_space<hbm>>
      %dma_wait3A_181 = tpu.memref_slice %arg2[%mul3A_36] : memref<63504xf32, #tpu.memory_space<hbm>> -> memref<31752xf32, #tpu.memory_space<hbm>>
      tpu.wait_dma2 semaphore(%run_scoped3A : memref<!tpu.dma_semaphore, #tpu.memory_space<semaphore_mem>>) src(%dma_wait3A_181 : memref<31752xf32, #tpu.memory_space<hbm>>) dst(%arg5 : memref<31752xf32, #tpu.memory_space<vmem>>)
      tpu.yield
    }) : () -> ()
    %scan3A = arith.constant 0 : i32
    %scan3A_37 = arith.constant 0 : i32
    %scan3A_38 = arith.constant 16 : i32
    %scan3A_39 = arith.addi %scan3A_37, %scan3A_38 : i32
    %scan3A_40 = arith.constant 1 : i32
    %scan3A_41 = scf.for %scan3A_178 = %scan3A_37 to %scan3A_39 step %scan3A_40 iter_args(%scan3A_179 = %scan3A) -> (i32)  : i32 {
      %jit3A_180 = arith.constant 2 : i32
      %div3A_181 = arith.divsi %scan3A_178, %jit3A_180 : i32
      %sign3A_182 = arith.constant 0 : i32
      %sign3A_183 = arith.cmpi sgt, %scan3A_178, %sign3A_182 : i32
      %sign3A_184 = arith.extui %sign3A_183 : i1 to i32
      %sign3A_185 = arith.constant 0 : i32
      %sign3A_186 = arith.cmpi slt, %scan3A_178, %sign3A_185 : i32
      %sign3A_187 = arith.extui %sign3A_186 : i1 to i32
      %sign3A_188 = arith.subi %sign3A_184, %sign3A_187 : i32
      %sign3A_189 = arith.constant 0 : i32
      %sign3A_190 = arith.cmpi sgt, %jit3A_180, %sign3A_189 : i32
      %sign3A_191 = arith.extui %sign3A_190 : i1 to i32
      %sign3A_192 = arith.constant 0 : i32
      %sign3A_193 = arith.cmpi slt, %jit3A_180, %sign3A_192 : i32
      %sign3A_194 = arith.extui %sign3A_193 : i1 to i32
      %sign3A_195 = arith.subi %sign3A_191, %sign3A_194 : i32
      %ne3A_196 = arith.cmpi ne, %sign3A_188, %sign3A_195 : i32
      %rem3A_197 = arith.remsi %scan3A_178, %jit3A_180 : i32
      %ne3A_198 = arith.constant 0 : i32
      %ne3A_199 = arith.cmpi ne, %rem3A_197, %ne3A_198 : i32
      %and3A_200 = arith.andi %ne3A_196, %ne3A_199 : i1
      %sub3A_201 = arith.constant 1 : i32
      %sub3A_202 = arith.subi %div3A_181, %sub3A_201 : i32
      %select_n3A_203 = arith.select %and3A_200, %sub3A_202, %div3A_181 : i32
      %mul3A_204 = arith.constant 2 : i32
      %mul3A_205 = arith.muli %select_n3A_203, %mul3A_204 : i32
      %sub3A_206 = arith.subi %scan3A_178, %mul3A_205 : i32
      %rem3A_207 = arith.constant 2 : i32
      %rem3A_208 = arith.remsi %select_n3A_203, %rem3A_207 : i32
      %rem3A_209 = arith.constant 2 : i32
      %rem3A_210 = arith.remsi %scan3A_178, %rem3A_209 : i32
      %mul3A_211 = arith.constant 4 : i32
      %mul3A_212 = arith.muli %sub3A_206, %mul3A_211 : i32
      %add3A_213 = arith.addi %mul3A_20, %mul3A_212 : i32
      %mul3A_214 = arith.constant 4 : i32
      %mul3A_215 = arith.muli %sub3A_206, %mul3A_214 : i32
      %mul3A_216 = arith.constant 8 : i32
      %mul3A_217 = arith.muli %select_n3A_203, %mul3A_216 : i32
      %add3A_218 = arith.addi %mul3A_22, %mul3A_217 : i32
      %eq3A = arith.constant 0 : i32
      %eq3A_219 = arith.cmpi eq, %sub3A_206, %eq3A : i32
      %add3A_220 = arith.constant 1 : i32
      %add3A_221 = arith.addi %select_n3A_203, %add3A_220 : i32
      %lt3A = arith.constant 8 : i32
      %lt3A_222 = arith.cmpi slt, %add3A_221, %lt3A : i32
      %and3A_223 = arith.andi %eq3A_219, %lt3A_222 : i1
      %convert_element_type3A = arith.extui %and3A_223 : i1 to i32
      %cond3A = arith.constant 0 : i32
      %cond3A_224 = arith.cmpi ne, %convert_element_type3A, %cond3A : i32
      scf.if %cond3A_224 {
        %add3A_328 = arith.constant 8 : i32
        %add3A_329 = arith.addi %add3A_218, %add3A_328 : i32
        %sub3A_330 = arith.constant 1 : i32
        %sub3A_331 = arith.subi %sub3A_330, %rem3A_208 : i32
        %mul3A_332 = arith.constant 8 : i32
        %mul3A_333 = arith.muli %sub3A_331, %mul3A_332 : i32
        %sub3A_334 = arith.constant 1 : i32
        %sub3A_335 = arith.subi %sub3A_334, %rem3A_208 : i32
        %dma_start3A_336 = arith.constant 0 : i32
        %dma_start3A_337 = tpu.memref_slice %arg6[%mul3A_333, %dma_start3A_336] : memref<16x1024xi32, #tpu.memory_space<vmem>> -> memref<8x1024xi32, #tpu.memory_space<vmem>>
        %dma_start3A_338 = arith.constant 0 : i32
        %dma_start3A_339 = tpu.memref_slice %arg3[%add3A_329, %dma_start3A_338] : memref<1024x1024xi32, #tpu.memory_space<hbm>> -> memref<8x1024xi32, #tpu.memory_space<hbm>>
        %dma_start3A_340 = tpu.memref_slice %arg8[%sub3A_335] : memref<2x!tpu.dma_semaphore, #tpu.memory_space<semaphore_mem>> -> memref<1x!tpu.dma_semaphore, #tpu.memory_space<semaphore_mem>>
        %dma_start3A_341 = tpu.memref_squeeze %dma_start3A_340 : memref<1x!tpu.dma_semaphore, #tpu.memory_space<semaphore_mem>> -> memref<!tpu.dma_semaphore, #tpu.memory_space<semaphore_mem>>
        %dma_start3A_342 = arith.constant 0 : i32
        %dma_start3A_343 = tpu.memref_slice %arg6[%mul3A_333, %dma_start3A_342] : memref<16x1024xi32, #tpu.memory_space<vmem>> -> memref<8x1024xi32, #tpu.memory_space<vmem>>
        %dma_start3A_344 = arith.constant 0 : i32
        %dma_start3A_345 = tpu.memref_slice %arg3[%add3A_329, %dma_start3A_344] : memref<1024x1024xi32, #tpu.memory_space<hbm>> -> memref<8x1024xi32, #tpu.memory_space<hbm>>
        tpu.enqueue_dma source(%dma_start3A_345 : memref<8x1024xi32, #tpu.memory_space<hbm>>) target(%dma_start3A_343 : memref<8x1024xi32, #tpu.memory_space<vmem>>) target_semaphore(%dma_start3A_341 : memref<!tpu.dma_semaphore, #tpu.memory_space<semaphore_mem>>)
      } else {
      }
      %eq3A_225 = arith.constant 0 : i32
      %eq3A_226 = arith.cmpi eq, %sub3A_206, %eq3A_225 : i32
      %convert_element_type3A_227 = arith.extui %eq3A_226 : i1 to i32
      %cond3A_228 = arith.constant 0 : i32
      %cond3A_229 = arith.cmpi ne, %convert_element_type3A_227, %cond3A_228 : i32
      scf.if %cond3A_229 {
        %mul3A_328 = arith.constant 8 : i32
        %mul3A_329 = arith.muli %rem3A_208, %mul3A_328 : i32
        %dma_wait3A_330 = arith.constant 0 : i32
        %dma_wait3A_331 = tpu.memref_slice %arg6[%mul3A_329, %dma_wait3A_330] : memref<16x1024xi32, #tpu.memory_space<vmem>> -> memref<8x1024xi32, #tpu.memory_space<vmem>>
        %dma_wait3A_332 = arith.constant 0 : i32
        %dma_wait3A_333 = tpu.memref_slice %arg3[%add3A_218, %dma_wait3A_332] : memref<1024x1024xi32, #tpu.memory_space<hbm>> -> memref<8x1024xi32, #tpu.memory_space<hbm>>
        %dma_wait3A_334 = tpu.memref_slice %arg8[%rem3A_208] : memref<2x!tpu.dma_semaphore, #tpu.memory_space<semaphore_mem>> -> memref<1x!tpu.dma_semaphore, #tpu.memory_space<semaphore_mem>>
        %dma_wait3A_335 = tpu.memref_squeeze %dma_wait3A_334 : memref<1x!tpu.dma_semaphore, #tpu.memory_space<semaphore_mem>> -> memref<!tpu.dma_semaphore, #tpu.memory_space<semaphore_mem>>
        %dma_wait3A_336 = arith.constant 0 : i32
        %dma_wait3A_337 = tpu.memref_slice %arg6[%mul3A_329, %dma_wait3A_336] : memref<16x1024xi32, #tpu.memory_space<vmem>> -> memref<8x1024xi32, #tpu.memory_space<vmem>>
        %dma_wait3A_338 = arith.constant 0 : i32
        %dma_wait3A_339 = tpu.memref_slice %arg3[%add3A_218, %dma_wait3A_338] : memref<1024x1024xi32, #tpu.memory_space<hbm>> -> memref<8x1024xi32, #tpu.memory_space<hbm>>
        tpu.wait_dma2 semaphore(%dma_wait3A_335 : memref<!tpu.dma_semaphore, #tpu.memory_space<semaphore_mem>>) src(%dma_wait3A_339 : memref<8x1024xi32, #tpu.memory_space<hbm>>) dst(%dma_wait3A_337 : memref<8x1024xi32, #tpu.memory_space<vmem>>)
      } else {
      }
      %ge3A = arith.constant 2 : i32
      %ge3A_230 = arith.cmpi sge, %scan3A_178, %ge3A : i32
      %convert_element_type3A_231 = arith.extui %ge3A_230 : i1 to i32
      %cond3A_232 = arith.constant 0 : i32
      %cond3A_233 = arith.cmpi ne, %convert_element_type3A_231, %cond3A_232 : i32
      scf.if %cond3A_233 {
        %mul3A_328 = arith.constant 4 : i32
        %mul3A_329 = arith.muli %rem3A_210, %mul3A_328 : i32
        %add3A_330 = arith.constant 0 : i32
        %add3A_331 = arith.addi %mul3A_329, %add3A_330 : i32
        %mul3A_332 = arith.constant 8 : i32
        %mul3A_333 = arith.muli %add3A_331, %mul3A_332 : i32
        %add3A_334 = arith.constant 0 : i32
        %add3A_335 = arith.addi %add3A_213, %add3A_334 : i32
        %dma_wait3A_336 = arith.constant 0 : i32
        %dma_wait3A_337 = tpu.memref_slice %arg7[%mul3A_333, %dma_wait3A_336] : memref<64x1024xf32, #tpu.memory_space<vmem>> -> memref<8x1024xf32, #tpu.memory_space<vmem>>
        %dma_wait3A_338 = arith.constant 0 : i32
        %dma_wait3A_339 = tpu.memref_slice %arg4[%add3A_335, %add3A_218, %dma_wait3A_338] : memref<16x1024x1024xf32, #tpu.memory_space<hbm>> -> memref<1x8x1024xf32, #tpu.memory_space<hbm>>
        %dma_wait3A_340 = tpu.memref_squeeze %dma_wait3A_339 : memref<1x8x1024xf32, #tpu.memory_space<hbm>> -> memref<8x1024xf32, #tpu.memory_space<hbm>>
        %dma_wait3A_341 = tpu.memref_slice %arg9[%rem3A_210] : memref<2x!tpu.dma_semaphore, #tpu.memory_space<semaphore_mem>> -> memref<1x!tpu.dma_semaphore, #tpu.memory_space<semaphore_mem>>
        %dma_wait3A_342 = tpu.memref_squeeze %dma_wait3A_341 : memref<1x!tpu.dma_semaphore, #tpu.memory_space<semaphore_mem>> -> memref<!tpu.dma_semaphore, #tpu.memory_space<semaphore_mem>>
        %dma_wait3A_343 = arith.constant 0 : i32
        %dma_wait3A_344 = tpu.memref_slice %arg4[%add3A_335, %add3A_218, %dma_wait3A_343] : memref<16x1024x1024xf32, #tpu.memory_space<hbm>> -> memref<1x8x1024xf32, #tpu.memory_space<hbm>>
        %dma_wait3A_345 = tpu.memref_squeeze %dma_wait3A_344 : memref<1x8x1024xf32, #tpu.memory_space<hbm>> -> memref<8x1024xf32, #tpu.memory_space<hbm>>
        %dma_wait3A_346 = arith.constant 0 : i32
        %dma_wait3A_347 = tpu.memref_slice %arg7[%mul3A_333, %dma_wait3A_346] : memref<64x1024xf32, #tpu.memory_space<vmem>> -> memref<8x1024xf32, #tpu.memory_space<vmem>>
        tpu.wait_dma2 semaphore(%dma_wait3A_342 : memref<!tpu.dma_semaphore, #tpu.memory_space<semaphore_mem>>) src(%dma_wait3A_347 : memref<8x1024xf32, #tpu.memory_space<vmem>>) dst(%dma_wait3A_345 : memref<8x1024xf32, #tpu.memory_space<hbm>>)
        %mul3A_348 = arith.constant 4 : i32
        %mul3A_349 = arith.muli %rem3A_210, %mul3A_348 : i32
        %add3A_350 = arith.constant 1 : i32
        %add3A_351 = arith.addi %mul3A_349, %add3A_350 : i32
        %mul3A_352 = arith.constant 8 : i32
        %mul3A_353 = arith.muli %add3A_351, %mul3A_352 : i32
        %add3A_354 = arith.constant 1 : i32
        %add3A_355 = arith.addi %add3A_213, %add3A_354 : i32
        %dma_wait3A_356 = arith.constant 0 : i32
        %dma_wait3A_357 = tpu.memref_slice %arg7[%mul3A_353, %dma_wait3A_356] : memref<64x1024xf32, #tpu.memory_space<vmem>> -> memref<8x1024xf32, #tpu.memory_space<vmem>>
        %dma_wait3A_358 = arith.constant 0 : i32
        %dma_wait3A_359 = tpu.memref_slice %arg4[%add3A_355, %add3A_218, %dma_wait3A_358] : memref<16x1024x1024xf32, #tpu.memory_space<hbm>> -> memref<1x8x1024xf32, #tpu.memory_space<hbm>>
        %dma_wait3A_360 = tpu.memref_squeeze %dma_wait3A_359 : memref<1x8x1024xf32, #tpu.memory_space<hbm>> -> memref<8x1024xf32, #tpu.memory_space<hbm>>
        %dma_wait3A_361 = tpu.memref_slice %arg9[%rem3A_210] : memref<2x!tpu.dma_semaphore, #tpu.memory_space<semaphore_mem>> -> memref<1x!tpu.dma_semaphore, #tpu.memory_space<semaphore_mem>>
        %dma_wait3A_362 = tpu.memref_squeeze %dma_wait3A_361 : memref<1x!tpu.dma_semaphore, #tpu.memory_space<semaphore_mem>> -> memref<!tpu.dma_semaphore, #tpu.memory_space<semaphore_mem>>
        %dma_wait3A_363 = arith.constant 0 : i32
        %dma_wait3A_364 = tpu.memref_slice %arg4[%add3A_355, %add3A_218, %dma_wait3A_363] : memref<16x1024x1024xf32, #tpu.memory_space<hbm>> -> memref<1x8x1024xf32, #tpu.memory_space<hbm>>
        %dma_wait3A_365 = tpu.memref_squeeze %dma_wait3A_364 : memref<1x8x1024xf32, #tpu.memory_space<hbm>> -> memref<8x1024xf32, #tpu.memory_space<hbm>>
        %dma_wait3A_366 = arith.constant 0 : i32
        %dma_wait3A_367 = tpu.memref_slice %arg7[%mul3A_353, %dma_wait3A_366] : memref<64x1024xf32, #tpu.memory_space<vmem>> -> memref<8x1024xf32, #tpu.memory_space<vmem>>
        tpu.wait_dma2 semaphore(%dma_wait3A_362 : memref<!tpu.dma_semaphore, #tpu.memory_space<semaphore_mem>>) src(%dma_wait3A_367 : memref<8x1024xf32, #tpu.memory_space<vmem>>) dst(%dma_wait3A_365 : memref<8x1024xf32, #tpu.memory_space<hbm>>)
        %mul3A_368 = arith.constant 4 : i32
        %mul3A_369 = arith.muli %rem3A_210, %mul3A_368 : i32
        %add3A_370 = arith.constant 2 : i32
        %add3A_371 = arith.addi %mul3A_369, %add3A_370 : i32
        %mul3A_372 = arith.constant 8 : i32
        %mul3A_373 = arith.muli %add3A_371, %mul3A_372 : i32
        %add3A_374 = arith.constant 2 : i32
        %add3A_375 = arith.addi %add3A_213, %add3A_374 : i32
        %dma_wait3A_376 = arith.constant 0 : i32
        %dma_wait3A_377 = tpu.memref_slice %arg7[%mul3A_373, %dma_wait3A_376] : memref<64x1024xf32, #tpu.memory_space<vmem>> -> memref<8x1024xf32, #tpu.memory_space<vmem>>
        %dma_wait3A_378 = arith.constant 0 : i32
        %dma_wait3A_379 = tpu.memref_slice %arg4[%add3A_375, %add3A_218, %dma_wait3A_378] : memref<16x1024x1024xf32, #tpu.memory_space<hbm>> -> memref<1x8x1024xf32, #tpu.memory_space<hbm>>
        %dma_wait3A_380 = tpu.memref_squeeze %dma_wait3A_379 : memref<1x8x1024xf32, #tpu.memory_space<hbm>> -> memref<8x1024xf32, #tpu.memory_space<hbm>>
        %dma_wait3A_381 = tpu.memref_slice %arg9[%rem3A_210] : memref<2x!tpu.dma_semaphore, #tpu.memory_space<semaphore_mem>> -> memref<1x!tpu.dma_semaphore, #tpu.memory_space<semaphore_mem>>
        %dma_wait3A_382 = tpu.memref_squeeze %dma_wait3A_381 : memref<1x!tpu.dma_semaphore, #tpu.memory_space<semaphore_mem>> -> memref<!tpu.dma_semaphore, #tpu.memory_space<semaphore_mem>>
        %dma_wait3A_383 = arith.constant 0 : i32
        %dma_wait3A_384 = tpu.memref_slice %arg4[%add3A_375, %add3A_218, %dma_wait3A_383] : memref<16x1024x1024xf32, #tpu.memory_space<hbm>> -> memref<1x8x1024xf32, #tpu.memory_space<hbm>>
        %dma_wait3A_385 = tpu.memref_squeeze %dma_wait3A_384 : memref<1x8x1024xf32, #tpu.memory_space<hbm>> -> memref<8x1024xf32, #tpu.memory_space<hbm>>
        %dma_wait3A_386 = arith.constant 0 : i32
        %dma_wait3A_387 = tpu.memref_slice %arg7[%mul3A_373, %dma_wait3A_386] : memref<64x1024xf32, #tpu.memory_space<vmem>> -> memref<8x1024xf32, #tpu.memory_space<vmem>>
        tpu.wait_dma2 semaphore(%dma_wait3A_382 : memref<!tpu.dma_semaphore, #tpu.memory_space<semaphore_mem>>) src(%dma_wait3A_387 : memref<8x1024xf32, #tpu.memory_space<vmem>>) dst(%dma_wait3A_385 : memref<8x1024xf32, #tpu.memory_space<hbm>>)
        %mul3A_388 = arith.constant 4 : i32
        %mul3A_389 = arith.muli %rem3A_210, %mul3A_388 : i32
        %add3A_390 = arith.constant 3 : i32
        %add3A_391 = arith.addi %mul3A_389, %add3A_390 : i32
        %mul3A_392 = arith.constant 8 : i32
        %mul3A_393 = arith.muli %add3A_391, %mul3A_392 : i32
        %add3A_394 = arith.constant 3 : i32
        %add3A_395 = arith.addi %add3A_213, %add3A_394 : i32
        %dma_wait3A_396 = arith.constant 0 : i32
        %dma_wait3A_397 = tpu.memref_slice %arg7[%mul3A_393, %dma_wait3A_396] : memref<64x1024xf32, #tpu.memory_space<vmem>> -> memref<8x1024xf32, #tpu.memory_space<vmem>>
        %dma_wait3A_398 = arith.constant 0 : i32
        %dma_wait3A_399 = tpu.memref_slice %arg4[%add3A_395, %add3A_218, %dma_wait3A_398] : memref<16x1024x1024xf32, #tpu.memory_space<hbm>> -> memref<1x8x1024xf32, #tpu.memory_space<hbm>>
        %dma_wait3A_400 = tpu.memref_squeeze %dma_wait3A_399 : memref<1x8x1024xf32, #tpu.memory_space<hbm>> -> memref<8x1024xf32, #tpu.memory_space<hbm>>
        %dma_wait3A_401 = tpu.memref_slice %arg9[%rem3A_210] : memref<2x!tpu.dma_semaphore, #tpu.memory_space<semaphore_mem>> -> memref<1x!tpu.dma_semaphore, #tpu.memory_space<semaphore_mem>>
        %dma_wait3A_402 = tpu.memref_squeeze %dma_wait3A_401 : memref<1x!tpu.dma_semaphore, #tpu.memory_space<semaphore_mem>> -> memref<!tpu.dma_semaphore, #tpu.memory_space<semaphore_mem>>
        %dma_wait3A_403 = arith.constant 0 : i32
        %dma_wait3A_404 = tpu.memref_slice %arg4[%add3A_395, %add3A_218, %dma_wait3A_403] : memref<16x1024x1024xf32, #tpu.memory_space<hbm>> -> memref<1x8x1024xf32, #tpu.memory_space<hbm>>
        %dma_wait3A_405 = tpu.memref_squeeze %dma_wait3A_404 : memref<1x8x1024xf32, #tpu.memory_space<hbm>> -> memref<8x1024xf32, #tpu.memory_space<hbm>>
        %dma_wait3A_406 = arith.constant 0 : i32
        %dma_wait3A_407 = tpu.memref_slice %arg7[%mul3A_393, %dma_wait3A_406] : memref<64x1024xf32, #tpu.memory_space<vmem>> -> memref<8x1024xf32, #tpu.memory_space<vmem>>
        tpu.wait_dma2 semaphore(%dma_wait3A_402 : memref<!tpu.dma_semaphore, #tpu.memory_space<semaphore_mem>>) src(%dma_wait3A_407 : memref<8x1024xf32, #tpu.memory_space<vmem>>) dst(%dma_wait3A_405 : memref<8x1024xf32, #tpu.memory_space<hbm>>)
      } else {
      }
      %mul3A_234 = arith.constant 8 : i32
      %mul3A_235 = arith.muli %rem3A_208, %mul3A_234 : i32
      %mul3A_236 = arith.constant 4 : i32
      %mul3A_237 = arith.muli %rem3A_210, %mul3A_236 : i32
      %mul3A_238 = arith.constant 8 : i32
      %mul3A_239 = arith.muli %mul3A_237, %mul3A_238 : i32
      %parallel_loop3A = arith.constant 0 : i32
      %parallel_loop3A_240 = arith.constant 64 : i32
      %parallel_loop3A_241 = arith.constant 1 : i32
      scf.for %parallel_loop3A_328 = %parallel_loop3A to %parallel_loop3A_240 step %parallel_loop3A_241  : i32 {
        %parallel_loop3A_329 = arith.constant 0 : i32
        %parallel_loop3A_330 = arith.addi %mul3A_235, %parallel_loop3A_329 : i32
        %parallel_loop3A_331 = arith.constant 16 : i32
        %parallel_loop3A_332 = arith.muli %parallel_loop3A_328, %parallel_loop3A_331 : i32
        %parallel_loop3A_333 = arith.index_cast %parallel_loop3A_330 : i32 to index
        %parallel_loop3A_334 = arith.index_cast %parallel_loop3A_332 : i32 to index
        %parallel_loop3A_335 = tpu.vector_load %arg6[%parallel_loop3A_333, %parallel_loop3A_334] {strides = array<i32>} : memref<16x1024xi32, #tpu.memory_space<vmem>>, vector<16xi32>,
        %parallel_loop3A_336 = arith.constant 0 : i32
        %parallel_loop3A_337 = arith.addi %mul3A_215, %parallel_loop3A_336 : i32
        %parallel_loop3A_338 = arith.constant 3969 : i32
        %parallel_loop3A_339 = arith.muli %parallel_loop3A_337, %parallel_loop3A_338 : i32
        %parallel_loop3A_340 = vector.broadcast %parallel_loop3A_339 : i32 to vector<16xi32>
        %parallel_loop3A_341 = arith.addi %parallel_loop3A_340, %parallel_loop3A_335 : vector<16xi32>
        %parallel_loop3A_342 = tpu.vector_load_idx %arg5[%parallel_loop3A_341] : memref<31752xf32, #tpu.memory_space<vmem>>[vector<16xi32>], vector<16xf32>,
        %parallel_loop3A_343 = arith.constant 0 : i32
        %parallel_loop3A_344 = arith.addi %mul3A_239, %parallel_loop3A_343 : i32
        %parallel_loop3A_345 = arith.constant 0 : i32
        %parallel_loop3A_346 = arith.addi %parallel_loop3A_344, %parallel_loop3A_345 : i32
        %parallel_loop3A_347 = arith.constant 16 : i32
        %parallel_loop3A_348 = arith.muli %parallel_loop3A_328, %parallel_loop3A_347 : i32
        %parallel_loop3A_349 = arith.index_cast %parallel_loop3A_346 : i32 to index
        %parallel_loop3A_350 = arith.index_cast %parallel_loop3A_348 : i32 to index
        %parallel_loop3A_351 = tpu.vector_load %arg7[%parallel_loop3A_349, %parallel_loop3A_350] {strides = array<i32>} : memref<64x1024xf32, #tpu.memory_space<vmem>>, vector<16xf32>,
        tpu.vector_store %arg7[%parallel_loop3A_349, %parallel_loop3A_350], %parallel_loop3A_342 {strides = array<i32>} : memref<64x1024xf32, #tpu.memory_space<vmem>>, vector<16xf32>,
        %parallel_loop3A_352 = arith.constant 1 : i32
        %parallel_loop3A_353 = arith.addi %mul3A_215, %parallel_loop3A_352 : i32
        %parallel_loop3A_354 = arith.constant 3969 : i32
        %parallel_loop3A_355 = arith.muli %parallel_loop3A_353, %parallel_loop3A_354 : i32
        %parallel_loop3A_356 = vector.broadcast %parallel_loop3A_355 : i32 to vector<16xi32>
        %parallel_loop3A_357 = arith.addi %parallel_loop3A_356, %parallel_loop3A_335 : vector<16xi32>
        %parallel_loop3A_358 = tpu.vector_load_idx %arg5[%parallel_loop3A_357] : memref<31752xf32, #tpu.memory_space<vmem>>[vector<16xi32>], vector<16xf32>,
        %parallel_loop3A_359 = arith.constant 8 : i32
        %parallel_loop3A_360 = arith.addi %mul3A_239, %parallel_loop3A_359 : i32
        %parallel_loop3A_361 = arith.constant 0 : i32
        %parallel_loop3A_362 = arith.addi %parallel_loop3A_360, %parallel_loop3A_361 : i32
        %parallel_loop3A_363 = arith.constant 16 : i32
        %parallel_loop3A_364 = arith.muli %parallel_loop3A_328, %parallel_loop3A_363 : i32
        %parallel_loop3A_365 = arith.index_cast %parallel_loop3A_362 : i32 to index
        %parallel_loop3A_366 = arith.index_cast %parallel_loop3A_364 : i32 to index
        %parallel_loop3A_367 = tpu.vector_load %arg7[%parallel_loop3A_365, %parallel_loop3A_366] {strides = array<i32>} : memref<64x1024xf32, #tpu.memory_space<vmem>>, vector<16xf32>,
        tpu.vector_store %arg7[%parallel_loop3A_365, %parallel_loop3A_366], %parallel_loop3A_358 {strides = array<i32>} : memref<64x1024xf32, #tpu.memory_space<vmem>>, vector<16xf32>,
        %parallel_loop3A_368 = arith.constant 2 : i32
        %parallel_loop3A_369 = arith.addi %mul3A_215, %parallel_loop3A_368 : i32
        %parallel_loop3A_370 = arith.constant 3969 : i32
        %parallel_loop3A_371 = arith.muli %parallel_loop3A_369, %parallel_loop3A_370 : i32
        %parallel_loop3A_372 = vector.broadcast %parallel_loop3A_371 : i32 to vector<16xi32>
        %parallel_loop3A_373 = arith.addi %parallel_loop3A_372, %parallel_loop3A_335 : vector<16xi32>
        %parallel_loop3A_374 = tpu.vector_load_idx %arg5[%parallel_loop3A_373] : memref<31752xf32, #tpu.memory_space<vmem>>[vector<16xi32>], vector<16xf32>,
        %parallel_loop3A_375 = arith.constant 16 : i32
        %parallel_loop3A_376 = arith.addi %mul3A_239, %parallel_loop3A_375 : i32
        %parallel_loop3A_377 = arith.constant 0 : i32
        %parallel_loop3A_378 = arith.addi %parallel_loop3A_376, %parallel_loop3A_377 : i32
        %parallel_loop3A_379 = arith.constant 16 : i32
        %parallel_loop3A_380 = arith.muli %parallel_loop3A_328, %parallel_loop3A_379 : i32
        %parallel_loop3A_381 = arith.index_cast %parallel_loop3A_378 : i32 to index
        %parallel_loop3A_382 = arith.index_cast %parallel_loop3A_380 : i32 to index
        %parallel_loop3A_383 = tpu.vector_load %arg7[%parallel_loop3A_381, %parallel_loop3A_382] {strides = array<i32>} : memref<64x1024xf32, #tpu.memory_space<vmem>>, vector<16xf32>,
        tpu.vector_store %arg7[%parallel_loop3A_381, %parallel_loop3A_382], %parallel_loop3A_374 {strides = array<i32>} : memref<64x1024xf32, #tpu.memory_space<vmem>>, vector<16xf32>,
        %parallel_loop3A_384 = arith.constant 3 : i32
        %parallel_loop3A_385 = arith.addi %mul3A_215, %parallel_loop3A_384 : i32
        %parallel_loop3A_386 = arith.constant 3969 : i32
        %parallel_loop3A_387 = arith.muli %parallel_loop3A_385, %parallel_loop3A_386 : i32
        %parallel_loop3A_388 = vector.broadcast %parallel_loop3A_387 : i32 to vector<16xi32>
        %parallel_loop3A_389 = arith.addi %parallel_loop3A_388, %parallel_loop3A_335 : vector<16xi32>
        %parallel_loop3A_390 = tpu.vector_load_idx %arg5[%parallel_loop3A_389] : memref<31752xf32, #tpu.memory_space<vmem>>[vector<16xi32>], vector<16xf32>,
        %parallel_loop3A_391 = arith.constant 24 : i32
        %parallel_loop3A_392 = arith.addi %mul3A_239, %parallel_loop3A_391 : i32
        %parallel_loop3A_393 = arith.constant 0 : i32
        %parallel_loop3A_394 = arith.addi %parallel_loop3A_392, %parallel_loop3A_393 : i32
        %parallel_loop3A_395 = arith.constant 16 : i32
        %parallel_loop3A_396 = arith.muli %parallel_loop3A_328, %parallel_loop3A_395 : i32
        %parallel_loop3A_397 = arith.index_cast %parallel_loop3A_394 : i32 to index
        %parallel_loop3A_398 = arith.index_cast %parallel_loop3A_396 : i32 to index
        %parallel_loop3A_399 = tpu.vector_load %arg7[%parallel_loop3A_397, %parallel_loop3A_398] {strides = array<i32>} : memref<64x1024xf32, #tpu.memory_space<vmem>>, vector<16xf32>,
        tpu.vector_store %arg7[%parallel_loop3A_397, %parallel_loop3A_398], %parallel_loop3A_390 {strides = array<i32>} : memref<64x1024xf32, #tpu.memory_space<vmem>>, vector<16xf32>,
      } {sc.loop_unroll_factor = 8 : i64, sc.parallel_access}
      %parallel_loop3A_242 = arith.constant 0 : i32
      %parallel_loop3A_243 = arith.constant 64 : i32
      %parallel_loop3A_244 = arith.constant 1 : i32
      scf.for %parallel_loop3A_328 = %parallel_loop3A_242 to %parallel_loop3A_243 step %parallel_loop3A_244  : i32 {
        %parallel_loop3A_329 = arith.constant 1 : i32
        %parallel_loop3A_330 = arith.addi %mul3A_235, %parallel_loop3A_329 : i32
        %parallel_loop3A_331 = arith.constant 16 : i32
        %parallel_loop3A_332 = arith.muli %parallel_loop3A_328, %parallel_loop3A_331 : i32
        %parallel_loop3A_333 = arith.index_cast %parallel_loop3A_330 : i32 to index
        %parallel_loop3A_334 = arith.index_cast %parallel_loop3A_332 : i32 to index
        %parallel_loop3A_335 = tpu.vector_load %arg6[%parallel_loop3A_333, %parallel_loop3A_334] {strides = array<i32>} : memref<16x1024xi32, #tpu.memory_space<vmem>>, vector<16xi32>,
        %parallel_loop3A_336 = arith.constant 0 : i32
        %parallel_loop3A_337 = arith.addi %mul3A_215, %parallel_loop3A_336 : i32
        %parallel_loop3A_338 = arith.constant 3969 : i32
        %parallel_loop3A_339 = arith.muli %parallel_loop3A_337, %parallel_loop3A_338 : i32
        %parallel_loop3A_340 = vector.broadcast %parallel_loop3A_339 : i32 to vector<16xi32>
        %parallel_loop3A_341 = arith.addi %parallel_loop3A_340, %parallel_loop3A_335 : vector<16xi32>
        %parallel_loop3A_342 = tpu.vector_load_idx %arg5[%parallel_loop3A_341] : memref<31752xf32, #tpu.memory_space<vmem>>[vector<16xi32>], vector<16xf32>,
        %parallel_loop3A_343 = arith.constant 0 : i32
        %parallel_loop3A_344 = arith.addi %mul3A_239, %parallel_loop3A_343 : i32
        %parallel_loop3A_345 = arith.constant 1 : i32
        %parallel_loop3A_346 = arith.addi %parallel_loop3A_344, %parallel_loop3A_345 : i32
        %parallel_loop3A_347 = arith.constant 16 : i32
        %parallel_loop3A_348 = arith.muli %parallel_loop3A_328, %parallel_loop3A_347 : i32
        %parallel_loop3A_349 = arith.index_cast %parallel_loop3A_346 : i32 to index
        %parallel_loop3A_350 = arith.index_cast %parallel_loop3A_348 : i32 to index
        %parallel_loop3A_351 = tpu.vector_load %arg7[%parallel_loop3A_349, %parallel_loop3A_350] {strides = array<i32>} : memref<64x1024xf32, #tpu.memory_space<vmem>>, vector<16xf32>,
        tpu.vector_store %arg7[%parallel_loop3A_349, %parallel_loop3A_350], %parallel_loop3A_342 {strides = array<i32>} : memref<64x1024xf32, #tpu.memory_space<vmem>>, vector<16xf32>,
        %parallel_loop3A_352 = arith.constant 1 : i32
        %parallel_loop3A_353 = arith.addi %mul3A_215, %parallel_loop3A_352 : i32
        %parallel_loop3A_354 = arith.constant 3969 : i32
        %parallel_loop3A_355 = arith.muli %parallel_loop3A_353, %parallel_loop3A_354 : i32
        %parallel_loop3A_356 = vector.broadcast %parallel_loop3A_355 : i32 to vector<16xi32>
        %parallel_loop3A_357 = arith.addi %parallel_loop3A_356, %parallel_loop3A_335 : vector<16xi32>
        %parallel_loop3A_358 = tpu.vector_load_idx %arg5[%parallel_loop3A_357] : memref<31752xf32, #tpu.memory_space<vmem>>[vector<16xi32>], vector<16xf32>,
        %parallel_loop3A_359 = arith.constant 8 : i32
        %parallel_loop3A_360 = arith.addi %mul3A_239, %parallel_loop3A_359 : i32
        %parallel_loop3A_361 = arith.constant 1 : i32
        %parallel_loop3A_362 = arith.addi %parallel_loop3A_360, %parallel_loop3A_361 : i32
        %parallel_loop3A_363 = arith.constant 16 : i32
        %parallel_loop3A_364 = arith.muli %parallel_loop3A_328, %parallel_loop3A_363 : i32
        %parallel_loop3A_365 = arith.index_cast %parallel_loop3A_362 : i32 to index
        %parallel_loop3A_366 = arith.index_cast %parallel_loop3A_364 : i32 to index
        %parallel_loop3A_367 = tpu.vector_load %arg7[%parallel_loop3A_365, %parallel_loop3A_366] {strides = array<i32>} : memref<64x1024xf32, #tpu.memory_space<vmem>>, vector<16xf32>,
        tpu.vector_store %arg7[%parallel_loop3A_365, %parallel_loop3A_366], %parallel_loop3A_358 {strides = array<i32>} : memref<64x1024xf32, #tpu.memory_space<vmem>>, vector<16xf32>,
        %parallel_loop3A_368 = arith.constant 2 : i32
        %parallel_loop3A_369 = arith.addi %mul3A_215, %parallel_loop3A_368 : i32
        %parallel_loop3A_370 = arith.constant 3969 : i32
        %parallel_loop3A_371 = arith.muli %parallel_loop3A_369, %parallel_loop3A_370 : i32
        %parallel_loop3A_372 = vector.broadcast %parallel_loop3A_371 : i32 to vector<16xi32>
        %parallel_loop3A_373 = arith.addi %parallel_loop3A_372, %parallel_loop3A_335 : vector<16xi32>
        %parallel_loop3A_374 = tpu.vector_load_idx %arg5[%parallel_loop3A_373] : memref<31752xf32, #tpu.memory_space<vmem>>[vector<16xi32>], vector<16xf32>,
        %parallel_loop3A_375 = arith.constant 16 : i32
        %parallel_loop3A_376 = arith.addi %mul3A_239, %parallel_loop3A_375 : i32
        %parallel_loop3A_377 = arith.constant 1 : i32
        %parallel_loop3A_378 = arith.addi %parallel_loop3A_376, %parallel_loop3A_377 : i32
        %parallel_loop3A_379 = arith.constant 16 : i32
        %parallel_loop3A_380 = arith.muli %parallel_loop3A_328, %parallel_loop3A_379 : i32
        %parallel_loop3A_381 = arith.index_cast %parallel_loop3A_378 : i32 to index
        %parallel_loop3A_382 = arith.index_cast %parallel_loop3A_380 : i32 to index
        %parallel_loop3A_383 = tpu.vector_load %arg7[%parallel_loop3A_381, %parallel_loop3A_382] {strides = array<i32>} : memref<64x1024xf32, #tpu.memory_space<vmem>>, vector<16xf32>,
        tpu.vector_store %arg7[%parallel_loop3A_381, %parallel_loop3A_382], %parallel_loop3A_374 {strides = array<i32>} : memref<64x1024xf32, #tpu.memory_space<vmem>>, vector<16xf32>,
        %parallel_loop3A_384 = arith.constant 3 : i32
        %parallel_loop3A_385 = arith.addi %mul3A_215, %parallel_loop3A_384 : i32
        %parallel_loop3A_386 = arith.constant 3969 : i32
        %parallel_loop3A_387 = arith.muli %parallel_loop3A_385, %parallel_loop3A_386 : i32
        %parallel_loop3A_388 = vector.broadcast %parallel_loop3A_387 : i32 to vector<16xi32>
        %parallel_loop3A_389 = arith.addi %parallel_loop3A_388, %parallel_loop3A_335 : vector<16xi32>
        %parallel_loop3A_390 = tpu.vector_load_idx %arg5[%parallel_loop3A_389] : memref<31752xf32, #tpu.memory_space<vmem>>[vector<16xi32>], vector<16xf32>,
        %parallel_loop3A_391 = arith.constant 24 : i32
        %parallel_loop3A_392 = arith.addi %mul3A_239, %parallel_loop3A_391 : i32
        %parallel_loop3A_393 = arith.constant 1 : i32
        %parallel_loop3A_394 = arith.addi %parallel_loop3A_392, %parallel_loop3A_393 : i32
        %parallel_loop3A_395 = arith.constant 16 : i32
        %parallel_loop3A_396 = arith.muli %parallel_loop3A_328, %parallel_loop3A_395 : i32
        %parallel_loop3A_397 = arith.index_cast %parallel_loop3A_394 : i32 to index
        %parallel_loop3A_398 = arith.index_cast %parallel_loop3A_396 : i32 to index
        %parallel_loop3A_399 = tpu.vector_load %arg7[%parallel_loop3A_397, %parallel_loop3A_398] {strides = array<i32>} : memref<64x1024xf32, #tpu.memory_space<vmem>>, vector<16xf32>,
        tpu.vector_store %arg7[%parallel_loop3A_397, %parallel_loop3A_398], %parallel_loop3A_390 {strides = array<i32>} : memref<64x1024xf32, #tpu.memory_space<vmem>>, vector<16xf32>,
      } {sc.loop_unroll_factor = 8 : i64, sc.parallel_access}
      %parallel_loop3A_245 = arith.constant 0 : i32
      %parallel_loop3A_246 = arith.constant 64 : i32
      %parallel_loop3A_247 = arith.constant 1 : i32
      scf.for %parallel_loop3A_328 = %parallel_loop3A_245 to %parallel_loop3A_246 step %parallel_loop3A_247  : i32 {
        %parallel_loop3A_329 = arith.constant 2 : i32
        %parallel_loop3A_330 = arith.addi %mul3A_235, %parallel_loop3A_329 : i32
        %parallel_loop3A_331 = arith.constant 16 : i32
        %parallel_loop3A_332 = arith.muli %parallel_loop3A_328, %parallel_loop3A_331 : i32
        %parallel_loop3A_333 = arith.index_cast %parallel_loop3A_330 : i32 to index
        %parallel_loop3A_334 = arith.index_cast %parallel_loop3A_332 : i32 to index
        %parallel_loop3A_335 = tpu.vector_load %arg6[%parallel_loop3A_333, %parallel_loop3A_334] {strides = array<i32>} : memref<16x1024xi32, #tpu.memory_space<vmem>>, vector<16xi32>,
        %parallel_loop3A_336 = arith.constant 0 : i32
        %parallel_loop3A_337 = arith.addi %mul3A_215, %parallel_loop3A_336 : i32
        %parallel_loop3A_338 = arith.constant 3969 : i32
        %parallel_loop3A_339 = arith.muli %parallel_loop3A_337, %parallel_loop3A_338 : i32
        %parallel_loop3A_340 = vector.broadcast %parallel_loop3A_339 : i32 to vector<16xi32>
        %parallel_loop3A_341 = arith.addi %parallel_loop3A_340, %parallel_loop3A_335 : vector<16xi32>
        %parallel_loop3A_342 = tpu.vector_load_idx %arg5[%parallel_loop3A_341] : memref<31752xf32, #tpu.memory_space<vmem>>[vector<16xi32>], vector<16xf32>,
        %parallel_loop3A_343 = arith.constant 0 : i32
        %parallel_loop3A_344 = arith.addi %mul3A_239, %parallel_loop3A_343 : i32
        %parallel_loop3A_345 = arith.constant 2 : i32
        %parallel_loop3A_346 = arith.addi %parallel_loop3A_344, %parallel_loop3A_345 : i32
        %parallel_loop3A_347 = arith.constant 16 : i32
        %parallel_loop3A_348 = arith.muli %parallel_loop3A_328, %parallel_loop3A_347 : i32
        %parallel_loop3A_349 = arith.index_cast %parallel_loop3A_346 : i32 to index
        %parallel_loop3A_350 = arith.index_cast %parallel_loop3A_348 : i32 to index
        %parallel_loop3A_351 = tpu.vector_load %arg7[%parallel_loop3A_349, %parallel_loop3A_350] {strides = array<i32>} : memref<64x1024xf32, #tpu.memory_space<vmem>>, vector<16xf32>,
        tpu.vector_store %arg7[%parallel_loop3A_349, %parallel_loop3A_350], %parallel_loop3A_342 {strides = array<i32>} : memref<64x1024xf32, #tpu.memory_space<vmem>>, vector<16xf32>,
        %parallel_loop3A_352 = arith.constant 1 : i32
        %parallel_loop3A_353 = arith.addi %mul3A_215, %parallel_loop3A_352 : i32
        %parallel_loop3A_354 = arith.constant 3969 : i32
        %parallel_loop3A_355 = arith.muli %parallel_loop3A_353, %parallel_loop3A_354 : i32
        %parallel_loop3A_356 = vector.broadcast %parallel_loop3A_355 : i32 to vector<16xi32>
        %parallel_loop3A_357 = arith.addi %parallel_loop3A_356, %parallel_loop3A_335 : vector<16xi32>
        %parallel_loop3A_358 = tpu.vector_load_idx %arg5[%parallel_loop3A_357] : memref<31752xf32, #tpu.memory_space<vmem>>[vector<16xi32>], vector<16xf32>,
        %parallel_loop3A_359 = arith.constant 8 : i32
        %parallel_loop3A_360 = arith.addi %mul3A_239, %parallel_loop3A_359 : i32
        %parallel_loop3A_361 = arith.constant 2 : i32
        %parallel_loop3A_362 = arith.addi %parallel_loop3A_360, %parallel_loop3A_361 : i32
        %parallel_loop3A_363 = arith.constant 16 : i32
        %parallel_loop3A_364 = arith.muli %parallel_loop3A_328, %parallel_loop3A_363 : i32
        %parallel_loop3A_365 = arith.index_cast %parallel_loop3A_362 : i32 to index
        %parallel_loop3A_366 = arith.index_cast %parallel_loop3A_364 : i32 to index
        %parallel_loop3A_367 = tpu.vector_load %arg7[%parallel_loop3A_365, %parallel_loop3A_366] {strides = array<i32>} : memref<64x1024xf32, #tpu.memory_space<vmem>>, vector<16xf32>,
        tpu.vector_store %arg7[%parallel_loop3A_365, %parallel_loop3A_366], %parallel_loop3A_358 {strides = array<i32>} : memref<64x1024xf32, #tpu.memory_space<vmem>>, vector<16xf32>,
        %parallel_loop3A_368 = arith.constant 2 : i32
        %parallel_loop3A_369 = arith.addi %mul3A_215, %parallel_loop3A_368 : i32
        %parallel_loop3A_370 = arith.constant 3969 : i32
        %parallel_loop3A_371 = arith.muli %parallel_loop3A_369, %parallel_loop3A_370 : i32
        %parallel_loop3A_372 = vector.broadcast %parallel_loop3A_371 : i32 to vector<16xi32>
        %parallel_loop3A_373 = arith.addi %parallel_loop3A_372, %parallel_loop3A_335 : vector<16xi32>
        %parallel_loop3A_374 = tpu.vector_load_idx %arg5[%parallel_loop3A_373] : memref<31752xf32, #tpu.memory_space<vmem>>[vector<16xi32>], vector<16xf32>,
        %parallel_loop3A_375 = arith.constant 16 : i32
        %parallel_loop3A_376 = arith.addi %mul3A_239, %parallel_loop3A_375 : i32
        %parallel_loop3A_377 = arith.constant 2 : i32
        %parallel_loop3A_378 = arith.addi %parallel_loop3A_376, %parallel_loop3A_377 : i32
        %parallel_loop3A_379 = arith.constant 16 : i32
        %parallel_loop3A_380 = arith.muli %parallel_loop3A_328, %parallel_loop3A_379 : i32
        %parallel_loop3A_381 = arith.index_cast %parallel_loop3A_378 : i32 to index
        %parallel_loop3A_382 = arith.index_cast %parallel_loop3A_380 : i32 to index
        %parallel_loop3A_383 = tpu.vector_load %arg7[%parallel_loop3A_381, %parallel_loop3A_382] {strides = array<i32>} : memref<64x1024xf32, #tpu.memory_space<vmem>>, vector<16xf32>,
        tpu.vector_store %arg7[%parallel_loop3A_381, %parallel_loop3A_382], %parallel_loop3A_374 {strides = array<i32>} : memref<64x1024xf32, #tpu.memory_space<vmem>>, vector<16xf32>,
        %parallel_loop3A_384 = arith.constant 3 : i32
        %parallel_loop3A_385 = arith.addi %mul3A_215, %parallel_loop3A_384 : i32
        %parallel_loop3A_386 = arith.constant 3969 : i32
        %parallel_loop3A_387 = arith.muli %parallel_loop3A_385, %parallel_loop3A_386 : i32
        %parallel_loop3A_388 = vector.broadcast %parallel_loop3A_387 : i32 to vector<16xi32>
        %parallel_loop3A_389 = arith.addi %parallel_loop3A_388, %parallel_loop3A_335 : vector<16xi32>
        %parallel_loop3A_390 = tpu.vector_load_idx %arg5[%parallel_loop3A_389] : memref<31752xf32, #tpu.memory_space<vmem>>[vector<16xi32>], vector<16xf32>,
        %parallel_loop3A_391 = arith.constant 24 : i32
        %parallel_loop3A_392 = arith.addi %mul3A_239, %parallel_loop3A_391 : i32
        %parallel_loop3A_393 = arith.constant 2 : i32
        %parallel_loop3A_394 = arith.addi %parallel_loop3A_392, %parallel_loop3A_393 : i32
        %parallel_loop3A_395 = arith.constant 16 : i32
        %parallel_loop3A_396 = arith.muli %parallel_loop3A_328, %parallel_loop3A_395 : i32
        %parallel_loop3A_397 = arith.index_cast %parallel_loop3A_394 : i32 to index
        %parallel_loop3A_398 = arith.index_cast %parallel_loop3A_396 : i32 to index
        %parallel_loop3A_399 = tpu.vector_load %arg7[%parallel_loop3A_397, %parallel_loop3A_398] {strides = array<i32>} : memref<64x1024xf32, #tpu.memory_space<vmem>>, vector<16xf32>,
        tpu.vector_store %arg7[%parallel_loop3A_397, %parallel_loop3A_398], %parallel_loop3A_390 {strides = array<i32>} : memref<64x1024xf32, #tpu.memory_space<vmem>>, vector<16xf32>,
      } {sc.loop_unroll_factor = 8 : i64, sc.parallel_access}
      %parallel_loop3A_248 = arith.constant 0 : i32
      %parallel_loop3A_249 = arith.constant 64 : i32
      %parallel_loop3A_250 = arith.constant 1 : i32
      scf.for %parallel_loop3A_328 = %parallel_loop3A_248 to %parallel_loop3A_249 step %parallel_loop3A_250  : i32 {
        %parallel_loop3A_329 = arith.constant 3 : i32
        %parallel_loop3A_330 = arith.addi %mul3A_235, %parallel_loop3A_329 : i32
        %parallel_loop3A_331 = arith.constant 16 : i32
        %parallel_loop3A_332 = arith.muli %parallel_loop3A_328, %parallel_loop3A_331 : i32
        %parallel_loop3A_333 = arith.index_cast %parallel_loop3A_330 : i32 to index
        %parallel_loop3A_334 = arith.index_cast %parallel_loop3A_332 : i32 to index
        %parallel_loop3A_335 = tpu.vector_load %arg6[%parallel_loop3A_333, %parallel_loop3A_334] {strides = array<i32>} : memref<16x1024xi32, #tpu.memory_space<vmem>>, vector<16xi32>,
        %parallel_loop3A_336 = arith.constant 0 : i32
        %parallel_loop3A_337 = arith.addi %mul3A_215, %parallel_loop3A_336 : i32
        %parallel_loop3A_338 = arith.constant 3969 : i32
        %parallel_loop3A_339 = arith.muli %parallel_loop3A_337, %parallel_loop3A_338 : i32
        %parallel_loop3A_340 = vector.broadcast %parallel_loop3A_339 : i32 to vector<16xi32>
        %parallel_loop3A_341 = arith.addi %parallel_loop3A_340, %parallel_loop3A_335 : vector<16xi32>
        %parallel_loop3A_342 = tpu.vector_load_idx %arg5[%parallel_loop3A_341] : memref<31752xf32, #tpu.memory_space<vmem>>[vector<16xi32>], vector<16xf32>,
        %parallel_loop3A_343 = arith.constant 0 : i32
        %parallel_loop3A_344 = arith.addi %mul3A_239, %parallel_loop3A_343 : i32
        %parallel_loop3A_345 = arith.constant 3 : i32
        %parallel_loop3A_346 = arith.addi %parallel_loop3A_344, %parallel_loop3A_345 : i32
        %parallel_loop3A_347 = arith.constant 16 : i32
        %parallel_loop3A_348 = arith.muli %parallel_loop3A_328, %parallel_loop3A_347 : i32
        %parallel_loop3A_349 = arith.index_cast %parallel_loop3A_346 : i32 to index
        %parallel_loop3A_350 = arith.index_cast %parallel_loop3A_348 : i32 to index
        %parallel_loop3A_351 = tpu.vector_load %arg7[%parallel_loop3A_349, %parallel_loop3A_350] {strides = array<i32>} : memref<64x1024xf32, #tpu.memory_space<vmem>>, vector<16xf32>,
        tpu.vector_store %arg7[%parallel_loop3A_349, %parallel_loop3A_350], %parallel_loop3A_342 {strides = array<i32>} : memref<64x1024xf32, #tpu.memory_space<vmem>>, vector<16xf32>,
        %parallel_loop3A_352 = arith.constant 1 : i32
        %parallel_loop3A_353 = arith.addi %mul3A_215, %parallel_loop3A_352 : i32
        %parallel_loop3A_354 = arith.constant 3969 : i32
        %parallel_loop3A_355 = arith.muli %parallel_loop3A_353, %parallel_loop3A_354 : i32
        %parallel_loop3A_356 = vector.broadcast %parallel_loop3A_355 : i32 to vector<16xi32>
        %parallel_loop3A_357 = arith.addi %parallel_loop3A_356, %parallel_loop3A_335 : vector<16xi32>
        %parallel_loop3A_358 = tpu.vector_load_idx %arg5[%parallel_loop3A_357] : memref<31752xf32, #tpu.memory_space<vmem>>[vector<16xi32>], vector<16xf32>,
        %parallel_loop3A_359 = arith.constant 8 : i32
        %parallel_loop3A_360 = arith.addi %mul3A_239, %parallel_loop3A_359 : i32
        %parallel_loop3A_361 = arith.constant 3 : i32
        %parallel_loop3A_362 = arith.addi %parallel_loop3A_360, %parallel_loop3A_361 : i32
        %parallel_loop3A_363 = arith.constant 16 : i32
        %parallel_loop3A_364 = arith.muli %parallel_loop3A_328, %parallel_loop3A_363 : i32
        %parallel_loop3A_365 = arith.index_cast %parallel_loop3A_362 : i32 to index
        %parallel_loop3A_366 = arith.index_cast %parallel_loop3A_364 : i32 to index
        %parallel_loop3A_367 = tpu.vector_load %arg7[%parallel_loop3A_365, %parallel_loop3A_366] {strides = array<i32>} : memref<64x1024xf32, #tpu.memory_space<vmem>>, vector<16xf32>,
        tpu.vector_store %arg7[%parallel_loop3A_365, %parallel_loop3A_366], %parallel_loop3A_358 {strides = array<i32>} : memref<64x1024xf32, #tpu.memory_space<vmem>>, vector<16xf32>,
        %parallel_loop3A_368 = arith.constant 2 : i32
        %parallel_loop3A_369 = arith.addi %mul3A_215, %parallel_loop3A_368 : i32
        %parallel_loop3A_370 = arith.constant 3969 : i32
        %parallel_loop3A_371 = arith.muli %parallel_loop3A_369, %parallel_loop3A_370 : i32
        %parallel_loop3A_372 = vector.broadcast %parallel_loop3A_371 : i32 to vector<16xi32>
        %parallel_loop3A_373 = arith.addi %parallel_loop3A_372, %parallel_loop3A_335 : vector<16xi32>
        %parallel_loop3A_374 = tpu.vector_load_idx %arg5[%parallel_loop3A_373] : memref<31752xf32, #tpu.memory_space<vmem>>[vector<16xi32>], vector<16xf32>,
        %parallel_loop3A_375 = arith.constant 16 : i32
        %parallel_loop3A_376 = arith.addi %mul3A_239, %parallel_loop3A_375 : i32
        %parallel_loop3A_377 = arith.constant 3 : i32
        %parallel_loop3A_378 = arith.addi %parallel_loop3A_376, %parallel_loop3A_377 : i32
        %parallel_loop3A_379 = arith.constant 16 : i32
        %parallel_loop3A_380 = arith.muli %parallel_loop3A_328, %parallel_loop3A_379 : i32
        %parallel_loop3A_381 = arith.index_cast %parallel_loop3A_378 : i32 to index
        %parallel_loop3A_382 = arith.index_cast %parallel_loop3A_380 : i32 to index
        %parallel_loop3A_383 = tpu.vector_load %arg7[%parallel_loop3A_381, %parallel_loop3A_382] {strides = array<i32>} : memref<64x1024xf32, #tpu.memory_space<vmem>>, vector<16xf32>,
        tpu.vector_store %arg7[%parallel_loop3A_381, %parallel_loop3A_382], %parallel_loop3A_374 {strides = array<i32>} : memref<64x1024xf32, #tpu.memory_space<vmem>>, vector<16xf32>,
        %parallel_loop3A_384 = arith.constant 3 : i32
        %parallel_loop3A_385 = arith.addi %mul3A_215, %parallel_loop3A_384 : i32
        %parallel_loop3A_386 = arith.constant 3969 : i32
        %parallel_loop3A_387 = arith.muli %parallel_loop3A_385, %parallel_loop3A_386 : i32
        %parallel_loop3A_388 = vector.broadcast %parallel_loop3A_387 : i32 to vector<16xi32>
        %parallel_loop3A_389 = arith.addi %parallel_loop3A_388, %parallel_loop3A_335 : vector<16xi32>
        %parallel_loop3A_390 = tpu.vector_load_idx %arg5[%parallel_loop3A_389] : memref<31752xf32, #tpu.memory_space<vmem>>[vector<16xi32>], vector<16xf32>,
        %parallel_loop3A_391 = arith.constant 24 : i32
        %parallel_loop3A_392 = arith.addi %mul3A_239, %parallel_loop3A_391 : i32
        %parallel_loop3A_393 = arith.constant 3 : i32
        %parallel_loop3A_394 = arith.addi %parallel_loop3A_392, %parallel_loop3A_393 : i32
        %parallel_loop3A_395 = arith.constant 16 : i32
        %parallel_loop3A_396 = arith.muli %parallel_loop3A_328, %parallel_loop3A_395 : i32
        %parallel_loop3A_397 = arith.index_cast %parallel_loop3A_394 : i32 to index
        %parallel_loop3A_398 = arith.index_cast %parallel_loop3A_396 : i32 to index
        %parallel_loop3A_399 = tpu.vector_load %arg7[%parallel_loop3A_397, %parallel_loop3A_398] {strides = array<i32>} : memref<64x1024xf32, #tpu.memory_space<vmem>>, vector<16xf32>,
        tpu.vector_store %arg7[%parallel_loop3A_397, %parallel_loop3A_398], %parallel_loop3A_390 {strides = array<i32>} : memref<64x1024xf32, #tpu.memory_space<vmem>>, vector<16xf32>,
      } {sc.loop_unroll_factor = 8 : i64, sc.parallel_access}
      %parallel_loop3A_251 = arith.constant 0 : i32
      %parallel_loop3A_252 = arith.constant 64 : i32
      %parallel_loop3A_253 = arith.constant 1 : i32
      scf.for %parallel_loop3A_328 = %parallel_loop3A_251 to %parallel_loop3A_252 step %parallel_loop3A_253  : i32 {
        %parallel_loop3A_329 = arith.constant 4 : i32
        %parallel_loop3A_330 = arith.addi %mul3A_235, %parallel_loop3A_329 : i32
        %parallel_loop3A_331 = arith.constant 16 : i32
        %parallel_loop3A_332 = arith.muli %parallel_loop3A_328, %parallel_loop3A_331 : i32
        %parallel_loop3A_333 = arith.index_cast %parallel_loop3A_330 : i32 to index
        %parallel_loop3A_334 = arith.index_cast %parallel_loop3A_332 : i32 to index
        %parallel_loop3A_335 = tpu.vector_load %arg6[%parallel_loop3A_333, %parallel_loop3A_334] {strides = array<i32>} : memref<16x1024xi32, #tpu.memory_space<vmem>>, vector<16xi32>,
        %parallel_loop3A_336 = arith.constant 0 : i32
        %parallel_loop3A_337 = arith.addi %mul3A_215, %parallel_loop3A_336 : i32
        %parallel_loop3A_338 = arith.constant 3969 : i32
        %parallel_loop3A_339 = arith.muli %parallel_loop3A_337, %parallel_loop3A_338 : i32
        %parallel_loop3A_340 = vector.broadcast %parallel_loop3A_339 : i32 to vector<16xi32>
        %parallel_loop3A_341 = arith.addi %parallel_loop3A_340, %parallel_loop3A_335 : vector<16xi32>
        %parallel_loop3A_342 = tpu.vector_load_idx %arg5[%parallel_loop3A_341] : memref<31752xf32, #tpu.memory_space<vmem>>[vector<16xi32>], vector<16xf32>,
        %parallel_loop3A_343 = arith.constant 0 : i32
        %parallel_loop3A_344 = arith.addi %mul3A_239, %parallel_loop3A_343 : i32
        %parallel_loop3A_345 = arith.constant 4 : i32
        %parallel_loop3A_346 = arith.addi %parallel_loop3A_344, %parallel_loop3A_345 : i32
        %parallel_loop3A_347 = arith.constant 16 : i32
        %parallel_loop3A_348 = arith.muli %parallel_loop3A_328, %parallel_loop3A_347 : i32
        %parallel_loop3A_349 = arith.index_cast %parallel_loop3A_346 : i32 to index
        %parallel_loop3A_350 = arith.index_cast %parallel_loop3A_348 : i32 to index
        %parallel_loop3A_351 = tpu.vector_load %arg7[%parallel_loop3A_349, %parallel_loop3A_350] {strides = array<i32>} : memref<64x1024xf32, #tpu.memory_space<vmem>>, vector<16xf32>,
        tpu.vector_store %arg7[%parallel_loop3A_349, %parallel_loop3A_350], %parallel_loop3A_342 {strides = array<i32>} : memref<64x1024xf32, #tpu.memory_space<vmem>>, vector<16xf32>,
        %parallel_loop3A_352 = arith.constant 1 : i32
        %parallel_loop3A_353 = arith.addi %mul3A_215, %parallel_loop3A_352 : i32
        %parallel_loop3A_354 = arith.constant 3969 : i32
        %parallel_loop3A_355 = arith.muli %parallel_loop3A_353, %parallel_loop3A_354 : i32
        %parallel_loop3A_356 = vector.broadcast %parallel_loop3A_355 : i32 to vector<16xi32>
        %parallel_loop3A_357 = arith.addi %parallel_loop3A_356, %parallel_loop3A_335 : vector<16xi32>
        %parallel_loop3A_358 = tpu.vector_load_idx %arg5[%parallel_loop3A_357] : memref<31752xf32, #tpu.memory_space<vmem>>[vector<16xi32>], vector<16xf32>,
        %parallel_loop3A_359 = arith.constant 8 : i32
        %parallel_loop3A_360 = arith.addi %mul3A_239, %parallel_loop3A_359 : i32
        %parallel_loop3A_361 = arith.constant 4 : i32
        %parallel_loop3A_362 = arith.addi %parallel_loop3A_360, %parallel_loop3A_361 : i32
        %parallel_loop3A_363 = arith.constant 16 : i32
        %parallel_loop3A_364 = arith.muli %parallel_loop3A_328, %parallel_loop3A_363 : i32
        %parallel_loop3A_365 = arith.index_cast %parallel_loop3A_362 : i32 to index
        %parallel_loop3A_366 = arith.index_cast %parallel_loop3A_364 : i32 to index
        %parallel_loop3A_367 = tpu.vector_load %arg7[%parallel_loop3A_365, %parallel_loop3A_366] {strides = array<i32>} : memref<64x1024xf32, #tpu.memory_space<vmem>>, vector<16xf32>,
        tpu.vector_store %arg7[%parallel_loop3A_365, %parallel_loop3A_366], %parallel_loop3A_358 {strides = array<i32>} : memref<64x1024xf32, #tpu.memory_space<vmem>>, vector<16xf32>,
        %parallel_loop3A_368 = arith.constant 2 : i32
        %parallel_loop3A_369 = arith.addi %mul3A_215, %parallel_loop3A_368 : i32
        %parallel_loop3A_370 = arith.constant 3969 : i32
        %parallel_loop3A_371 = arith.muli %parallel_loop3A_369, %parallel_loop3A_370 : i32
        %parallel_loop3A_372 = vector.broadcast %parallel_loop3A_371 : i32 to vector<16xi32>
        %parallel_loop3A_373 = arith.addi %parallel_loop3A_372, %parallel_loop3A_335 : vector<16xi32>
        %parallel_loop3A_374 = tpu.vector_load_idx %arg5[%parallel_loop3A_373] : memref<31752xf32, #tpu.memory_space<vmem>>[vector<16xi32>], vector<16xf32>,
        %parallel_loop3A_375 = arith.constant 16 : i32
        %parallel_loop3A_376 = arith.addi %mul3A_239, %parallel_loop3A_375 : i32
        %parallel_loop3A_377 = arith.constant 4 : i32
        %parallel_loop3A_378 = arith.addi %parallel_loop3A_376, %parallel_loop3A_377 : i32
        %parallel_loop3A_379 = arith.constant 16 : i32
        %parallel_loop3A_380 = arith.muli %parallel_loop3A_328, %parallel_loop3A_379 : i32
        %parallel_loop3A_381 = arith.index_cast %parallel_loop3A_378 : i32 to index
        %parallel_loop3A_382 = arith.index_cast %parallel_loop3A_380 : i32 to index
        %parallel_loop3A_383 = tpu.vector_load %arg7[%parallel_loop3A_381, %parallel_loop3A_382] {strides = array<i32>} : memref<64x1024xf32, #tpu.memory_space<vmem>>, vector<16xf32>,
        tpu.vector_store %arg7[%parallel_loop3A_381, %parallel_loop3A_382], %parallel_loop3A_374 {strides = array<i32>} : memref<64x1024xf32, #tpu.memory_space<vmem>>, vector<16xf32>,
        %parallel_loop3A_384 = arith.constant 3 : i32
        %parallel_loop3A_385 = arith.addi %mul3A_215, %parallel_loop3A_384 : i32
        %parallel_loop3A_386 = arith.constant 3969 : i32
        %parallel_loop3A_387 = arith.muli %parallel_loop3A_385, %parallel_loop3A_386 : i32
        %parallel_loop3A_388 = vector.broadcast %parallel_loop3A_387 : i32 to vector<16xi32>
        %parallel_loop3A_389 = arith.addi %parallel_loop3A_388, %parallel_loop3A_335 : vector<16xi32>
        %parallel_loop3A_390 = tpu.vector_load_idx %arg5[%parallel_loop3A_389] : memref<31752xf32, #tpu.memory_space<vmem>>[vector<16xi32>], vector<16xf32>,
        %parallel_loop3A_391 = arith.constant 24 : i32
        %parallel_loop3A_392 = arith.addi %mul3A_239, %parallel_loop3A_391 : i32
        %parallel_loop3A_393 = arith.constant 4 : i32
        %parallel_loop3A_394 = arith.addi %parallel_loop3A_392, %parallel_loop3A_393 : i32
        %parallel_loop3A_395 = arith.constant 16 : i32
        %parallel_loop3A_396 = arith.muli %parallel_loop3A_328, %parallel_loop3A_395 : i32
        %parallel_loop3A_397 = arith.index_cast %parallel_loop3A_394 : i32 to index
        %parallel_loop3A_398 = arith.index_cast %parallel_loop3A_396 : i32 to index
        %parallel_loop3A_399 = tpu.vector_load %arg7[%parallel_loop3A_397, %parallel_loop3A_398] {strides = array<i32>} : memref<64x1024xf32, #tpu.memory_space<vmem>>, vector<16xf32>,
        tpu.vector_store %arg7[%parallel_loop3A_397, %parallel_loop3A_398], %parallel_loop3A_390 {strides = array<i32>} : memref<64x1024xf32, #tpu.memory_space<vmem>>, vector<16xf32>,
      } {sc.loop_unroll_factor = 8 : i64, sc.parallel_access}
      %parallel_loop3A_254 = arith.constant 0 : i32
      %parallel_loop3A_255 = arith.constant 64 : i32
      %parallel_loop3A_256 = arith.constant 1 : i32
      scf.for %parallel_loop3A_328 = %parallel_loop3A_254 to %parallel_loop3A_255 step %parallel_loop3A_256  : i32 {
        %parallel_loop3A_329 = arith.constant 5 : i32
        %parallel_loop3A_330 = arith.addi %mul3A_235, %parallel_loop3A_329 : i32
        %parallel_loop3A_331 = arith.constant 16 : i32
        %parallel_loop3A_332 = arith.muli %parallel_loop3A_328, %parallel_loop3A_331 : i32
        %parallel_loop3A_333 = arith.index_cast %parallel_loop3A_330 : i32 to index
        %parallel_loop3A_334 = arith.index_cast %parallel_loop3A_332 : i32 to index
        %parallel_loop3A_335 = tpu.vector_load %arg6[%parallel_loop3A_333, %parallel_loop3A_334] {strides = array<i32>} : memref<16x1024xi32, #tpu.memory_space<vmem>>, vector<16xi32>,
        %parallel_loop3A_336 = arith.constant 0 : i32
        %parallel_loop3A_337 = arith.addi %mul3A_215, %parallel_loop3A_336 : i32
        %parallel_loop3A_338 = arith.constant 3969 : i32
        %parallel_loop3A_339 = arith.muli %parallel_loop3A_337, %parallel_loop3A_338 : i32
        %parallel_loop3A_340 = vector.broadcast %parallel_loop3A_339 : i32 to vector<16xi32>
        %parallel_loop3A_341 = arith.addi %parallel_loop3A_340, %parallel_loop3A_335 : vector<16xi32>
        %parallel_loop3A_342 = tpu.vector_load_idx %arg5[%parallel_loop3A_341] : memref<31752xf32, #tpu.memory_space<vmem>>[vector<16xi32>], vector<16xf32>,
        %parallel_loop3A_343 = arith.constant 0 : i32
        %parallel_loop3A_344 = arith.addi %mul3A_239, %parallel_loop3A_343 : i32
        %parallel_loop3A_345 = arith.constant 5 : i32
        %parallel_loop3A_346 = arith.addi %parallel_loop3A_344, %parallel_loop3A_345 : i32
        %parallel_loop3A_347 = arith.constant 16 : i32
        %parallel_loop3A_348 = arith.muli %parallel_loop3A_328, %parallel_loop3A_347 : i32
        %parallel_loop3A_349 = arith.index_cast %parallel_loop3A_346 : i32 to index
        %parallel_loop3A_350 = arith.index_cast %parallel_loop3A_348 : i32 to index
        %parallel_loop3A_351 = tpu.vector_load %arg7[%parallel_loop3A_349, %parallel_loop3A_350] {strides = array<i32>} : memref<64x1024xf32, #tpu.memory_space<vmem>>, vector<16xf32>,
        tpu.vector_store %arg7[%parallel_loop3A_349, %parallel_loop3A_350], %parallel_loop3A_342 {strides = array<i32>} : memref<64x1024xf32, #tpu.memory_space<vmem>>, vector<16xf32>,
        %parallel_loop3A_352 = arith.constant 1 : i32
        %parallel_loop3A_353 = arith.addi %mul3A_215, %parallel_loop3A_352 : i32
        %parallel_loop3A_354 = arith.constant 3969 : i32
        %parallel_loop3A_355 = arith.muli %parallel_loop3A_353, %parallel_loop3A_354 : i32
        %parallel_loop3A_356 = vector.broadcast %parallel_loop3A_355 : i32 to vector<16xi32>
        %parallel_loop3A_357 = arith.addi %parallel_loop3A_356, %parallel_loop3A_335 : vector<16xi32>
        %parallel_loop3A_358 = tpu.vector_load_idx %arg5[%parallel_loop3A_357] : memref<31752xf32, #tpu.memory_space<vmem>>[vector<16xi32>], vector<16xf32>,
        %parallel_loop3A_359 = arith.constant 8 : i32
        %parallel_loop3A_360 = arith.addi %mul3A_239, %parallel_loop3A_359 : i32
        %parallel_loop3A_361 = arith.constant 5 : i32
        %parallel_loop3A_362 = arith.addi %parallel_loop3A_360, %parallel_loop3A_361 : i32
        %parallel_loop3A_363 = arith.constant 16 : i32
        %parallel_loop3A_364 = arith.muli %parallel_loop3A_328, %parallel_loop3A_363 : i32
        %parallel_loop3A_365 = arith.index_cast %parallel_loop3A_362 : i32 to index
        %parallel_loop3A_366 = arith.index_cast %parallel_loop3A_364 : i32 to index
        %parallel_loop3A_367 = tpu.vector_load %arg7[%parallel_loop3A_365, %parallel_loop3A_366] {strides = array<i32>} : memref<64x1024xf32, #tpu.memory_space<vmem>>, vector<16xf32>,
        tpu.vector_store %arg7[%parallel_loop3A_365, %parallel_loop3A_366], %parallel_loop3A_358 {strides = array<i32>} : memref<64x1024xf32, #tpu.memory_space<vmem>>, vector<16xf32>,
        %parallel_loop3A_368 = arith.constant 2 : i32
        %parallel_loop3A_369 = arith.addi %mul3A_215, %parallel_loop3A_368 : i32
        %parallel_loop3A_370 = arith.constant 3969 : i32
        %parallel_loop3A_371 = arith.muli %parallel_loop3A_369, %parallel_loop3A_370 : i32
        %parallel_loop3A_372 = vector.broadcast %parallel_loop3A_371 : i32 to vector<16xi32>
        %parallel_loop3A_373 = arith.addi %parallel_loop3A_372, %parallel_loop3A_335 : vector<16xi32>
        %parallel_loop3A_374 = tpu.vector_load_idx %arg5[%parallel_loop3A_373] : memref<31752xf32, #tpu.memory_space<vmem>>[vector<16xi32>], vector<16xf32>,
        %parallel_loop3A_375 = arith.constant 16 : i32
        %parallel_loop3A_376 = arith.addi %mul3A_239, %parallel_loop3A_375 : i32
        %parallel_loop3A_377 = arith.constant 5 : i32
        %parallel_loop3A_378 = arith.addi %parallel_loop3A_376, %parallel_loop3A_377 : i32
        %parallel_loop3A_379 = arith.constant 16 : i32
        %parallel_loop3A_380 = arith.muli %parallel_loop3A_328, %parallel_loop3A_379 : i32
        %parallel_loop3A_381 = arith.index_cast %parallel_loop3A_378 : i32 to index
        %parallel_loop3A_382 = arith.index_cast %parallel_loop3A_380 : i32 to index
        %parallel_loop3A_383 = tpu.vector_load %arg7[%parallel_loop3A_381, %parallel_loop3A_382] {strides = array<i32>} : memref<64x1024xf32, #tpu.memory_space<vmem>>, vector<16xf32>,
        tpu.vector_store %arg7[%parallel_loop3A_381, %parallel_loop3A_382], %parallel_loop3A_374 {strides = array<i32>} : memref<64x1024xf32, #tpu.memory_space<vmem>>, vector<16xf32>,
        %parallel_loop3A_384 = arith.constant 3 : i32
        %parallel_loop3A_385 = arith.addi %mul3A_215, %parallel_loop3A_384 : i32
        %parallel_loop3A_386 = arith.constant 3969 : i32
        %parallel_loop3A_387 = arith.muli %parallel_loop3A_385, %parallel_loop3A_386 : i32
        %parallel_loop3A_388 = vector.broadcast %parallel_loop3A_387 : i32 to vector<16xi32>
        %parallel_loop3A_389 = arith.addi %parallel_loop3A_388, %parallel_loop3A_335 : vector<16xi32>
        %parallel_loop3A_390 = tpu.vector_load_idx %arg5[%parallel_loop3A_389] : memref<31752xf32, #tpu.memory_space<vmem>>[vector<16xi32>], vector<16xf32>,
        %parallel_loop3A_391 = arith.constant 24 : i32
        %parallel_loop3A_392 = arith.addi %mul3A_239, %parallel_loop3A_391 : i32
        %parallel_loop3A_393 = arith.constant 5 : i32
        %parallel_loop3A_394 = arith.addi %parallel_loop3A_392, %parallel_loop3A_393 : i32
        %parallel_loop3A_395 = arith.constant 16 : i32
        %parallel_loop3A_396 = arith.muli %parallel_loop3A_328, %parallel_loop3A_395 : i32
        %parallel_loop3A_397 = arith.index_cast %parallel_loop3A_394 : i32 to index
        %parallel_loop3A_398 = arith.index_cast %parallel_loop3A_396 : i32 to index
        %parallel_loop3A_399 = tpu.vector_load %arg7[%parallel_loop3A_397, %parallel_loop3A_398] {strides = array<i32>} : memref<64x1024xf32, #tpu.memory_space<vmem>>, vector<16xf32>,
        tpu.vector_store %arg7[%parallel_loop3A_397, %parallel_loop3A_398], %parallel_loop3A_390 {strides = array<i32>} : memref<64x1024xf32, #tpu.memory_space<vmem>>, vector<16xf32>,
      } {sc.loop_unroll_factor = 8 : i64, sc.parallel_access}
      %parallel_loop3A_257 = arith.constant 0 : i32
      %parallel_loop3A_258 = arith.constant 64 : i32
      %parallel_loop3A_259 = arith.constant 1 : i32
      scf.for %parallel_loop3A_328 = %parallel_loop3A_257 to %parallel_loop3A_258 step %parallel_loop3A_259  : i32 {
        %parallel_loop3A_329 = arith.constant 6 : i32
        %parallel_loop3A_330 = arith.addi %mul3A_235, %parallel_loop3A_329 : i32
        %parallel_loop3A_331 = arith.constant 16 : i32
        %parallel_loop3A_332 = arith.muli %parallel_loop3A_328, %parallel_loop3A_331 : i32
        %parallel_loop3A_333 = arith.index_cast %parallel_loop3A_330 : i32 to index
        %parallel_loop3A_334 = arith.index_cast %parallel_loop3A_332 : i32 to index
        %parallel_loop3A_335 = tpu.vector_load %arg6[%parallel_loop3A_333, %parallel_loop3A_334] {strides = array<i32>} : memref<16x1024xi32, #tpu.memory_space<vmem>>, vector<16xi32>,
        %parallel_loop3A_336 = arith.constant 0 : i32
        %parallel_loop3A_337 = arith.addi %mul3A_215, %parallel_loop3A_336 : i32
        %parallel_loop3A_338 = arith.constant 3969 : i32
        %parallel_loop3A_339 = arith.muli %parallel_loop3A_337, %parallel_loop3A_338 : i32
        %parallel_loop3A_340 = vector.broadcast %parallel_loop3A_339 : i32 to vector<16xi32>
        %parallel_loop3A_341 = arith.addi %parallel_loop3A_340, %parallel_loop3A_335 : vector<16xi32>
        %parallel_loop3A_342 = tpu.vector_load_idx %arg5[%parallel_loop3A_341] : memref<31752xf32, #tpu.memory_space<vmem>>[vector<16xi32>], vector<16xf32>,
        %parallel_loop3A_343 = arith.constant 0 : i32
        %parallel_loop3A_344 = arith.addi %mul3A_239, %parallel_loop3A_343 : i32
        %parallel_loop3A_345 = arith.constant 6 : i32
        %parallel_loop3A_346 = arith.addi %parallel_loop3A_344, %parallel_loop3A_345 : i32
        %parallel_loop3A_347 = arith.constant 16 : i32
        %parallel_loop3A_348 = arith.muli %parallel_loop3A_328, %parallel_loop3A_347 : i32
        %parallel_loop3A_349 = arith.index_cast %parallel_loop3A_346 : i32 to index
        %parallel_loop3A_350 = arith.index_cast %parallel_loop3A_348 : i32 to index
        %parallel_loop3A_351 = tpu.vector_load %arg7[%parallel_loop3A_349, %parallel_loop3A_350] {strides = array<i32>} : memref<64x1024xf32, #tpu.memory_space<vmem>>, vector<16xf32>,
        tpu.vector_store %arg7[%parallel_loop3A_349, %parallel_loop3A_350], %parallel_loop3A_342 {strides = array<i32>} : memref<64x1024xf32, #tpu.memory_space<vmem>>, vector<16xf32>,
        %parallel_loop3A_352 = arith.constant 1 : i32
        %parallel_loop3A_353 = arith.addi %mul3A_215, %parallel_loop3A_352 : i32
        %parallel_loop3A_354 = arith.constant 3969 : i32
        %parallel_loop3A_355 = arith.muli %parallel_loop3A_353, %parallel_loop3A_354 : i32
        %parallel_loop3A_356 = vector.broadcast %parallel_loop3A_355 : i32 to vector<16xi32>
        %parallel_loop3A_357 = arith.addi %parallel_loop3A_356, %parallel_loop3A_335 : vector<16xi32>
        %parallel_loop3A_358 = tpu.vector_load_idx %arg5[%parallel_loop3A_357] : memref<31752xf32, #tpu.memory_space<vmem>>[vector<16xi32>], vector<16xf32>,
        %parallel_loop3A_359 = arith.constant 8 : i32
        %parallel_loop3A_360 = arith.addi %mul3A_239, %parallel_loop3A_359 : i32
        %parallel_loop3A_361 = arith.constant 6 : i32
        %parallel_loop3A_362 = arith.addi %parallel_loop3A_360, %parallel_loop3A_361 : i32
        %parallel_loop3A_363 = arith.constant 16 : i32
        %parallel_loop3A_364 = arith.muli %parallel_loop3A_328, %parallel_loop3A_363 : i32
        %parallel_loop3A_365 = arith.index_cast %parallel_loop3A_362 : i32 to index
        %parallel_loop3A_366 = arith.index_cast %parallel_loop3A_364 : i32 to index
        %parallel_loop3A_367 = tpu.vector_load %arg7[%parallel_loop3A_365, %parallel_loop3A_366] {strides = array<i32>} : memref<64x1024xf32, #tpu.memory_space<vmem>>, vector<16xf32>,
        tpu.vector_store %arg7[%parallel_loop3A_365, %parallel_loop3A_366], %parallel_loop3A_358 {strides = array<i32>} : memref<64x1024xf32, #tpu.memory_space<vmem>>, vector<16xf32>,
        %parallel_loop3A_368 = arith.constant 2 : i32
        %parallel_loop3A_369 = arith.addi %mul3A_215, %parallel_loop3A_368 : i32
        %parallel_loop3A_370 = arith.constant 3969 : i32
        %parallel_loop3A_371 = arith.muli %parallel_loop3A_369, %parallel_loop3A_370 : i32
        %parallel_loop3A_372 = vector.broadcast %parallel_loop3A_371 : i32 to vector<16xi32>
        %parallel_loop3A_373 = arith.addi %parallel_loop3A_372, %parallel_loop3A_335 : vector<16xi32>
        %parallel_loop3A_374 = tpu.vector_load_idx %arg5[%parallel_loop3A_373] : memref<31752xf32, #tpu.memory_space<vmem>>[vector<16xi32>], vector<16xf32>,
        %parallel_loop3A_375 = arith.constant 16 : i32
        %parallel_loop3A_376 = arith.addi %mul3A_239, %parallel_loop3A_375 : i32
        %parallel_loop3A_377 = arith.constant 6 : i32
        %parallel_loop3A_378 = arith.addi %parallel_loop3A_376, %parallel_loop3A_377 : i32
        %parallel_loop3A_379 = arith.constant 16 : i32
        %parallel_loop3A_380 = arith.muli %parallel_loop3A_328, %parallel_loop3A_379 : i32
        %parallel_loop3A_381 = arith.index_cast %parallel_loop3A_378 : i32 to index
        %parallel_loop3A_382 = arith.index_cast %parallel_loop3A_380 : i32 to index
        %parallel_loop3A_383 = tpu.vector_load %arg7[%parallel_loop3A_381, %parallel_loop3A_382] {strides = array<i32>} : memref<64x1024xf32, #tpu.memory_space<vmem>>, vector<16xf32>,
        tpu.vector_store %arg7[%parallel_loop3A_381, %parallel_loop3A_382], %parallel_loop3A_374 {strides = array<i32>} : memref<64x1024xf32, #tpu.memory_space<vmem>>, vector<16xf32>,
        %parallel_loop3A_384 = arith.constant 3 : i32
        %parallel_loop3A_385 = arith.addi %mul3A_215, %parallel_loop3A_384 : i32
        %parallel_loop3A_386 = arith.constant 3969 : i32
        %parallel_loop3A_387 = arith.muli %parallel_loop3A_385, %parallel_loop3A_386 : i32
        %parallel_loop3A_388 = vector.broadcast %parallel_loop3A_387 : i32 to vector<16xi32>
        %parallel_loop3A_389 = arith.addi %parallel_loop3A_388, %parallel_loop3A_335 : vector<16xi32>
        %parallel_loop3A_390 = tpu.vector_load_idx %arg5[%parallel_loop3A_389] : memref<31752xf32, #tpu.memory_space<vmem>>[vector<16xi32>], vector<16xf32>,
        %parallel_loop3A_391 = arith.constant 24 : i32
        %parallel_loop3A_392 = arith.addi %mul3A_239, %parallel_loop3A_391 : i32
        %parallel_loop3A_393 = arith.constant 6 : i32
        %parallel_loop3A_394 = arith.addi %parallel_loop3A_392, %parallel_loop3A_393 : i32
        %parallel_loop3A_395 = arith.constant 16 : i32
        %parallel_loop3A_396 = arith.muli %parallel_loop3A_328, %parallel_loop3A_395 : i32
        %parallel_loop3A_397 = arith.index_cast %parallel_loop3A_394 : i32 to index
        %parallel_loop3A_398 = arith.index_cast %parallel_loop3A_396 : i32 to index
        %parallel_loop3A_399 = tpu.vector_load %arg7[%parallel_loop3A_397, %parallel_loop3A_398] {strides = array<i32>} : memref<64x1024xf32, #tpu.memory_space<vmem>>, vector<16xf32>,
        tpu.vector_store %arg7[%parallel_loop3A_397, %parallel_loop3A_398], %parallel_loop3A_390 {strides = array<i32>} : memref<64x1024xf32, #tpu.memory_space<vmem>>, vector<16xf32>,
      } {sc.loop_unroll_factor = 8 : i64, sc.parallel_access}
      %parallel_loop3A_260 = arith.constant 0 : i32
      %parallel_loop3A_261 = arith.constant 64 : i32
      %parallel_loop3A_262 = arith.constant 1 : i32
      scf.for %parallel_loop3A_328 = %parallel_loop3A_260 to %parallel_loop3A_261 step %parallel_loop3A_262  : i32 {
        %parallel_loop3A_329 = arith.constant 7 : i32
        %parallel_loop3A_330 = arith.addi %mul3A_235, %parallel_loop3A_329 : i32
        %parallel_loop3A_331 = arith.constant 16 : i32
        %parallel_loop3A_332 = arith.muli %parallel_loop3A_328, %parallel_loop3A_331 : i32
        %parallel_loop3A_333 = arith.index_cast %parallel_loop3A_330 : i32 to index
        %parallel_loop3A_334 = arith.index_cast %parallel_loop3A_332 : i32 to index
        %parallel_loop3A_335 = tpu.vector_load %arg6[%parallel_loop3A_333, %parallel_loop3A_334] {strides = array<i32>} : memref<16x1024xi32, #tpu.memory_space<vmem>>, vector<16xi32>,
        %parallel_loop3A_336 = arith.constant 0 : i32
        %parallel_loop3A_337 = arith.addi %mul3A_215, %parallel_loop3A_336 : i32
        %parallel_loop3A_338 = arith.constant 3969 : i32
        %parallel_loop3A_339 = arith.muli %parallel_loop3A_337, %parallel_loop3A_338 : i32
        %parallel_loop3A_340 = vector.broadcast %parallel_loop3A_339 : i32 to vector<16xi32>
        %parallel_loop3A_341 = arith.addi %parallel_loop3A_340, %parallel_loop3A_335 : vector<16xi32>
        %parallel_loop3A_342 = tpu.vector_load_idx %arg5[%parallel_loop3A_341] : memref<31752xf32, #tpu.memory_space<vmem>>[vector<16xi32>], vector<16xf32>,
        %parallel_loop3A_343 = arith.constant 0 : i32
        %parallel_loop3A_344 = arith.addi %mul3A_239, %parallel_loop3A_343 : i32
        %parallel_loop3A_345 = arith.constant 7 : i32
        %parallel_loop3A_346 = arith.addi %parallel_loop3A_344, %parallel_loop3A_345 : i32
        %parallel_loop3A_347 = arith.constant 16 : i32
        %parallel_loop3A_348 = arith.muli %parallel_loop3A_328, %parallel_loop3A_347 : i32
        %parallel_loop3A_349 = arith.index_cast %parallel_loop3A_346 : i32 to index
        %parallel_loop3A_350 = arith.index_cast %parallel_loop3A_348 : i32 to index
        %parallel_loop3A_351 = tpu.vector_load %arg7[%parallel_loop3A_349, %parallel_loop3A_350] {strides = array<i32>} : memref<64x1024xf32, #tpu.memory_space<vmem>>, vector<16xf32>,
        tpu.vector_store %arg7[%parallel_loop3A_349, %parallel_loop3A_350], %parallel_loop3A_342 {strides = array<i32>} : memref<64x1024xf32, #tpu.memory_space<vmem>>, vector<16xf32>,
        %parallel_loop3A_352 = arith.constant 1 : i32
        %parallel_loop3A_353 = arith.addi %mul3A_215, %parallel_loop3A_352 : i32
        %parallel_loop3A_354 = arith.constant 3969 : i32
        %parallel_loop3A_355 = arith.muli %parallel_loop3A_353, %parallel_loop3A_354 : i32
        %parallel_loop3A_356 = vector.broadcast %parallel_loop3A_355 : i32 to vector<16xi32>
        %parallel_loop3A_357 = arith.addi %parallel_loop3A_356, %parallel_loop3A_335 : vector<16xi32>
        %parallel_loop3A_358 = tpu.vector_load_idx %arg5[%parallel_loop3A_357] : memref<31752xf32, #tpu.memory_space<vmem>>[vector<16xi32>], vector<16xf32>,
        %parallel_loop3A_359 = arith.constant 8 : i32
        %parallel_loop3A_360 = arith.addi %mul3A_239, %parallel_loop3A_359 : i32
        %parallel_loop3A_361 = arith.constant 7 : i32
        %parallel_loop3A_362 = arith.addi %parallel_loop3A_360, %parallel_loop3A_361 : i32
        %parallel_loop3A_363 = arith.constant 16 : i32
        %parallel_loop3A_364 = arith.muli %parallel_loop3A_328, %parallel_loop3A_363 : i32
        %parallel_loop3A_365 = arith.index_cast %parallel_loop3A_362 : i32 to index
        %parallel_loop3A_366 = arith.index_cast %parallel_loop3A_364 : i32 to index
        %parallel_loop3A_367 = tpu.vector_load %arg7[%parallel_loop3A_365, %parallel_loop3A_366] {strides = array<i32>} : memref<64x1024xf32, #tpu.memory_space<vmem>>, vector<16xf32>,
        tpu.vector_store %arg7[%parallel_loop3A_365, %parallel_loop3A_366], %parallel_loop3A_358 {strides = array<i32>} : memref<64x1024xf32, #tpu.memory_space<vmem>>, vector<16xf32>,
        %parallel_loop3A_368 = arith.constant 2 : i32
        %parallel_loop3A_369 = arith.addi %mul3A_215, %parallel_loop3A_368 : i32
        %parallel_loop3A_370 = arith.constant 3969 : i32
        %parallel_loop3A_371 = arith.muli %parallel_loop3A_369, %parallel_loop3A_370 : i32
        %parallel_loop3A_372 = vector.broadcast %parallel_loop3A_371 : i32 to vector<16xi32>
        %parallel_loop3A_373 = arith.addi %parallel_loop3A_372, %parallel_loop3A_335 : vector<16xi32>
        %parallel_loop3A_374 = tpu.vector_load_idx %arg5[%parallel_loop3A_373] : memref<31752xf32, #tpu.memory_space<vmem>>[vector<16xi32>], vector<16xf32>,
        %parallel_loop3A_375 = arith.constant 16 : i32
        %parallel_loop3A_376 = arith.addi %mul3A_239, %parallel_loop3A_375 : i32
        %parallel_loop3A_377 = arith.constant 7 : i32
        %parallel_loop3A_378 = arith.addi %parallel_loop3A_376, %parallel_loop3A_377 : i32
        %parallel_loop3A_379 = arith.constant 16 : i32
        %parallel_loop3A_380 = arith.muli %parallel_loop3A_328, %parallel_loop3A_379 : i32
        %parallel_loop3A_381 = arith.index_cast %parallel_loop3A_378 : i32 to index
        %parallel_loop3A_382 = arith.index_cast %parallel_loop3A_380 : i32 to index
        %parallel_loop3A_383 = tpu.vector_load %arg7[%parallel_loop3A_381, %parallel_loop3A_382] {strides = array<i32>} : memref<64x1024xf32, #tpu.memory_space<vmem>>, vector<16xf32>,
        tpu.vector_store %arg7[%parallel_loop3A_381, %parallel_loop3A_382], %parallel_loop3A_374 {strides = array<i32>} : memref<64x1024xf32, #tpu.memory_space<vmem>>, vector<16xf32>,
        %parallel_loop3A_384 = arith.constant 3 : i32
        %parallel_loop3A_385 = arith.addi %mul3A_215, %parallel_loop3A_384 : i32
        %parallel_loop3A_386 = arith.constant 3969 : i32
        %parallel_loop3A_387 = arith.muli %parallel_loop3A_385, %parallel_loop3A_386 : i32
        %parallel_loop3A_388 = vector.broadcast %parallel_loop3A_387 : i32 to vector<16xi32>
        %parallel_loop3A_389 = arith.addi %parallel_loop3A_388, %parallel_loop3A_335 : vector<16xi32>
        %parallel_loop3A_390 = tpu.vector_load_idx %arg5[%parallel_loop3A_389] : memref<31752xf32, #tpu.memory_space<vmem>>[vector<16xi32>], vector<16xf32>,
        %parallel_loop3A_391 = arith.constant 24 : i32
        %parallel_loop3A_392 = arith.addi %mul3A_239, %parallel_loop3A_391 : i32
        %parallel_loop3A_393 = arith.constant 7 : i32
        %parallel_loop3A_394 = arith.addi %parallel_loop3A_392, %parallel_loop3A_393 : i32
        %parallel_loop3A_395 = arith.constant 16 : i32
        %parallel_loop3A_396 = arith.muli %parallel_loop3A_328, %parallel_loop3A_395 : i32
        %parallel_loop3A_397 = arith.index_cast %parallel_loop3A_394 : i32 to index
        %parallel_loop3A_398 = arith.index_cast %parallel_loop3A_396 : i32 to index
        %parallel_loop3A_399 = tpu.vector_load %arg7[%parallel_loop3A_397, %parallel_loop3A_398] {strides = array<i32>} : memref<64x1024xf32, #tpu.memory_space<vmem>>, vector<16xf32>,
        tpu.vector_store %arg7[%parallel_loop3A_397, %parallel_loop3A_398], %parallel_loop3A_390 {strides = array<i32>} : memref<64x1024xf32, #tpu.memory_space<vmem>>, vector<16xf32>,
      } {sc.loop_unroll_factor = 8 : i64, sc.parallel_access}
      %add3A_263 = arith.constant 0 : i32
      %add3A_264 = arith.addi %mul3A_239, %add3A_263 : i32
      %add3A_265 = arith.constant 0 : i32
      %add3A_266 = arith.addi %add3A_213, %add3A_265 : i32
      %dma_start3A_267 = arith.constant 0 : i32
      %dma_start3A_268 = tpu.memref_slice %arg7[%add3A_264, %dma_start3A_267] : memref<64x1024xf32, #tpu.memory_space<vmem>> -> memref<8x1024xf32, #tpu.memory_space<vmem>>
      %dma_start3A_269 = arith.constant 0 : i32
      %dma_start3A_270 = tpu.memref_slice %arg4[%add3A_266, %add3A_218, %dma_start3A_269] : memref<16x1024x1024xf32, #tpu.memory_space<hbm>> -> memref<1x8x1024xf32, #tpu.memory_space<hbm>>
      %dma_start3A_271 = tpu.memref_squeeze %dma_start3A_270 : memref<1x8x1024xf32, #tpu.memory_space<hbm>> -> memref<8x1024xf32, #tpu.memory_space<hbm>>
      %dma_start3A_272 = tpu.memref_slice %arg9[%rem3A_210] : memref<2x!tpu.dma_semaphore, #tpu.memory_space<semaphore_mem>> -> memref<1x!tpu.dma_semaphore, #tpu.memory_space<semaphore_mem>>
      %dma_start3A_273 = tpu.memref_squeeze %dma_start3A_272 : memref<1x!tpu.dma_semaphore, #tpu.memory_space<semaphore_mem>> -> memref<!tpu.dma_semaphore, #tpu.memory_space<semaphore_mem>>
      %dma_start3A_274 = arith.constant 0 : i32
      %dma_start3A_275 = tpu.memref_slice %arg4[%add3A_266, %add3A_218, %dma_start3A_274] : memref<16x1024x1024xf32, #tpu.memory_space<hbm>> -> memref<1x8x1024xf32, #tpu.memory_space<hbm>>
      %dma_start3A_276 = tpu.memref_squeeze %dma_start3A_275 : memref<1x8x1024xf32, #tpu.memory_space<hbm>> -> memref<8x1024xf32, #tpu.memory_space<hbm>>
      %dma_start3A_277 = arith.constant 0 : i32
      %dma_start3A_278 = tpu.memref_slice %arg7[%add3A_264, %dma_start3A_277] : memref<64x1024xf32, #tpu.memory_space<vmem>> -> memref<8x1024xf32, #tpu.memory_space<vmem>>
      tpu.enqueue_dma source(%dma_start3A_278 : memref<8x1024xf32, #tpu.memory_space<vmem>>) target(%dma_start3A_276 : memref<8x1024xf32, #tpu.memory_space<hbm>>) target_semaphore(%dma_start3A_273 : memref<!tpu.dma_semaphore, #tpu.memory_space<semaphore_mem>>)
      %add3A_279 = arith.constant 8 : i32
      %add3A_280 = arith.addi %mul3A_239, %add3A_279 : i32
      %add3A_281 = arith.constant 1 : i32
      %add3A_282 = arith.addi %add3A_213, %add3A_281 : i32
      %dma_start3A_283 = arith.constant 0 : i32
      %dma_start3A_284 = tpu.memref_slice %arg7[%add3A_280, %dma_start3A_283] : memref<64x1024xf32, #tpu.memory_space<vmem>> -> memref<8x1024xf32, #tpu.memory_space<vmem>>
      %dma_start3A_285 = arith.constant 0 : i32
      %dma_start3A_286 = tpu.memref_slice %arg4[%add3A_282, %add3A_218, %dma_start3A_285] : memref<16x1024x1024xf32, #tpu.memory_space<hbm>> -> memref<1x8x1024xf32, #tpu.memory_space<hbm>>
      %dma_start3A_287 = tpu.memref_squeeze %dma_start3A_286 : memref<1x8x1024xf32, #tpu.memory_space<hbm>> -> memref<8x1024xf32, #tpu.memory_space<hbm>>
      %dma_start3A_288 = tpu.memref_slice %arg9[%rem3A_210] : memref<2x!tpu.dma_semaphore, #tpu.memory_space<semaphore_mem>> -> memref<1x!tpu.dma_semaphore, #tpu.memory_space<semaphore_mem>>
      %dma_start3A_289 = tpu.memref_squeeze %dma_start3A_288 : memref<1x!tpu.dma_semaphore, #tpu.memory_space<semaphore_mem>> -> memref<!tpu.dma_semaphore, #tpu.memory_space<semaphore_mem>>
      %dma_start3A_290 = arith.constant 0 : i32
      %dma_start3A_291 = tpu.memref_slice %arg4[%add3A_282, %add3A_218, %dma_start3A_290] : memref<16x1024x1024xf32, #tpu.memory_space<hbm>> -> memref<1x8x1024xf32, #tpu.memory_space<hbm>>
      %dma_start3A_292 = tpu.memref_squeeze %dma_start3A_291 : memref<1x8x1024xf32, #tpu.memory_space<hbm>> -> memref<8x1024xf32, #tpu.memory_space<hbm>>
      %dma_start3A_293 = arith.constant 0 : i32
      %dma_start3A_294 = tpu.memref_slice %arg7[%add3A_280, %dma_start3A_293] : memref<64x1024xf32, #tpu.memory_space<vmem>> -> memref<8x1024xf32, #tpu.memory_space<vmem>>
      tpu.enqueue_dma source(%dma_start3A_294 : memref<8x1024xf32, #tpu.memory_space<vmem>>) target(%dma_start3A_292 : memref<8x1024xf32, #tpu.memory_space<hbm>>) target_semaphore(%dma_start3A_289 : memref<!tpu.dma_semaphore, #tpu.memory_space<semaphore_mem>>)
      %add3A_295 = arith.constant 16 : i32
      %add3A_296 = arith.addi %mul3A_239, %add3A_295 : i32
      %add3A_297 = arith.constant 2 : i32
      %add3A_298 = arith.addi %add3A_213, %add3A_297 : i32
      %dma_start3A_299 = arith.constant 0 : i32
      %dma_start3A_300 = tpu.memref_slice %arg7[%add3A_296, %dma_start3A_299] : memref<64x1024xf32, #tpu.memory_space<vmem>> -> memref<8x1024xf32, #tpu.memory_space<vmem>>
      %dma_start3A_301 = arith.constant 0 : i32
      %dma_start3A_302 = tpu.memref_slice %arg4[%add3A_298, %add3A_218, %dma_start3A_301] : memref<16x1024x1024xf32, #tpu.memory_space<hbm>> -> memref<1x8x1024xf32, #tpu.memory_space<hbm>>
      %dma_start3A_303 = tpu.memref_squeeze %dma_start3A_302 : memref<1x8x1024xf32, #tpu.memory_space<hbm>> -> memref<8x1024xf32, #tpu.memory_space<hbm>>
      %dma_start3A_304 = tpu.memref_slice %arg9[%rem3A_210] : memref<2x!tpu.dma_semaphore, #tpu.memory_space<semaphore_mem>> -> memref<1x!tpu.dma_semaphore, #tpu.memory_space<semaphore_mem>>
      %dma_start3A_305 = tpu.memref_squeeze %dma_start3A_304 : memref<1x!tpu.dma_semaphore, #tpu.memory_space<semaphore_mem>> -> memref<!tpu.dma_semaphore, #tpu.memory_space<semaphore_mem>>
      %dma_start3A_306 = arith.constant 0 : i32
      %dma_start3A_307 = tpu.memref_slice %arg4[%add3A_298, %add3A_218, %dma_start3A_306] : memref<16x1024x1024xf32, #tpu.memory_space<hbm>> -> memref<1x8x1024xf32, #tpu.memory_space<hbm>>
      %dma_start3A_308 = tpu.memref_squeeze %dma_start3A_307 : memref<1x8x1024xf32, #tpu.memory_space<hbm>> -> memref<8x1024xf32, #tpu.memory_space<hbm>>
      %dma_start3A_309 = arith.constant 0 : i32
      %dma_start3A_310 = tpu.memref_slice %arg7[%add3A_296, %dma_start3A_309] : memref<64x1024xf32, #tpu.memory_space<vmem>> -> memref<8x1024xf32, #tpu.memory_space<vmem>>
      tpu.enqueue_dma source(%dma_start3A_310 : memref<8x1024xf32, #tpu.memory_space<vmem>>) target(%dma_start3A_308 : memref<8x1024xf32, #tpu.memory_space<hbm>>) target_semaphore(%dma_start3A_305 : memref<!tpu.dma_semaphore, #tpu.memory_space<semaphore_mem>>)
      %add3A_311 = arith.constant 24 : i32
      %add3A_312 = arith.addi %mul3A_239, %add3A_311 : i32
      %add3A_313 = arith.constant 3 : i32
      %add3A_314 = arith.addi %add3A_213, %add3A_313 : i32
      %dma_start3A_315 = arith.constant 0 : i32
      %dma_start3A_316 = tpu.memref_slice %arg7[%add3A_312, %dma_start3A_315] : memref<64x1024xf32, #tpu.memory_space<vmem>> -> memref<8x1024xf32, #tpu.memory_space<vmem>>
      %dma_start3A_317 = arith.constant 0 : i32
      %dma_start3A_318 = tpu.memref_slice %arg4[%add3A_314, %add3A_218, %dma_start3A_317] : memref<16x1024x1024xf32, #tpu.memory_space<hbm>> -> memref<1x8x1024xf32, #tpu.memory_space<hbm>>
      %dma_start3A_319 = tpu.memref_squeeze %dma_start3A_318 : memref<1x8x1024xf32, #tpu.memory_space<hbm>> -> memref<8x1024xf32, #tpu.memory_space<hbm>>
      %dma_start3A_320 = tpu.memref_slice %arg9[%rem3A_210] : memref<2x!tpu.dma_semaphore, #tpu.memory_space<semaphore_mem>> -> memref<1x!tpu.dma_semaphore, #tpu.memory_space<semaphore_mem>>
      %dma_start3A_321 = tpu.memref_squeeze %dma_start3A_320 : memref<1x!tpu.dma_semaphore, #tpu.memory_space<semaphore_mem>> -> memref<!tpu.dma_semaphore, #tpu.memory_space<semaphore_mem>>
      %dma_start3A_322 = arith.constant 0 : i32
      %dma_start3A_323 = tpu.memref_slice %arg4[%add3A_314, %add3A_218, %dma_start3A_322] : memref<16x1024x1024xf32, #tpu.memory_space<hbm>> -> memref<1x8x1024xf32, #tpu.memory_space<hbm>>
      %dma_start3A_324 = tpu.memref_squeeze %dma_start3A_323 : memref<1x8x1024xf32, #tpu.memory_space<hbm>> -> memref<8x1024xf32, #tpu.memory_space<hbm>>
      %dma_start3A_325 = arith.constant 0 : i32
      %dma_start3A_326 = tpu.memref_slice %arg7[%add3A_312, %dma_start3A_325] : memref<64x1024xf32, #tpu.memory_space<vmem>> -> memref<8x1024xf32, #tpu.memory_space<vmem>>
      tpu.enqueue_dma source(%dma_start3A_326 : memref<8x1024xf32, #tpu.memory_space<vmem>>) target(%dma_start3A_324 : memref<8x1024xf32, #tpu.memory_space<hbm>>) target_semaphore(%dma_start3A_321 : memref<!tpu.dma_semaphore, #tpu.memory_space<semaphore_mem>>)
      %scan3A_327 = arith.constant 0 : i32
      scf.yield %scan3A_327 : i32
    }
    %scan3A_42 = arith.constant 16 : i32
    %add3A_43 = arith.constant 0 : i32
    %add3A_44 = arith.addi %mul3A_20, %add3A_43 : i32
    %dma_wait3A = arith.constant 0 : i32
    %dma_wait3A_45 = arith.constant 0 : i32
    %dma_wait3A_46 = arith.constant 0 : i32
    %dma_wait3A_47 = tpu.memref_slice %arg7[%dma_wait3A_45, %dma_wait3A_46] : memref<64x1024xf32, #tpu.memory_space<vmem>> -> memref<8x1024xf32, #tpu.memory_space<vmem>>
    %dma_wait3A_48 = arith.constant 0 : i32
    %dma_wait3A_49 = tpu.memref_slice %arg4[%add3A_44, %mul3A_22, %dma_wait3A_48] : memref<16x1024x1024xf32, #tpu.memory_space<hbm>> -> memref<1x8x1024xf32, #tpu.memory_space<hbm>>
    %dma_wait3A_50 = tpu.memref_squeeze %dma_wait3A_49 : memref<1x8x1024xf32, #tpu.memory_space<hbm>> -> memref<8x1024xf32, #tpu.memory_space<hbm>>
    %dma_wait3A_51 = tpu.memref_slice %arg9[%dma_wait3A] : memref<2x!tpu.dma_semaphore, #tpu.memory_space<semaphore_mem>> -> memref<1x!tpu.dma_semaphore, #tpu.memory_space<semaphore_mem>>
    %dma_wait3A_52 = tpu.memref_squeeze %dma_wait3A_51 : memref<1x!tpu.dma_semaphore, #tpu.memory_space<semaphore_mem>> -> memref<!tpu.dma_semaphore, #tpu.memory_space<semaphore_mem>>
    %dma_wait3A_53 = arith.constant 0 : i32
    %dma_wait3A_54 = tpu.memref_slice %arg4[%add3A_44, %mul3A_22, %dma_wait3A_53] : memref<16x1024x1024xf32, #tpu.memory_space<hbm>> -> memref<1x8x1024xf32, #tpu.memory_space<hbm>>
    %dma_wait3A_55 = tpu.memref_squeeze %dma_wait3A_54 : memref<1x8x1024xf32, #tpu.memory_space<hbm>> -> memref<8x1024xf32, #tpu.memory_space<hbm>>
    %dma_wait3A_56 = arith.constant 0 : i32
    %dma_wait3A_57 = arith.constant 0 : i32
    %dma_wait3A_58 = tpu.memref_slice %arg7[%dma_wait3A_56, %dma_wait3A_57] : memref<64x1024xf32, #tpu.memory_space<vmem>> -> memref<8x1024xf32, #tpu.memory_space<vmem>>
    tpu.wait_dma2 semaphore(%dma_wait3A_52 : memref<!tpu.dma_semaphore, #tpu.memory_space<semaphore_mem>>) src(%dma_wait3A_58 : memref<8x1024xf32, #tpu.memory_space<vmem>>) dst(%dma_wait3A_55 : memref<8x1024xf32, #tpu.memory_space<hbm>>)
    %add3A_59 = arith.constant 1 : i32
    %add3A_60 = arith.addi %mul3A_20, %add3A_59 : i32
    %dma_wait3A_61 = arith.constant 0 : i32
    %dma_wait3A_62 = arith.constant 8 : i32
    %dma_wait3A_63 = arith.constant 0 : i32
    %dma_wait3A_64 = tpu.memref_slice %arg7[%dma_wait3A_62, %dma_wait3A_63] : memref<64x1024xf32, #tpu.memory_space<vmem>> -> memref<8x1024xf32, #tpu.memory_space<vmem>>
    %dma_wait3A_65 = arith.constant 0 : i32
    %dma_wait3A_66 = tpu.memref_slice %arg4[%add3A_60, %mul3A_22, %dma_wait3A_65] : memref<16x1024x1024xf32, #tpu.memory_space<hbm>> -> memref<1x8x1024xf32, #tpu.memory_space<hbm>>
    %dma_wait3A_67 = tpu.memref_squeeze %dma_wait3A_66 : memref<1x8x1024xf32, #tpu.memory_space<hbm>> -> memref<8x1024xf32, #tpu.memory_space<hbm>>
    %dma_wait3A_68 = tpu.memref_slice %arg9[%dma_wait3A_61] : memref<2x!tpu.dma_semaphore, #tpu.memory_space<semaphore_mem>> -> memref<1x!tpu.dma_semaphore, #tpu.memory_space<semaphore_mem>>
    %dma_wait3A_69 = tpu.memref_squeeze %dma_wait3A_68 : memref<1x!tpu.dma_semaphore, #tpu.memory_space<semaphore_mem>> -> memref<!tpu.dma_semaphore, #tpu.memory_space<semaphore_mem>>
    %dma_wait3A_70 = arith.constant 0 : i32
    %dma_wait3A_71 = tpu.memref_slice %arg4[%add3A_60, %mul3A_22, %dma_wait3A_70] : memref<16x1024x1024xf32, #tpu.memory_space<hbm>> -> memref<1x8x1024xf32, #tpu.memory_space<hbm>>
    %dma_wait3A_72 = tpu.memref_squeeze %dma_wait3A_71 : memref<1x8x1024xf32, #tpu.memory_space<hbm>> -> memref<8x1024xf32, #tpu.memory_space<hbm>>
    %dma_wait3A_73 = arith.constant 8 : i32
    %dma_wait3A_74 = arith.constant 0 : i32
    %dma_wait3A_75 = tpu.memref_slice %arg7[%dma_wait3A_73, %dma_wait3A_74] : memref<64x1024xf32, #tpu.memory_space<vmem>> -> memref<8x1024xf32, #tpu.memory_space<vmem>>
    tpu.wait_dma2 semaphore(%dma_wait3A_69 : memref<!tpu.dma_semaphore, #tpu.memory_space<semaphore_mem>>) src(%dma_wait3A_75 : memref<8x1024xf32, #tpu.memory_space<vmem>>) dst(%dma_wait3A_72 : memref<8x1024xf32, #tpu.memory_space<hbm>>)
    %add3A_76 = arith.constant 2 : i32
    %add3A_77 = arith.addi %mul3A_20, %add3A_76 : i32
    %dma_wait3A_78 = arith.constant 0 : i32
    %dma_wait3A_79 = arith.constant 16 : i32
    %dma_wait3A_80 = arith.constant 0 : i32
    %dma_wait3A_81 = tpu.memref_slice %arg7[%dma_wait3A_79, %dma_wait3A_80] : memref<64x1024xf32, #tpu.memory_space<vmem>> -> memref<8x1024xf32, #tpu.memory_space<vmem>>
    %dma_wait3A_82 = arith.constant 0 : i32
    %dma_wait3A_83 = tpu.memref_slice %arg4[%add3A_77, %mul3A_22, %dma_wait3A_82] : memref<16x1024x1024xf32, #tpu.memory_space<hbm>> -> memref<1x8x1024xf32, #tpu.memory_space<hbm>>
    %dma_wait3A_84 = tpu.memref_squeeze %dma_wait3A_83 : memref<1x8x1024xf32, #tpu.memory_space<hbm>> -> memref<8x1024xf32, #tpu.memory_space<hbm>>
    %dma_wait3A_85 = tpu.memref_slice %arg9[%dma_wait3A_78] : memref<2x!tpu.dma_semaphore, #tpu.memory_space<semaphore_mem>> -> memref<1x!tpu.dma_semaphore, #tpu.memory_space<semaphore_mem>>
    %dma_wait3A_86 = tpu.memref_squeeze %dma_wait3A_85 : memref<1x!tpu.dma_semaphore, #tpu.memory_space<semaphore_mem>> -> memref<!tpu.dma_semaphore, #tpu.memory_space<semaphore_mem>>
    %dma_wait3A_87 = arith.constant 0 : i32
    %dma_wait3A_88 = tpu.memref_slice %arg4[%add3A_77, %mul3A_22, %dma_wait3A_87] : memref<16x1024x1024xf32, #tpu.memory_space<hbm>> -> memref<1x8x1024xf32, #tpu.memory_space<hbm>>
    %dma_wait3A_89 = tpu.memref_squeeze %dma_wait3A_88 : memref<1x8x1024xf32, #tpu.memory_space<hbm>> -> memref<8x1024xf32, #tpu.memory_space<hbm>>
    %dma_wait3A_90 = arith.constant 16 : i32
    %dma_wait3A_91 = arith.constant 0 : i32
    %dma_wait3A_92 = tpu.memref_slice %arg7[%dma_wait3A_90, %dma_wait3A_91] : memref<64x1024xf32, #tpu.memory_space<vmem>> -> memref<8x1024xf32, #tpu.memory_space<vmem>>
    tpu.wait_dma2 semaphore(%dma_wait3A_86 : memref<!tpu.dma_semaphore, #tpu.memory_space<semaphore_mem>>) src(%dma_wait3A_92 : memref<8x1024xf32, #tpu.memory_space<vmem>>) dst(%dma_wait3A_89 : memref<8x1024xf32, #tpu.memory_space<hbm>>)
    %add3A_93 = arith.constant 3 : i32
    %add3A_94 = arith.addi %mul3A_20, %add3A_93 : i32
    %dma_wait3A_95 = arith.constant 0 : i32
    %dma_wait3A_96 = arith.constant 24 : i32
    %dma_wait3A_97 = arith.constant 0 : i32
    %dma_wait3A_98 = tpu.memref_slice %arg7[%dma_wait3A_96, %dma_wait3A_97] : memref<64x1024xf32, #tpu.memory_space<vmem>> -> memref<8x1024xf32, #tpu.memory_space<vmem>>
    %dma_wait3A_99 = arith.constant 0 : i32
    %dma_wait3A_100 = tpu.memref_slice %arg4[%add3A_94, %mul3A_22, %dma_wait3A_99] : memref<16x1024x1024xf32, #tpu.memory_space<hbm>> -> memref<1x8x1024xf32, #tpu.memory_space<hbm>>
    %dma_wait3A_101 = tpu.memref_squeeze %dma_wait3A_100 : memref<1x8x1024xf32, #tpu.memory_space<hbm>> -> memref<8x1024xf32, #tpu.memory_space<hbm>>
    %dma_wait3A_102 = tpu.memref_slice %arg9[%dma_wait3A_95] : memref<2x!tpu.dma_semaphore, #tpu.memory_space<semaphore_mem>> -> memref<1x!tpu.dma_semaphore, #tpu.memory_space<semaphore_mem>>
    %dma_wait3A_103 = tpu.memref_squeeze %dma_wait3A_102 : memref<1x!tpu.dma_semaphore, #tpu.memory_space<semaphore_mem>> -> memref<!tpu.dma_semaphore, #tpu.memory_space<semaphore_mem>>
    %dma_wait3A_104 = arith.constant 0 : i32
    %dma_wait3A_105 = tpu.memref_slice %arg4[%add3A_94, %mul3A_22, %dma_wait3A_104] : memref<16x1024x1024xf32, #tpu.memory_space<hbm>> -> memref<1x8x1024xf32, #tpu.memory_space<hbm>>
    %dma_wait3A_106 = tpu.memref_squeeze %dma_wait3A_105 : memref<1x8x1024xf32, #tpu.memory_space<hbm>> -> memref<8x1024xf32, #tpu.memory_space<hbm>>
    %dma_wait3A_107 = arith.constant 24 : i32
    %dma_wait3A_108 = arith.constant 0 : i32
    %dma_wait3A_109 = tpu.memref_slice %arg7[%dma_wait3A_107, %dma_wait3A_108] : memref<64x1024xf32, #tpu.memory_space<vmem>> -> memref<8x1024xf32, #tpu.memory_space<vmem>>
    tpu.wait_dma2 semaphore(%dma_wait3A_103 : memref<!tpu.dma_semaphore, #tpu.memory_space<semaphore_mem>>) src(%dma_wait3A_109 : memref<8x1024xf32, #tpu.memory_space<vmem>>) dst(%dma_wait3A_106 : memref<8x1024xf32, #tpu.memory_space<hbm>>)
    %add3A_110 = arith.constant 0 : i32
    %add3A_111 = arith.addi %mul3A_20, %add3A_110 : i32
    %dma_wait3A_112 = arith.constant 1 : i32
    %dma_wait3A_113 = arith.constant 32 : i32
    %dma_wait3A_114 = arith.constant 0 : i32
    %dma_wait3A_115 = tpu.memref_slice %arg7[%dma_wait3A_113, %dma_wait3A_114] : memref<64x1024xf32, #tpu.memory_space<vmem>> -> memref<8x1024xf32, #tpu.memory_space<vmem>>
    %dma_wait3A_116 = arith.constant 0 : i32
    %dma_wait3A_117 = tpu.memref_slice %arg4[%add3A_111, %mul3A_22, %dma_wait3A_116] : memref<16x1024x1024xf32, #tpu.memory_space<hbm>> -> memref<1x8x1024xf32, #tpu.memory_space<hbm>>
    %dma_wait3A_118 = tpu.memref_squeeze %dma_wait3A_117 : memref<1x8x1024xf32, #tpu.memory_space<hbm>> -> memref<8x1024xf32, #tpu.memory_space<hbm>>
    %dma_wait3A_119 = tpu.memref_slice %arg9[%dma_wait3A_112] : memref<2x!tpu.dma_semaphore, #tpu.memory_space<semaphore_mem>> -> memref<1x!tpu.dma_semaphore, #tpu.memory_space<semaphore_mem>>
    %dma_wait3A_120 = tpu.memref_squeeze %dma_wait3A_119 : memref<1x!tpu.dma_semaphore, #tpu.memory_space<semaphore_mem>> -> memref<!tpu.dma_semaphore, #tpu.memory_space<semaphore_mem>>
    %dma_wait3A_121 = arith.constant 0 : i32
    %dma_wait3A_122 = tpu.memref_slice %arg4[%add3A_111, %mul3A_22, %dma_wait3A_121] : memref<16x1024x1024xf32, #tpu.memory_space<hbm>> -> memref<1x8x1024xf32, #tpu.memory_space<hbm>>
    %dma_wait3A_123 = tpu.memref_squeeze %dma_wait3A_122 : memref<1x8x1024xf32, #tpu.memory_space<hbm>> -> memref<8x1024xf32, #tpu.memory_space<hbm>>
    %dma_wait3A_124 = arith.constant 32 : i32
    %dma_wait3A_125 = arith.constant 0 : i32
    %dma_wait3A_126 = tpu.memref_slice %arg7[%dma_wait3A_124, %dma_wait3A_125] : memref<64x1024xf32, #tpu.memory_space<vmem>> -> memref<8x1024xf32, #tpu.memory_space<vmem>>
    tpu.wait_dma2 semaphore(%dma_wait3A_120 : memref<!tpu.dma_semaphore, #tpu.memory_space<semaphore_mem>>) src(%dma_wait3A_126 : memref<8x1024xf32, #tpu.memory_space<vmem>>) dst(%dma_wait3A_123 : memref<8x1024xf32, #tpu.memory_space<hbm>>)
    %add3A_127 = arith.constant 1 : i32
    %add3A_128 = arith.addi %mul3A_20, %add3A_127 : i32
    %dma_wait3A_129 = arith.constant 1 : i32
    %dma_wait3A_130 = arith.constant 40 : i32
    %dma_wait3A_131 = arith.constant 0 : i32
    %dma_wait3A_132 = tpu.memref_slice %arg7[%dma_wait3A_130, %dma_wait3A_131] : memref<64x1024xf32, #tpu.memory_space<vmem>> -> memref<8x1024xf32, #tpu.memory_space<vmem>>
    %dma_wait3A_133 = arith.constant 0 : i32
    %dma_wait3A_134 = tpu.memref_slice %arg4[%add3A_128, %mul3A_22, %dma_wait3A_133] : memref<16x1024x1024xf32, #tpu.memory_space<hbm>> -> memref<1x8x1024xf32, #tpu.memory_space<hbm>>
    %dma_wait3A_135 = tpu.memref_squeeze %dma_wait3A_134 : memref<1x8x1024xf32, #tpu.memory_space<hbm>> -> memref<8x1024xf32, #tpu.memory_space<hbm>>
    %dma_wait3A_136 = tpu.memref_slice %arg9[%dma_wait3A_129] : memref<2x!tpu.dma_semaphore, #tpu.memory_space<semaphore_mem>> -> memref<1x!tpu.dma_semaphore, #tpu.memory_space<semaphore_mem>>
    %dma_wait3A_137 = tpu.memref_squeeze %dma_wait3A_136 : memref<1x!tpu.dma_semaphore, #tpu.memory_space<semaphore_mem>> -> memref<!tpu.dma_semaphore, #tpu.memory_space<semaphore_mem>>
    %dma_wait3A_138 = arith.constant 0 : i32
    %dma_wait3A_139 = tpu.memref_slice %arg4[%add3A_128, %mul3A_22, %dma_wait3A_138] : memref<16x1024x1024xf32, #tpu.memory_space<hbm>> -> memref<1x8x1024xf32, #tpu.memory_space<hbm>>
    %dma_wait3A_140 = tpu.memref_squeeze %dma_wait3A_139 : memref<1x8x1024xf32, #tpu.memory_space<hbm>> -> memref<8x1024xf32, #tpu.memory_space<hbm>>
    %dma_wait3A_141 = arith.constant 40 : i32
    %dma_wait3A_142 = arith.constant 0 : i32
    %dma_wait3A_143 = tpu.memref_slice %arg7[%dma_wait3A_141, %dma_wait3A_142] : memref<64x1024xf32, #tpu.memory_space<vmem>> -> memref<8x1024xf32, #tpu.memory_space<vmem>>
    tpu.wait_dma2 semaphore(%dma_wait3A_137 : memref<!tpu.dma_semaphore, #tpu.memory_space<semaphore_mem>>) src(%dma_wait3A_143 : memref<8x1024xf32, #tpu.memory_space<vmem>>) dst(%dma_wait3A_140 : memref<8x1024xf32, #tpu.memory_space<hbm>>)
    %add3A_144 = arith.constant 2 : i32
    %add3A_145 = arith.addi %mul3A_20, %add3A_144 : i32
    %dma_wait3A_146 = arith.constant 1 : i32
    %dma_wait3A_147 = arith.constant 48 : i32
    %dma_wait3A_148 = arith.constant 0 : i32
    %dma_wait3A_149 = tpu.memref_slice %arg7[%dma_wait3A_147, %dma_wait3A_148] : memref<64x1024xf32, #tpu.memory_space<vmem>> -> memref<8x1024xf32, #tpu.memory_space<vmem>>
    %dma_wait3A_150 = arith.constant 0 : i32
    %dma_wait3A_151 = tpu.memref_slice %arg4[%add3A_145, %mul3A_22, %dma_wait3A_150] : memref<16x1024x1024xf32, #tpu.memory_space<hbm>> -> memref<1x8x1024xf32, #tpu.memory_space<hbm>>
    %dma_wait3A_152 = tpu.memref_squeeze %dma_wait3A_151 : memref<1x8x1024xf32, #tpu.memory_space<hbm>> -> memref<8x1024xf32, #tpu.memory_space<hbm>>
    %dma_wait3A_153 = tpu.memref_slice %arg9[%dma_wait3A_146] : memref<2x!tpu.dma_semaphore, #tpu.memory_space<semaphore_mem>> -> memref<1x!tpu.dma_semaphore, #tpu.memory_space<semaphore_mem>>
    %dma_wait3A_154 = tpu.memref_squeeze %dma_wait3A_153 : memref<1x!tpu.dma_semaphore, #tpu.memory_space<semaphore_mem>> -> memref<!tpu.dma_semaphore, #tpu.memory_space<semaphore_mem>>
    %dma_wait3A_155 = arith.constant 0 : i32
    %dma_wait3A_156 = tpu.memref_slice %arg4[%add3A_145, %mul3A_22, %dma_wait3A_155] : memref<16x1024x1024xf32, #tpu.memory_space<hbm>> -> memref<1x8x1024xf32, #tpu.memory_space<hbm>>
    %dma_wait3A_157 = tpu.memref_squeeze %dma_wait3A_156 : memref<1x8x1024xf32, #tpu.memory_space<hbm>> -> memref<8x1024xf32, #tpu.memory_space<hbm>>
    %dma_wait3A_158 = arith.constant 48 : i32
    %dma_wait3A_159 = arith.constant 0 : i32
    %dma_wait3A_160 = tpu.memref_slice %arg7[%dma_wait3A_158, %dma_wait3A_159] : memref<64x1024xf32, #tpu.memory_space<vmem>> -> memref<8x1024xf32, #tpu.memory_space<vmem>>
    tpu.wait_dma2 semaphore(%dma_wait3A_154 : memref<!tpu.dma_semaphore, #tpu.memory_space<semaphore_mem>>) src(%dma_wait3A_160 : memref<8x1024xf32, #tpu.memory_space<vmem>>) dst(%dma_wait3A_157 : memref<8x1024xf32, #tpu.memory_space<hbm>>)
    %add3A_161 = arith.constant 3 : i32
    %add3A_162 = arith.addi %mul3A_20, %add3A_161 : i32
    %dma_wait3A_163 = arith.constant 1 : i32
    %dma_wait3A_164 = arith.constant 56 : i32
    %dma_wait3A_165 = arith.constant 0 : i32
    %dma_wait3A_166 = tpu.memref_slice %arg7[%dma_wait3A_164, %dma_wait3A_165] : memref<64x1024xf32, #tpu.memory_space<vmem>> -> memref<8x1024xf32, #tpu.memory_space<vmem>>
    %dma_wait3A_167 = arith.constant 0 : i32
    %dma_wait3A_168 = tpu.memref_slice %arg4[%add3A_162, %mul3A_22, %dma_wait3A_167] : memref<16x1024x1024xf32, #tpu.memory_space<hbm>> -> memref<1x8x1024xf32, #tpu.memory_space<hbm>>
    %dma_wait3A_169 = tpu.memref_squeeze %dma_wait3A_168 : memref<1x8x1024xf32, #tpu.memory_space<hbm>> -> memref<8x1024xf32, #tpu.memory_space<hbm>>
    %dma_wait3A_170 = tpu.memref_slice %arg9[%dma_wait3A_163] : memref<2x!tpu.dma_semaphore, #tpu.memory_space<semaphore_mem>> -> memref<1x!tpu.dma_semaphore, #tpu.memory_space<semaphore_mem>>
    %dma_wait3A_171 = tpu.memref_squeeze %dma_wait3A_170 : memref<1x!tpu.dma_semaphore, #tpu.memory_space<semaphore_mem>> -> memref<!tpu.dma_semaphore, #tpu.memory_space<semaphore_mem>>
    %dma_wait3A_172 = arith.constant 0 : i32
    %dma_wait3A_173 = tpu.memref_slice %arg4[%add3A_162, %mul3A_22, %dma_wait3A_172] : memref<16x1024x1024xf32, #tpu.memory_space<hbm>> -> memref<1x8x1024xf32, #tpu.memory_space<hbm>>
    %dma_wait3A_174 = tpu.memref_squeeze %dma_wait3A_173 : memref<1x8x1024xf32, #tpu.memory_space<hbm>> -> memref<8x1024xf32, #tpu.memory_space<hbm>>
    %dma_wait3A_175 = arith.constant 56 : i32
    %dma_wait3A_176 = arith.constant 0 : i32
    %dma_wait3A_177 = tpu.memref_slice %arg7[%dma_wait3A_175, %dma_wait3A_176] : memref<64x1024xf32, #tpu.memory_space<vmem>> -> memref<8x1024xf32, #tpu.memory_space<vmem>>
    tpu.wait_dma2 semaphore(%dma_wait3A_171 : memref<!tpu.dma_semaphore, #tpu.memory_space<semaphore_mem>>) src(%dma_wait3A_177 : memref<8x1024xf32, #tpu.memory_space<vmem>>) dst(%dma_wait3A_174 : memref<8x1024xf32, #tpu.memory_space<hbm>>)
    return
  }
}

</mosaic_0001>

<sc_bundles>
// kernel: kernel.3.cloned.1.call-start
scs
__scs_entry_jumppad:
0x0: {  	(pc) =	sbr.rel $0x88, $3  }
0x1: {  	(tag) =	ssettag $0x0;
	lr =	simm.s32 $0x1  }
0x2: {  	[smem:$0x3F9F] =	sst lr;
	_ =	strace $0xD0000000  }
0x3: {  	_ = 	snop  }
0x4: {  	_ = 	snop  }
0x5: {  	_ = 	snop  }
0x6: {  	_ = 	snop  }
0x7: {  	_ = 	snop  }
__scs_overlays_trampoline_lowered:
0x8: {  	[smem:$0x3FAE] =	sst s0  }
0x9: {  	[smem:$0x3FAF] =	sst s1  }
0xa: {  	[smem:$0x3FB0] =	sst s2  }
0xb: {  	[smem:$0x3FB1] =	sst s3  }
0xc: {  	[smem:$0x3FB2] =	sst s4  }
0xd: {  	[smem:$0x3FB3] =	sst s5  }
0xe: {  	[smem:$0x3FB4] =	sst s6  }
0xf: {  	[smem:$0x3FB5] =	sst s7  }
0x10: {  	[smem:$0x3FB6] =	sst s8  }
0x11: {  	[smem:$0x3FB7] =	sst s9;
	s0 =	simm.s32 @!p0 $0x0  }
0x12: {  	s1 =	sld [smem:$0x3F9D];
	s0 =	simm.s32 @p0 $0x1  }
0x13: {  	[smem:$0x3FB8] =	sst s0;
	s0 =	simm.s32 @!p1 $0x0  }
0x14: {  	s2 =	sld [smem:$0x3F9C];
	s0 =	simm.s32 @p1 $0x1  }
0x15: {  	[smem:$0x3FB9] =	sst s0;
	s0 =	simm.s32 @!p2 $0x0  }
0x16: {  	s3 =	sld [smem:$0x3FDB];
	s0 =	simm.s32 @p2 $0x1  }
0x17: {  	s4 =	simm.s32 $0x1BF5;
	[smem:$0x3FBB] =	sst s0  }
0x18: {  	s0 =	sld [smem:$0x3F9E];
	_ =	swait.ge [sflag:s4], $0x0  }
0x19: {  	s7 =	sld [smem:$0x3F9F]  }
0x1a: {  	s8 =	sadd.s32 $0xFFFFE003, lr  }
0x1b: {  	s9 =	sadd.s32 $0xFFFFFEF7, lr;
	s5 =	simm.s32 $0xFFFFFFFF;
	p2 =	slt.u32 s8, $0xFFFFF086  }
0x1c: {  	p1 =	slt.u32 s9, $0xF7A;
	s5 =	simm.s32 @!p2 $0x0  }
0x1d: {  	s5 =	simm.s32 @p1 $0x1;
	p0 =	seq.s32 s7, s2  }
0x1e: {  	s7 =	smul.u32 @!p0 $0xF7A, s2;
	p2 =	seq.s32 @!p0 s5, $0x0  }
0x1f: {  	s9 =	smul.u32 $0xF7A, s1;
	s8 =	simm.s32 @!p0 $0x1BF5;
	p2 =	por !p2, p0  }
0x20: {  	[sflag:s8] =	ssyncset.s32 @!p0 $0xFFFFF086;
	s6 =	sadd.s32 @!p0 s3, s7;
	s7 =	simm.s32 @!p0 $0x108  }
0x21: {  	s3 =	sadd.s32 s3, s9;
	s6 =	sadd.s32 @!p0 $0x88, s6;
	s7 =	simm.s32 @p2 $0x1082  }
0x22: {  	[simem:s7], [sflag:s8] =	dma.local @!p0 [hbm:s6], $0xF7A  }
0x23: {  	s9 =	sor.u32 $0xD0000000, s2;
	s6 =	simm.s32 $0x108;
	_ =	swait.ge @!p0 [sflag:s8], $0x0  }
0x24: {  	s3 =	sadd.s32 $0x88, s3;
	s6 =	simm.s32 @!p1 $0x1082;
	[sflag:s4] =	ssyncset.s32 $0xFFFFF086  }
0x25: {  	[simem:s6], [sflag:s4] =	dma.local [hbm:s3], $0xF7A  }
0x26: {  	[smem:$0x3F9F] =	sst s1;
	(tag) =	ssettag s2;
	_ =	strace s9  }
0x27: {  	s1 =	sld [smem:$0x3FAF]  }
0x28: {  	s2 =	sld [smem:$0x3FB0]  }
0x29: {  	s4 =	sld [smem:$0x3FB2]  }
0x2a: {  	p0 =	seq.s32 s5, $0x0;
	s5 =	sld [smem:$0x3FB3]  }
0x2b: {  	s6 =	sld [smem:$0x3FB4]  }
0x2c: {  	s7 =	sld [smem:$0x3FB5]  }
0x2d: {  	s3 =	simm.s32 $0x108;
	s8 =	sld [smem:$0x3FB6]  }
0x2e: {  	s3 =	simm.s32 @!p0 $0x1082;
	s9 =	sld [smem:$0x3FB7]  }
0x2f: {  	lr =	sadd.s32 s0, s3;
	s0 =	sld [smem:$0x3FAE]  }
0x30: {  	s3 =	sld [smem:$0x3FB1]  }
0x31: {  	[smem:$0x3FBA] =	sst s10  }
0x32: {  	s10 =	sld [smem:$0x3FB8];
	_ =	sdelay $0x3  }
0x33: {  	p0 =	seq.s32 s10, $0x1;
	s10 =	sld [smem:$0x3FBA];
	_ =	sdelay $0x3  }
0x34: {  	[smem:$0x3FBA] =	sst s10  }
0x35: {  	s10 =	sld [smem:$0x3FB9];
	_ =	sdelay $0x3  }
0x36: {  	p1 =	seq.s32 s10, $0x1;
	s10 =	sld [smem:$0x3FBA];
	_ =	sdelay $0x3  }
0x37: {  	[smem:$0x3FBA] =	sst s10  }
0x38: {  	s10 =	sld [smem:$0x3FBB]  }
0x39: {  	_ = 	snop;
	(pc) =	sbr.ind lr, $3  }
0x3a: {  	_ = 	snop  }
0x3b: {  	_ = 	snop  }
0x3c: {  	p2 =	seq.s32 s10, $0x1;
	s10 =	sld [smem:$0x3FBA]  }
0x3d: {  	_ =	shalt  }
0x3e: {  	_ =	shalt  }
0x3f: {  	_ =	shalt  }
0x40: {  	_ =	shalt  }
0x41: {  	_ =	shalt  }
0x42: {  	_ =	shalt  }
0x43: {  	_ =	shalt  }
0x44: {  	_ =	shalt  }
0x45: {  	_ =	shalt  }
0x46: {  	_ =	shalt  }
0x47: {  	_ =	shalt  }
0x48: {  	_ =	shalt  }
0x49: {  	_ =	shalt  }
0x4a: {  	_ =	shalt  }
0x4b: {  	_ =	shalt  }
0x4c: {  	_ =	shalt  }
0x4d: {  	_ =	shalt  }
0x4e: {  	_ =	shalt  }
0x4f: {  	_ =	shalt  }
0x50: {  	_ =	shalt  }
0x51: {  	_ =	shalt  }
0x52: {  	_ =	shalt  }
0x53: {  	_ =	shalt  }
0x54: {  	_ =	shalt  }
0x55: {  	_ =	shalt  }
0x56: {  	_ =	shalt  }
0x57: {  	_ =	shalt  }
0x58: {  	_ =	shalt  }
0x59: {  	_ =	shalt  }
0x5a: {  	_ =	shalt  }
0x5b: {  	_ =	shalt  }
0x5c: {  	_ =	shalt  }
0x5d: {  	_ =	shalt  }
0x5e: {  	_ =	shalt  }
0x5f: {  	_ =	shalt  }
0x60: {  	_ =	shalt  }
0x61: {  	_ =	shalt  }
0x62: {  	_ =	shalt  }
0x63: {  	_ =	shalt  }
0x64: {  	_ =	shalt  }
0x65: {  	_ =	shalt  }
0x66: {  	_ =	shalt  }
0x67: {  	_ =	shalt  }
0x68: {  	_ =	shalt  }
0x69: {  	_ =	shalt  }
0x6a: {  	_ =	shalt  }
0x6b: {  	_ =	shalt  }
0x6c: {  	_ =	shalt  }
0x6d: {  	_ =	shalt  }
0x6e: {  	_ =	shalt  }
0x6f: {  	_ =	shalt  }
0x70: {  	_ =	shalt  }
0x71: {  	_ =	shalt  }
0x72: {  	_ =	shalt  }
0x73: {  	_ =	shalt  }
0x74: {  	_ =	shalt  }
0x75: {  	_ =	shalt  }
0x76: {  	_ =	shalt  }
0x77: {  	_ =	shalt  }
0x78: {  	_ =	shalt  }
0x79: {  	_ =	shalt  }
0x7a: {  	_ =	shalt  }
0x7b: {  	_ =	shalt  }
0x7c: {  	_ =	shalt  }
0x7d: {  	_ =	shalt  }
0x7e: {  	_ =	shalt  }
0x7f: {  	_ =	shalt  }
0x80: {  	_ =	shalt  }
0x81: {  	_ =	shalt  }
0x82: {  	_ =	shalt  }
0x83: {  	_ =	shalt  }
0x84: {  	_ =	shalt  }
0x85: {  	_ =	shalt  }
0x86: {  	_ =	shalt  }
0x87: {  	_ =	shalt  }
.Lfunc_end0:
.L_simem_size_0:
called_computation_lowered:
.L_overlay_start_0:
0x88: {  	s2 =	sld [smem:$0x3FD9]  }
0x89: {  	s3 =	sld [smem:$0x3FFE];
	_ =	sdelay $0x1  }
0x8a: {  	s1 =	srdreg.scid  }
0x8b: {  	s0 =	sand.u32 $0x1, s1  }
0x8c: {  	s17 =	sshll.u32 s0, $0xA;
	s2 =	sadd.s32 s3, s2  }
0x8d: {  	s2 =	sadd.s32 s2, s17  }
0x8e: {  	[smem:$0x3FC6] =	sst s2  }
0x8f: {  	_ = 	snop  }
0x90: {  	s2 =	sld [smem:$0x3FC8]  }
0x91: {  	s18 =	sld [smem:$0x3FD0];
	(tm) =	ssettm $0x1  }
0x92: {  	s4 =	sld [smem:$0x3FFB];
	_ =	sdelay $0x3  }
0x93: {  	_ =	strace s4  }
0x94: {  	s4 =	sld [smem:$0x3FFC];
	_ =	sdelay $0x3  }
0x95: {  	_ =	strace s4  }
0x96: {  	s4 =	sld [smem:$0x3FFD];
	_ =	sdelay $0x3  }
0x97: {  	_ =	strace s4  }
0x98: {  	_ =	strace $0x8FFFFFFF  }
0x99: {  	s19 =	sld [smem:$0x3FDB];
	_ =	sdelay $0x1  }
0x9a: {  	s5 =	simm.s32 $_scs_section_size  }
0x9b: {  	s6 =	simm.s32 $_size__tile_overlayer_lowered;
	s7 =	simm.s32 $_tile_overlayer_lowered  }
0x9c: {  	s22 =	simm.s32 $0x1BFF;
	s21 =	sshll.u32 s7, $0x1;
	s4 =	sadd.s32 s5, s19  }
0x9d: {  	s8 =	simm.s32 $0x0;
	s20 =	sshll.u32 s6, $0x1;
	s6 =	sadd.s32 s21, s4  }
0x9e: {  	[timem:s8], [sflag:s22] =	dma.local [hbm:s6], s20  }
0x9f: {  	_ =	swait.ge [sflag:s22], s20  }
0xa0: {  	s5 =	ssub.s32 $0x0, s20;
	[sflag:s22] =	ssyncset.done $0x0  }
0xa1: {  	[sflag:s22] =	ssyncadd.s32 s5;
	_ =	sdelay $0x1  }
0xa2: {  	s23 =	simm.s32 $0x1B8B  }
0xa3: {  	_ =	swait.ge [sflag:s23], $0x1  }
0xa4: {  	[sflag:s23] =	ssyncset.done $0x0  }
0xa5: {  	s25 =	simm.s32 $0x1B8E;
	s24 =	sld [smem:$0x3FFE];
	[sflag:s23] =	ssyncadd.s32 $0xFFFFFFFF  }
0xa6: {  	s26 =	simm.s32 $execute0_lowered;
	[smem:$0x3FD2] =	sst s25  }
0xa7: {  	s6 =	sshll.u32 s26, $0x1;
	_ =	strace $0x80000046;
	[dreg:$0x1] =	wrdreg $0xFFFFFFFF  }
0xa8: {  	s28 =	simm.s32 $_size_execute0_lowered;
	s4 =	sadd.s32 s4, s6;
	[dreg:$0x0] =	wrdreg $0x0  }
0xa9: {  	s6 =	sshll.u32 s28, $0x1;
	[dreg:$0x2] =	wrdreg s4  }
0xaa: {  	[dreg:$0x3] =	wrdreg s6  }
0xab: {  	[dreg:$0x4] =	wrdreg $0xC0  }
0xac: {  	_ =	task [dreg:s8], $0x5FFFF  }
0xad: {  	[dreg:$0x1] =	wrdreg $0xFFFFFFFF  }
0xae: {  	[dreg:$0x0] =	wrdreg $0x60  }
0xaf: {  	[dreg:$0x2] =	wrdreg s24  }
0xb0: {  	[dreg:$0x3] =	wrdreg s2  }
0xb1: {  	[dreg:$0x4] =	wrdreg s18  }
0xb2: {  	[dreg:$0x5] =	wrdreg $0x9  }
0xb3: {  	_ =	task.clear_ibuf [dreg:s8], $0x6FFFF;
	_ =	strace $0x90000046  }
0xb4: {  	s29 =	simm.s32 $0x9;
	_ =	strace $0x80000048  }
0xb5: {  	_ =	swait.ge [sflag:s29], $0x1  }
0xb6: {  	[sflag:s29] =	ssyncadd.s32 $0xFFFFFFFF  }
0xb7: {  	_ =	strace $0x90000048  }
0xb8: {  	_ =	sfence  }
0xb9: {  	s30 =	sld [smem:$0x0];
	_ =	sdelay $0x2  }
0xba: {  	s31 =	sshll.u32 s1, $0xD;
	s1 =	sshrl.u32 s1, $0x2  }
0xbb: {  	s3 =	sand.u32 $0x4000, s31;
	s1 =	sadd.s32 s1, s30  }
0xbc: {  	s0 =	sor.u32 s3, s0;
	s1 =	sshll.u32 s1, $0x11  }
0xbd: {  	s0 =	sor.u32 s1, s0  }
0xbe: {  	s0 =	sadd.s32 $0x8F2B, s0  }
0xbf: {  	[sflag:s0] =	ssyncadd.remote.s32 $0x1  }
0xc0: {  	_ =	sfence.sel $0xFFFF  }
0xc1: {  	[dreg:$0x0] =	wrdreg $0xFFFFFFFF;
	(pc) =	sbr.abs _section_cstart, $3  }
0xc2: {  	[dreg:$0x1] =	wrdreg $0xFFFFFFFF  }
0xc3: {  	_ =	task.clear_ibuf [dreg:s8], $0x2FFFF;
	_ =	strace $0x9FFFFFFF  }
0xc4: {  	(tm) =	ssettm $0x7FFFFFFF  }
0xc5: {  	_ =	shalt  }
tec
execute0_lowered:
.L_overlay_start_1:
0x0: {  	(tag) =	ssettag $0x1  }
0x1: {  	s0 =	rddreg [dreg:$0x0]  }
0x2: {  	s1 =	rddreg [dreg:$0x1]  }
0x3: {  	s2 =	rddreg [dreg:$0x2];
	s3 =	simm.s32 $0x0  }
0x4: {  	s9 =	stileid.u32;
	s4 =	srdreg.scid;
	s11 =	simm.s32 $0x5  }
0x5: {  	s12 =	simm.s32 $0x3;
	s13 =	simm.s32 $0x4;
	s14 =	simm.s32 $0x0  }
0x6: {  	[smem:$0x7FF] =	sst s3;
	s5 =	sshrl.u32 s9, $0x3;
	s6 =	sshll.u32 s9, $0x1  }
0x7: {  	s4 =	sand.u32 $0x1, s4;
	s30 =	sshll.u32 s9, $0x11;
	s6 =	sand.u32 $0xE, s6  }
0x8: {  	s5 =	smul.u32 $0xF81, s5;
	s7 =	ssub.s32 $0x2, s4;
	s4 =	sor.u32 s4, s6  }
.Ltmp0:
0x9: {  	_ =	strace $0x80000047;
	s6 =	sshll.u32 s4, $0xD;
	(pc) =	sbr.rel .LBB2_1-.Ltmp0, $4  }
0xa: {  	s8 =	sshrl.u32 s7, $0x1;
	s0 =	sadd.s32 s5, s0;
	s6 =	sadd.s32 s1, s6  }
0xb: {  	s29 =	ssub.s32 s7, s8;
	s0 =	sadd.s32 $0x400, s0;
	[dreg:$0x4] =	wrdreg s6  }
0xc: {  	s4 =	sshll.u32 s4, $0x6;
	s31 =	smax.u32 s29, $0x1;
	[dreg:$0x5] =	wrdreg s0  }
0xd: {  	s7 =	sadd.s32 $0x400, s1;
	s8 =	sand.u32 $0x100000, s30;
	[dreg:$0x6] =	wrdreg s31  }
.LBB2_23:
0xe: {  	_ =	swait.ge [sflag:s12], $0x2000  }
0xf: {  	[sflag:s12] =	ssyncset.done $0x0  }
0x10: {  	[sflag:s12] =	ssyncadd.s32 $0xFFFFE000  }
0x11: {  	_ =	swait.ge [sflag:s12], $0x2000  }
0x12: {  	[sflag:s12] =	ssyncset.done $0x0  }
0x13: {  	[sflag:s12] =	ssyncadd.s32 $0xFFFFE000  }
0x14: {  	_ =	swait.ge [sflag:s12], $0x2000  }
0x15: {  	[sflag:s12] =	ssyncset.done $0x0  }
0x16: {  	[sflag:s12] =	ssyncadd.s32 $0xFFFFE000  }
0x17: {  	_ =	swait.ge [sflag:s12], $0x2000  }
0x18: {  	[sflag:s12] =	ssyncset.done $0x0  }
0x19: {  	[sflag:s12] =	ssyncadd.s32 $0xFFFFE000  }
0x1a: {  	_ =	swait.ge [sflag:s13], $0x2000  }
0x1b: {  	[sflag:s13] =	ssyncset.done $0x0  }
0x1c: {  	[sflag:s13] =	ssyncadd.s32 $0xFFFFE000  }
0x1d: {  	_ =	swait.ge [sflag:s13], $0x2000  }
0x1e: {  	[sflag:s13] =	ssyncset.done $0x0  }
0x1f: {  	[sflag:s13] =	ssyncadd.s32 $0xFFFFE000  }
0x20: {  	_ =	swait.ge [sflag:s13], $0x2000  }
0x21: {  	[sflag:s13] =	ssyncset.done $0x0  }
0x22: {  	[sflag:s13] =	ssyncadd.s32 $0xFFFFE000  }
0x23: {  	_ =	swait.ge [sflag:s13], $0x2000  }
0x24: {  	s14 =	sadd.s32 $0x1, s14;
	s0 =	rddreg [dreg:$0x6]  }
0x25: {  	p0 =	sne.s32 s14, s0  }
.Ltmp1:
0x26: {  	_ = 	snop;
	(pc) =	sbr.rel @!p0 .LBB2_24-.Ltmp1, $3  }
0x27: {  	_ =	sdelay $0x1  }
0x28: {  	[sflag:s13] =	ssyncset.done $0x0  }
0x29: {  	[sflag:s13] =	ssyncadd.s32 $0xFFFFE000  }
.LBB2_1:
0x2a: {  	s0 =	rddreg [dreg:$0x4];
	s1 =	simm.s32 $0x7C80  }
0x2b: {  	[tilespmem:s1], [sflag:$0x1] =	stream.linear.gather [hbm4b:s0+s3], $0x2000, $0x38;
	[tilespmem:$0x1BC80] =	vst v63  }
0x2c: {  	s31 =	rddreg [dreg:$0x5]  }
0x2d: {  	[tilespmem:s3], [sflag:$0x5] =	stream.linear.gather [hbm4b:s31+s3], $0x7C08, $0x38;
	[tilespmem:$0x1BC80] =	vst v63  }
0x2e: {  	_ =	swait.ge [sflag:s11], $0x7C08  }
0x2f: {  	[sflag:s11] =	ssyncset.done $0x0  }
0x30: {  	p0 =	por $0x0, $0x0;
	s15 =	simm.s32 $0x0;
	[sflag:s11] =	ssyncadd.s32 $0xFFFF83F8  }
.LBB2_2:
0x31: {  	s16 =	sand.u32 $0x1, s15  }
0x32: {  	s0 =	sshrl.u32 s15, $0x1;
	p1 =	seq.s32 s16, $0x1  }
0x33: {  	p2 =	seq.s32 @!p1 s0, $0x7  }
0x34: {  	p1 =	por p1, p2  }
.Ltmp2:
0x35: {  	_ = 	snop;
	(pc) =	sbr.rel @p1 .LBB2_4-.Ltmp2, $4  }
0x36: {  	_ = 	snop  }
0x37: {  	s1 =	sshll.u32 s0, $0x3  }
0x38: {  	s1 =	sadd.s32 s4, s1  }
0x39: {  	s0 =	sand.u32 $0x1, s0;
	s17 =	sshll.u32 s1, $0x7  }
0x3a: {  	s1 =	sxor.u32 $0x1, s0  }
0x3b: {  	s5 =	sshll.u32 s1, $0xD  }
0x3c: {  	s6 =	sadd.s32 s17, s7;
	s1 =	sadd.s32 $0x1, s1;
	s5 =	sadd.s32 $0x7C80, s5  }
0x3d: {  	[tilespmem:s5], [sflag:s1] =	stream.linear.gather [hbm4b:s6+s3], $0x2000, $0x38;
	[tilespmem:$0x1BC80] =	vst v63  }
.LBB2_5:
0x3e: {  	s1 =	sadd.s32 $0x1, s0  }
0x3f: {  	_ =	swait.ge [sflag:s1], $0x2000  }
0x40: {  	[sflag:s1] =	ssyncset.done $0x0  }
0x41: {  	[sflag:s1] =	ssyncadd.s32 $0xFFFFE000  }
.LBB2_6:
0x42: {  	p1 =	slt.u32 s15, $0x2  }
0x43: {  	s5 =	sadd.s32 @!p1 $0x3, s16  }
0x44: {  	_ =	swait.ge @!p1 [sflag:s5], $0x2000  }
0x45: {  	[sflag:s5] =	ssyncset.done @!p1 $0x0  }
0x46: {  	[sflag:s5] =	ssyncadd.s32 @!p1 $0xFFFFE000  }
0x47: {  	_ =	swait.ge @!p1 [sflag:s5], $0x2000  }
0x48: {  	[sflag:s5] =	ssyncset.done @!p1 $0x0  }
0x49: {  	s1 =	sshll.u32 s0, $0xD;
	[sflag:s5] =	ssyncadd.s32 @!p1 $0xFFFFE000  }
0x4a: {  	s0 =	sadd.s32 $0x7CF0, s1;
	_ =	swait.ge @!p1 [sflag:s5], $0x2000  }
0x4b: {  	v12 =	vmov s0;
	[sflag:s5] =	ssyncset.done @!p1 $0x0  }
0x4c: {  	[sflag:s5] =	ssyncadd.s32 @!p1 $0xFFFFE000  }
0x4d: {  	_ =	swait.ge @!p1 [sflag:s5], $0x2000  }
0x4e: {  	[sflag:s5] =	ssyncset.done @!p1 $0x0  }
0x4f: {  	s0 =	simm.s32 $0x0;
	[sflag:s5] =	ssyncadd.s32 @!p1 $0xFFFFE000  }
0x50: {  	v9 =	vld.idx.msk [tilespmem:v12+s0+$0xFFFFFFD0 ss:$0x1], $0xffff  }
0x51: {  	v6 =	vld.idx.msk [tilespmem:v12+s0+$0xFFFFFFE0 ss:$0x1], $0xffff  }
0x52: {  	s9 =	smul.u32 $0x3E04, s16;
	v4 =	vld.idx.msk [tilespmem:v12+s0+$0xFFFFFFF0 ss:$0x1], $0xffff  }
0x53: {  	v11 =	vld.idx.msk [tilespmem:v12+s0+$0xFFFFFFB0 ss:$0x1], $0xffff  }
0x54: {  	v0 =	vmov s9;
	v8 =	vld.idx.msk [tilespmem:v12+s0+$0xFFFFFFA0 ss:$0x1], $0xffff  }
0x55: {  	v7 =	vld.idx.msk [tilespmem:v12+s0+$0x0 ss:$0x1], $0xffff;
	v1 =	vadd.s32 v0, v9  }
0x56: {  	v10 =	vld.idx.msk [tilespmem:v12+s0+$0xFFFFFF90 ss:$0x1], $0xffff;
	v2 =	vadd.s32 v0, v6  }
0x57: {  	s6 =	simm.s32 $0x1;
	v13 =	vld.idx.msk [tilespmem:v12+s0+$0xFFFFFFC0 ss:$0x1], $0xffff;
	v3 =	vadd.s32 v0, v4  }
0x58: {  	s6 =	simm.s32 @!p0 $0x0;
	v14 =	vadd.s32 v0, v11  }
0x59: {  	s30 =	simm.s32 $0x0;
	s6 =	sshll.u32 s6, $0xF;
	v15 =	vadd.s32 v0, v8  }
0x5a: {  	s18 =	sadd.s32 $0xBC80, s6;
	v16 =	vadd.s32 v0, v7;
	v17 =	vld.idx.msk [tilespmem:v1+s30+$0x0], $0xffff  }
0x5b: {  	s20 =	sadd.s32 $0xF81, s9;
	v5 =	vmov s18;
	v18 =	vadd.s32 v0, v10;
	v2 =	vld.idx.msk [tilespmem:v2+s30+$0x0], $0xffff  }
0x5c: {  	v19 =	vadd.s32 v0, v13;
	v1 =	vmov s20;
	v3 =	vld.idx.msk [tilespmem:v3+s30+$0x0], $0xffff  }
0x5d: {  	v14 =	vld.idx.msk [tilespmem:v14+s30+$0x0], $0xffff;
	v20 =	vadd.s32 v1, v9  }
0x5e: {  	v22 =	vld.idx.msk [tilespmem:v15+s30+$0x0], $0xffff;
	v21 =	vadd.s32 v1, v6  }
0x5f: {  	v25 =	vld.idx.msk [tilespmem:v16+s30+$0x0], $0xffff;
	v23 =	vadd.s32 v1, v11  }
0x60: {  	v26 =	vld.idx.msk [tilespmem:v18+s30+$0x0], $0xffff;
	v27 =	vadd.s32 v1, v4;
	[tilespmem:v5+s0+$0x40 ss:$0x1] =	vst.idx.msk $0xffff, v17  }
0x61: {  	s10 =	sshll.u32 s16, $0xF;
	v15 =	vld.idx.msk [tilespmem:v19+s30+$0x0], $0xffff;
	v28 =	vadd.s32 v1, v8;
	[tilespmem:v5+s0+$0x50 ss:$0x1] =	vst.idx.msk $0xffff, v2  }
0x62: {  	s23 =	sor.u32 $0x8070, s1;
	s24 =	sadd.s32 $0x7FF0, s1;
	s25 =	sadd.s32 $0x7F70, s1;
	[tilespmem:v5+s0+$0x60 ss:$0x1] =	vst.idx.msk $0xffff, v3;
	v16 =	vld.idx.msk [tilespmem:v20+s30+$0x0], $0xffff;
	v20 =	vadd.s32 v1, v10  }
0x63: {  	s26 =	sadd.s32 $0x7EF0, s1;
	s28 =	sadd.s32 $0x7E70, s1;
	s21 =	sadd.s32 $0x1F02, s9;
	v24 =	vadd.s32 v1, v13;
	[tilespmem:v5+s0+$0x20 ss:$0x1] =	vst.idx.msk $0xffff, v14;
	v17 =	vld.idx.msk [tilespmem:v21+s30+$0x0], $0xffff  }
0x64: {  	s29 =	sadd.s32 $0x7DF0, s1;
	s31 =	sadd.s32 $0x7D70, s1;
	s19 =	sadd.s32 $0xBC80, s10;
	v2 =	vmov s21;
	[tilespmem:v5+s0+$0x10 ss:$0x1] =	vst.idx.msk $0xffff, v22;
	v18 =	vld.idx.msk [tilespmem:v23+s30+$0x0], $0xffff;
	v21 =	vadd.s32 v1, v7  }
0x65: {  	s1 =	simm.s32 $0x0;
	s22 =	sadd.s32 $0x2E83, s9;
	s20 =	sadd.s32 $0xFC80, s10;
	[tilespmem:v5+s0+$0x70 ss:$0x1] =	vst.idx.msk $0xffff, v25;
	v19 =	vld.idx.msk [tilespmem:v27+s30+$0x0], $0xffff;
	v23 =	vadd.s32 v2, v6  }
0x66: {  	s21 =	sadd.s32 $0xDC80, s10;
	v3 =	vmov s22;
	s22 =	sor.u32 $0x11C80, s10;
	[tilespmem:v5+s0+$0x0 ss:$0x1] =	vst.idx.msk $0xffff, v26;
	s10 =	simm.s32 $0x1000;
	v14 =	vadd.s32 v2, v9;
	v22 =	vld.idx.msk [tilespmem:v28+s30+$0x0], $0xffff;
	v25 =	vadd.s32 v2, v11  }
.LBB2_7:
0x67: {  	s5 =	sshra.s32 s10, $0x2;
	s1 =	sadd.s32 $0x8, s1;
	v20 =	vld.idx.msk [tilespmem:v20+s30+$0x0], $0xffff;
	[tilespmem:v5+s0+$0x30 ss:$0x1] =	vst.idx.msk $0xffff, v15  }
0x68: {  	p1 =	slt.u32 s1, $0x38;
	v15 =	vld.idx.msk [tilespmem:v24+s30+$0x0], $0xffff;
	[tilespmem:v5+s0+$0x2040 ss:$0x1] =	vst.idx.msk $0xffff, v16;
	v16 =	vadd.s32 v2, v4  }
0x69: {  	v24 =	vadd.s32 v2, v10;
	[tilespmem:v5+s0+$0x2050 ss:$0x1] =	vst.idx.msk $0xffff, v17;
	v17 =	vld.idx.msk [tilespmem:v21+s30+$0x0], $0xffff  }
0x6a: {  	[tilespmem:v5+s0+$0x2020 ss:$0x1] =	vst.idx.msk $0xffff, v18;
	v18 =	vld.idx.msk [tilespmem:v23+s30+$0x0], $0xffff  }
0x6b: {  	v21 =	vld.idx.msk [tilespmem:v25+s30+$0x0], $0xffff;
	[tilespmem:v5+s0+$0x2060 ss:$0x1] =	vst.idx.msk $0xffff, v19  }
0x6c: {  	v19 =	vadd.s32 v2, v13;
	[tilespmem:v5+s0+$0x2010 ss:$0x1] =	vst.idx.msk $0xffff, v22;
	v14 =	vld.idx.msk [tilespmem:v14+s30+$0x0], $0xffff  }
0x6d: {  	[tilespmem:v5+s0+$0x2000 ss:$0x1] =	vst.idx.msk $0xffff, v20;
	v20 =	vadd.s32 v2, v8;
	v16 =	vld.idx.msk [tilespmem:v16+s30+$0x0], $0xffff  }
0x6e: {  	v22 =	vld.idx.msk [tilespmem:v24+s30+$0x0], $0xffff;
	[tilespmem:v5+s0+$0x2030 ss:$0x1] =	vst.idx.msk $0xffff, v15  }
0x6f: {  	v15 =	vld.idx.msk [tilespmem:v12+s5+$0xFFFFFFA0 ss:$0x1], $0xffff;
	[tilespmem:v5+s0+$0x2070 ss:$0x1] =	vst.idx.msk $0xffff, v17  }
0x70: {  	v17 =	vld.idx.msk [tilespmem:v12+s5+$0x0 ss:$0x1], $0xffff;
	[tilespmem:v5+s0+$0x4050 ss:$0x1] =	vst.idx.msk $0xffff, v18  }
0x71: {  	[tilespmem:v5+s0+$0x4020 ss:$0x1] =	vst.idx.msk $0xffff, v21;
	v18 =	vld.idx.msk [tilespmem:v19+s30+$0x0], $0xffff  }
0x72: {  	v19 =	vld.idx.msk [tilespmem:v20+s30+$0x0], $0xffff;
	[tilespmem:v5+s0+$0x4040 ss:$0x1] =	vst.idx.msk $0xffff, v14;
	v14 =	vadd.s32 v2, v7  }
0x73: {  	v20 =	vld.idx.msk [tilespmem:v12+s5+$0xFFFFFFD0 ss:$0x1], $0xffff;
	[tilespmem:v5+s0+$0x4060 ss:$0x1] =	vst.idx.msk $0xffff, v16  }
0x74: {  	v16 =	vld.idx.msk [tilespmem:v12+s5+$0xFFFFFFF0 ss:$0x1], $0xffff;
	[tilespmem:v5+s0+$0x4000 ss:$0x1] =	vst.idx.msk $0xffff, v22  }
0x75: {  	v22 =	vadd.s32 v3, v11;
	v21 =	vld.idx.msk [tilespmem:v12+s5+$0xFFFFFFE0 ss:$0x1], $0xffff  }
0x76: {  	v24 =	vadd.s32 v3, v8;
	v8 =	vmov v15;
	v23 =	vld.idx.msk [tilespmem:v12+s5+$0xFFFFFFC0 ss:$0x1], $0xffff  }
0x77: {  	v15 =	vadd.s32 v3, v9;
	[tilespmem:v5+s0+$0x4030 ss:$0x1] =	vst.idx.msk $0xffff, v18;
	v18 =	vld.idx.msk [tilespmem:v14+s30+$0x0], $0xffff  }
0x78: {  	v25 =	vadd.s32 v0, v17;
	v11 =	vld.idx.msk [tilespmem:v12+s5+$0xFFFFFFB0 ss:$0x1], $0xffff;
	[tilespmem:v5+s0+$0x4010 ss:$0x1] =	vst.idx.msk $0xffff, v19;
	v19 =	vadd.s32 v3, v13  }
0x79: {  	v27 =	vadd.s32 v3, v7;
	v7 =	vmovc v17;
	v14 =	vadd.s32 v2, v20;
	v9 =	vmov v20;
	v26 =	vld.idx.msk [tilespmem:v12+s5+$0xFFFFFF90 ss:$0x1], $0xffff  }
0x7a: {  	v20 =	vadd.s32 v3, v6;
	v17 =	vld.idx.msk [tilespmem:v22+s30+$0x0], $0xffff  }
0x7b: {  	v28 =	vadd.s32 v3, v10;
	v29 =	vadd.s32 v3, v4;
	v22 =	vadd.s32 v0, v8;
	v24 =	vld.idx.msk [tilespmem:v24+s30+$0x0], $0xffff  }
0x7c: {  	v4 =	vmov v16;
	v6 =	vmov v21;
	v13 =	vmov v23;
	v15 =	vld.idx.msk [tilespmem:v15+s30+$0x0], $0xffff  }
0x7d: {  	v16 =	vadd.s32 v0, v9;
	v19 =	vld.idx.msk [tilespmem:v19+s30+$0x0], $0xffff;
	[tilespmem:v5+s0+$0x4070 ss:$0x1] =	vst.idx.msk $0xffff, v18  }
0x7e: {  	v18 =	vadd.s32 v0, v6;
	v21 =	vld.idx.msk [tilespmem:v27+s30+$0x0], $0xffff  }
0x7f: {  	v23 =	vadd.s32 v0, v4;
	v10 =	vmov v26;
	v20 =	vld.idx.msk [tilespmem:v20+s30+$0x0], $0xffff  }
0x80: {  	v26 =	vadd.s32 v0, v11;
	v27 =	vld.idx.msk [tilespmem:v28+s30+$0x0], $0xffff;
	[tilespmem:v5+s0+$0x6020 ss:$0x1] =	vst.idx.msk $0xffff, v17  }
0x81: {  	[tilespmem:v5+s0+$0x6010 ss:$0x1] =	vst.idx.msk $0xffff, v24;
	v17 =	vld.idx.msk [tilespmem:v29+s30+$0x0], $0xffff  }
0x82: {  	v28 =	vadd.s32 v1, v8;
	v16 =	vld.idx.msk [tilespmem:v16+s30+$0x0], $0xffff;
	[tilespmem:v5+s0+$0x6040 ss:$0x1] =	vst.idx.msk $0xffff, v15  }
0x83: {  	v15 =	vadd.s32 v0, v10;
	v18 =	vld.idx.msk [tilespmem:v18+s30+$0x0], $0xffff;
	[tilespmem:v5+s0+$0x6030 ss:$0x1] =	vst.idx.msk $0xffff, v19  }
0x84: {  	v24 =	vadd.s32 v1, v9;
	v19 =	vadd.s32 v0, v13;
	v23 =	vld.idx.msk [tilespmem:v23+s30+$0x0], $0xffff;
	[tilespmem:v5+s0+$0x6070 ss:$0x1] =	vst.idx.msk $0xffff, v21  }
0x85: {  	v21 =	vld.idx.msk [tilespmem:v26+s30+$0x0], $0xffff;
	v26 =	vadd.s32 v1, v6;
	[tilespmem:v5+s0+$0x6050 ss:$0x1] =	vst.idx.msk $0xffff, v20  }
0x86: {  	v22 =	vld.idx.msk [tilespmem:v22+s30+$0x0], $0xffff;
	[tilespmem:v5+s0+$0x6000 ss:$0x1] =	vst.idx.msk $0xffff, v27  }
0x87: {  	v27 =	vadd.s32 v1, v11;
	v25 =	vld.idx.msk [tilespmem:v25+s30+$0x0], $0xffff;
	[tilespmem:v5+s0+$0x6060 ss:$0x1] =	vst.idx.msk $0xffff, v17;
	s0 =	smov.u32 s5  }
0x88: {  	v30 =	vadd.s32 v1, v4;
	v29 =	vld.idx.msk [tilespmem:v15+s30+$0x0], $0xffff;
	[tilespmem:v5+s0+$0x40 ss:$0x1] =	vst.idx.msk $0xffff, v16  }
0x89: {  	v15 =	vld.idx.msk [tilespmem:v19+s30+$0x0], $0xffff;
	[tilespmem:v5+s0+$0x50 ss:$0x1] =	vst.idx.msk $0xffff, v18  }
.Ltmp3:
0x8a: {  	v20 =	vadd.s32 v1, v10;
	v16 =	vld.idx.msk [tilespmem:v24+s30+$0x0], $0xffff;
	[tilespmem:v5+s0+$0x60 ss:$0x1] =	vst.idx.msk $0xffff, v23;
	(pc) =	sbr.rel @p1 .LBB2_7-.Ltmp3, $4  }
0x8b: {  	v24 =	vadd.s32 v1, v13;
	[tilespmem:v5+s0+$0x20 ss:$0x1] =	vst.idx.msk $0xffff, v21;
	v17 =	vld.idx.msk [tilespmem:v26+s30+$0x0], $0xffff  }
0x8c: {  	v21 =	vadd.s32 v1, v7;
	[tilespmem:v5+s0+$0x10 ss:$0x1] =	vst.idx.msk $0xffff, v22;
	v18 =	vld.idx.msk [tilespmem:v27+s30+$0x0], $0xffff  }
0x8d: {  	v23 =	vadd.s32 v2, v6;
	v19 =	vld.idx.msk [tilespmem:v30+s30+$0x0], $0xffff;
	[tilespmem:v5+s0+$0x70 ss:$0x1] =	vst.idx.msk $0xffff, v25  }
0x8e: {  	s10 =	sadd.s32 $0x1000, s10;
	v25 =	vadd.s32 v2, v11;
	[tilespmem:v5+s0+$0x0 ss:$0x1] =	vst.idx.msk $0xffff, v29;
	v22 =	vld.idx.msk [tilespmem:v28+s30+$0x0], $0xffff  }
0x8f: {  	_ =	sdelay $0x3  }
0x90: {  	[tilespmem:v5+s0+$0x30 ss:$0x1] =	vst.idx.msk $0xffff, v15  }
0x91: {  	v12 =	vld.idx.msk [tilespmem:v20+s30+$0x0], $0xffff;
	[tilespmem:v5+s0+$0x2040 ss:$0x1] =	vst.idx.msk $0xffff, v16  }
0x92: {  	v55 =	vadd.s32 v2, v8;
	v57 =	vld.idx.msk [tilespmem:v21+s30+$0x0], $0xffff;
	[tilespmem:v5+s0+$0x2050 ss:$0x1] =	vst.idx.msk $0xffff, v17  }
0x93: {  	v56 =	vadd.s32 v2, v4;
	v15 =	vld.idx.msk [tilespmem:v24+s30+$0x0], $0xffff;
	[tilespmem:v5+s0+$0x2020 ss:$0x1] =	vst.idx.msk $0xffff, v18  }
0x94: {  	v61 =	vadd.s32 v2, v7;
	v14 =	vld.idx.msk [tilespmem:v14+s30+$0x0], $0xffff;
	[tilespmem:v5+s0+$0x2060 ss:$0x1] =	vst.idx.msk $0xffff, v19  }
0x95: {  	v62 =	vadd.s32 v2, v10;
	v58 =	vld.idx.msk [tilespmem:v23+s30+$0x0], $0xffff;
	[tilespmem:v5+s0+$0x2010 ss:$0x1] =	vst.idx.msk $0xffff, v22  }
0x96: {  	v59 =	vadd.s32 v2, v13;
	v60 =	vld.idx.msk [tilespmem:v25+s30+$0x0], $0xffff;
	[tilespmem:v5+s0+$0x2000 ss:$0x1] =	vst.idx.msk $0xffff, v12  }
0x97: {  	v9 =	vadd.s32 v3, v9;
	v12 =	vld.idx.msk [tilespmem:v55+s30+$0x0], $0xffff;
	[tilespmem:v5+s0+$0x2070 ss:$0x1] =	vst.idx.msk $0xffff, v57  }
0x98: {  	v6 =	vadd.s32 v3, v6;
	[tilespmem:v5+s0+$0x2030 ss:$0x1] =	vst.idx.msk $0xffff, v15;
	v15 =	vld.idx.msk [tilespmem:v56+s30+$0x0], $0xffff  }
0x99: {  	v11 =	vadd.s32 v3, v11;
	v22 =	vld.idx.msk [tilespmem:v61+s30+$0x0], $0xffff;
	[tilespmem:v5+s0+$0x4040 ss:$0x1] =	vst.idx.msk $0xffff, v14  }
0x9a: {  	v8 =	vadd.s32 v3, v8;
	v23 =	vld.idx.msk [tilespmem:v62+s30+$0x0], $0xffff;
	[tilespmem:v5+s0+$0x4050 ss:$0x1] =	vst.idx.msk $0xffff, v58  }
0x9b: {  	v7 =	vadd.s32 v3, v7;
	v63 =	vld.idx.msk [tilespmem:v59+s30+$0x0], $0xffff;
	[tilespmem:v5+s0+$0x4020 ss:$0x1] =	vst.idx.msk $0xffff, v60  }
0x9c: {  	v10 =	vadd.s32 v3, v10;
	v9 =	vld.idx.msk [tilespmem:v9+s30+$0x0], $0xffff;
	[tilespmem:v5+s0+$0x4010 ss:$0x1] =	vst.idx.msk $0xffff, v12  }
0x9d: {  	v4 =	vadd.s32 v3, v4;
	v6 =	vld.idx.msk [tilespmem:v6+s30+$0x0], $0xffff;
	[tilespmem:v5+s0+$0x4060 ss:$0x1] =	vst.idx.msk $0xffff, v15  }
0x9e: {  	v13 =	vadd.s32 v3, v13;
	v11 =	vld.idx.msk [tilespmem:v11+s30+$0x0], $0xffff;
	[tilespmem:v5+s0+$0x4070 ss:$0x1] =	vst.idx.msk $0xffff, v22  }
0x9f: {  	v8 =	vld.idx.msk [tilespmem:v8+s30+$0x0], $0xffff;
	[tilespmem:v5+s0+$0x4000 ss:$0x1] =	vst.idx.msk $0xffff, v23  }
0xa0: {  	[tilespmem:v5+s0+$0x4030 ss:$0x1] =	vst.idx.msk $0xffff, v63;
	v7 =	vld.idx.msk [tilespmem:v7+s30+$0x0], $0xffff  }
0xa1: {  	v10 =	vld.idx.msk [tilespmem:v10+s30+$0x0], $0xffff;
	[tilespmem:v5+s0+$0x6040 ss:$0x1] =	vst.idx.msk $0xffff, v9  }
0xa2: {  	v4 =	vld.idx.msk [tilespmem:v4+s30+$0x0], $0xffff;
	[tilespmem:v5+s0+$0x6050 ss:$0x1] =	vst.idx.msk $0xffff, v6  }
0xa3: {  	v12 =	vld.idx.msk [tilespmem:v13+s30+$0x0], $0xffff;
	[tilespmem:v5+s0+$0x6020 ss:$0x1] =	vst.idx.msk $0xffff, v11  }
0xa4: {  	[tilespmem:v5+s0+$0x6010 ss:$0x1] =	vst.idx.msk $0xffff, v8  }
0xa5: {  	[tilespmem:v5+s0+$0x6070 ss:$0x1] =	vst.idx.msk $0xffff, v7  }
0xa6: {  	[tilespmem:v5+s0+$0x6000 ss:$0x1] =	vst.idx.msk $0xffff, v10  }
0xa7: {  	[tilespmem:v5+s0+$0x6060 ss:$0x1] =	vst.idx.msk $0xffff, v4  }
0xa8: {  	s10 =	sadd.s32 $0x0, s31;
	[tilespmem:v5+s0+$0x6030 ss:$0x1] =	vst.idx.msk $0xffff, v12  }
0xa9: {  	v4 =	vld [tilespmem:s10+$0x0]  }
0xaa: {  	v5 =	vld [tilespmem:s10+$0xFFFFFF90]  }
0xab: {  	v6 =	vld [tilespmem:s10+$0xFFFFFFA0]  }
0xac: {  	v7 =	vld [tilespmem:s10+$0xFFFFFFB0]  }
0xad: {  	v8 =	vld [tilespmem:s10+$0xFFFFFFC0]  }
0xae: {  	v9 =	vld [tilespmem:s10+$0xFFFFFFD0]  }
0xaf: {  	v12 =	vld [tilespmem:s10+$0xFFFFFFE0]  }
0xb0: {  	s1 =	sadd.s32 $0x400, s31;
	v14 =	vld [tilespmem:s10+$0xFFFFFFF0]  }
0xb1: {  	v47 =	vld [tilespmem:s1+$0xFFFFFFA0]  }
0xb2: {  	v48 =	vld [tilespmem:s1+$0xFFFFFFB0];
	v10 =	vadd.s32 v0, v4  }
0xb3: {  	v49 =	vld [tilespmem:s1+$0xFFFFFFC0];
	v11 =	vadd.s32 v0, v5  }
0xb4: {  	v50 =	vld [tilespmem:s1+$0xFFFFFFD0];
	v13 =	vadd.s32 v0, v6  }
0xb5: {  	v53 =	vld [tilespmem:s1+$0xFFFFFFE0];
	v15 =	vadd.s32 v0, v7  }
0xb6: {  	s30 =	simm.s32 $0x0;
	v54 =	vld [tilespmem:s1+$0xFFFFFFF0];
	v24 =	vadd.s32 v0, v8  }
0xb7: {  	v25 =	vadd.s32 v0, v9;
	v10 =	vld.idx.msk [tilespmem:v10+s30+$0x0], $0xffff  }
0xb8: {  	v26 =	vadd.s32 v0, v12;
	v11 =	vld.idx.msk [tilespmem:v11+s30+$0x0], $0xffff  }
0xb9: {  	v55 =	vadd.s32 v0, v49;
	v13 =	vld.idx.msk [tilespmem:v13+s30+$0x0], $0xffff  }
0xba: {  	v28 =	vadd.s32 v0, v14;
	v15 =	vld.idx.msk [tilespmem:v15+s30+$0x0], $0xffff  }
0xbb: {  	v27 =	vadd.s32 v1, v4;
	v16 =	vld.idx.msk [tilespmem:v24+s30+$0x0], $0xffff  }
0xbc: {  	v29 =	vadd.s32 v1, v5;
	v17 =	vld.idx.msk [tilespmem:v25+s30+$0x0], $0xffff  }
0xbd: {  	s0 =	sadd.s32 $0x0, s18;
	v30 =	vadd.s32 v1, v6;
	v18 =	vld.idx.msk [tilespmem:v26+s30+$0x0], $0xffff  }
0xbe: {  	v31 =	vadd.s32 v1, v7;
	v57 =	vld.idx.msk [tilespmem:v55+s30+$0x0], $0xffff;
	[tilespmem:s0+$0xF0] =	vst v10  }
0xbf: {  	v32 =	vadd.s32 v1, v9;
	[tilespmem:s0+$0x80] =	vst v11;
	v11 =	vld.idx.msk [tilespmem:v28+s30+$0x0], $0xffff  }
0xc0: {  	v10 =	vadd.s32 v1, v8;
	[tilespmem:s0+$0x90] =	vst v13;
	v19 =	vld.idx.msk [tilespmem:v27+s30+$0x0], $0xffff  }
0xc1: {  	v34 =	vadd.s32 v1, v12;
	[tilespmem:s0+$0xA0] =	vst v15;
	v13 =	vld.idx.msk [tilespmem:v29+s30+$0x0], $0xffff  }
0xc2: {  	v35 =	vadd.s32 v1, v14;
	[tilespmem:s0+$0xB0] =	vst v16;
	v15 =	vld.idx.msk [tilespmem:v30+s30+$0x0], $0xffff  }
0xc3: {  	v33 =	vadd.s32 v2, v4;
	[tilespmem:s0+$0xC0] =	vst v17;
	v36 =	vld.idx.msk [tilespmem:v31+s30+$0x0], $0xffff  }
0xc4: {  	v37 =	vadd.s32 v2, v5;
	[tilespmem:s0+$0xD0] =	vst v18;
	v24 =	vld.idx.msk [tilespmem:v32+s30+$0x0], $0xffff  }
0xc5: {  	v38 =	vadd.s32 v2, v6;
	v10 =	vld.idx.msk [tilespmem:v10+s30+$0x0], $0xffff;
	[tilespmem:s0+$0xE0] =	vst v11  }
0xc6: {  	v39 =	vadd.s32 v2, v7;
	v11 =	vld.idx.msk [tilespmem:v34+s30+$0x0], $0xffff;
	[tilespmem:s0+$0x20F0] =	vst v19  }
0xc7: {  	v42 =	vadd.s32 v2, v9;
	[tilespmem:s0+$0x2080] =	vst v13;
	v13 =	vld.idx.msk [tilespmem:v35+s30+$0x0], $0xffff  }
0xc8: {  	v41 =	vadd.s32 v2, v8;
	[tilespmem:s0+$0x2090] =	vst v15;
	v40 =	vld.idx.msk [tilespmem:v33+s30+$0x0], $0xffff  }
0xc9: {  	v43 =	vadd.s32 v2, v12;
	[tilespmem:s0+$0x20A0] =	vst v36;
	v15 =	vld.idx.msk [tilespmem:v37+s30+$0x0], $0xffff  }
0xca: {  	v45 =	vadd.s32 v2, v14;
	[tilespmem:s0+$0x20C0] =	vst v24;
	v44 =	vld.idx.msk [tilespmem:v38+s30+$0x0], $0xffff  }
0xcb: {  	v4 =	vadd.s32 v3, v4;
	[tilespmem:s0+$0x20B0] =	vst v10;
	v10 =	vld.idx.msk [tilespmem:v39+s30+$0x0], $0xffff  }
0xcc: {  	[tilespmem:s0+$0x20D0] =	vst v11;
	v11 =	vld.idx.msk [tilespmem:v42+s30+$0x0], $0xffff  }
0xcd: {  	v46 =	vld.idx.msk [tilespmem:v41+s30+$0x0], $0xffff;
	[tilespmem:s0+$0x20E0] =	vst v13  }
0xce: {  	v5 =	vadd.s32 v3, v5;
	v13 =	vld.idx.msk [tilespmem:v43+s30+$0x0], $0xffff;
	[tilespmem:s0+$0x40F0] =	vst v40  }
0xcf: {  	v6 =	vadd.s32 v3, v6;
	[tilespmem:s0+$0x4080] =	vst v15;
	v15 =	vld.idx.msk [tilespmem:v45+s30+$0x0], $0xffff  }
0xd0: {  	v7 =	vadd.s32 v3, v7;
	v4 =	vld.idx.msk [tilespmem:v4+s30+$0x0], $0xffff  }
0xd1: {  	v8 =	vadd.s32 v3, v8;
	[tilespmem:s0+$0x40A0] =	vst v10;
	v10 =	vld [tilespmem:s1+$0x0]  }
0xd2: {  	v9 =	vadd.s32 v3, v9;
	[tilespmem:s0+$0x40C0] =	vst v11;
	v11 =	vld [tilespmem:s1+$0xFFFFFF90]  }
0xd3: {  	v12 =	vadd.s32 v3, v12;
	[tilespmem:s0+$0x4090] =	vst v44;
	v5 =	vld.idx.msk [tilespmem:v5+s30+$0x0], $0xffff  }
0xd4: {  	v14 =	vadd.s32 v3, v14;
	v6 =	vld.idx.msk [tilespmem:v6+s30+$0x0], $0xffff;
	[tilespmem:s0+$0x40B0] =	vst v46  }
0xd5: {  	s1 =	sadd.s32 $0x400, s18;
	v7 =	vld.idx.msk [tilespmem:v7+s30+$0x0], $0xffff;
	[tilespmem:s0+$0x40D0] =	vst v13;
	v13 =	vadd.s32 v0, v47  }
0xd6: {  	[tilespmem:s1+$0xB0] =	vst v57;
	v8 =	vld.idx.msk [tilespmem:v8+s30+$0x0], $0xffff;
	v51 =	vadd.s32 v0, v10  }
0xd7: {  	v9 =	vld.idx.msk [tilespmem:v9+s30+$0x0], $0xffff;
	[tilespmem:s0+$0x40E0] =	vst v15;
	v52 =	vadd.s32 v0, v11  }
0xd8: {  	v15 =	vadd.s32 v0, v48;
	v12 =	vld.idx.msk [tilespmem:v12+s30+$0x0], $0xffff;
	[tilespmem:s0+$0x60F0] =	vst v4  }
0xd9: {  	v56 =	vadd.s32 v0, v53;
	v4 =	vld.idx.msk [tilespmem:v14+s30+$0x0], $0xffff;
	[tilespmem:s0+$0x6080] =	vst v5  }
0xda: {  	v5 =	vadd.s32 v0, v50;
	[tilespmem:s0+$0x60A0] =	vst v7;
	v7 =	vld.idx.msk [tilespmem:v13+s30+$0x0], $0xffff  }
0xdb: {  	[tilespmem:s0+$0x60B0] =	vst v8;
	v8 =	vadd.s32 v0, v54;
	v14 =	vld.idx.msk [tilespmem:v51+s30+$0x0], $0xffff  }
0xdc: {  	[tilespmem:s0+$0x6090] =	vst v6;
	v13 =	vadd.s32 v1, v10;
	v6 =	vld.idx.msk [tilespmem:v52+s30+$0x0], $0xffff  }
0xdd: {  	[tilespmem:s0+$0x60C0] =	vst v9;
	v9 =	vadd.s32 v1, v11;
	v15 =	vld.idx.msk [tilespmem:v15+s30+$0x0], $0xffff  }
0xde: {  	v58 =	vadd.s32 v1, v47;
	v20 =	vld.idx.msk [tilespmem:v56+s30+$0x0], $0xffff;
	[tilespmem:s0+$0x60D0] =	vst v12  }
0xdf: {  	v12 =	vadd.s32 v1, v48;
	v5 =	vld.idx.msk [tilespmem:v5+s30+$0x0], $0xffff;
	[tilespmem:s1+$0x90] =	vst v7  }
0xe0: {  	v7 =	vld.idx.msk [tilespmem:v8+s30+$0x0], $0xffff;
	[tilespmem:s1+$0xF0] =	vst v14;
	v14 =	vadd.s32 v1, v49  }
0xe1: {  	[tilespmem:s1+$0x80] =	vst v6;
	v6 =	vld.idx.msk [tilespmem:v13+s30+$0x0], $0xffff;
	v13 =	vadd.s32 v1, v50  }
0xe2: {  	[tilespmem:s1+$0xA0] =	vst v15;
	v15 =	vadd.s32 v1, v53;
	v8 =	vld.idx.msk [tilespmem:v9+s30+$0x0], $0xffff  }
0xe3: {  	[tilespmem:s1+$0xD0] =	vst v20;
	v24 =	vld.idx.msk [tilespmem:v58+s30+$0x0], $0xffff;
	v9 =	vadd.s32 v2, v10  }
0xe4: {  	v60 =	vadd.s32 v2, v47;
	v12 =	vld.idx.msk [tilespmem:v12+s30+$0x0], $0xffff;
	[tilespmem:s1+$0xC0] =	vst v5  }
0xe5: {  	v59 =	vadd.s32 v1, v54;
	[tilespmem:s1+$0xE0] =	vst v7;
	v14 =	vld.idx.msk [tilespmem:v14+s30+$0x0], $0xffff  }
0xe6: {  	v5 =	vadd.s32 v2, v11;
	v13 =	vld.idx.msk [tilespmem:v13+s30+$0x0], $0xffff;
	[tilespmem:s1+$0x20F0] =	vst v6  }
0xe7: {  	v6 =	vadd.s32 v2, v48;
	[tilespmem:s1+$0x2080] =	vst v8;
	v8 =	vld.idx.msk [tilespmem:v15+s30+$0x0], $0xffff  }
0xe8: {  	[tilespmem:s1+$0x2090] =	vst v24;
	v7 =	vld.idx.msk [tilespmem:v9+s30+$0x0], $0xffff;
	v9 =	vadd.s32 v2, v49  }
0xe9: {  	[tilespmem:s1+$0x20A0] =	vst v12;
	v12 =	vadd.s32 v2, v53;
	v20 =	vld.idx.msk [tilespmem:v60+s30+$0x0], $0xffff  }
0xea: {  	v10 =	vadd.s32 v3, v10;
	v15 =	vld.idx.msk [tilespmem:v59+s30+$0x0], $0xffff  }
0xeb: {  	v61 =	vadd.s32 v2, v50;
	v5 =	vld.idx.msk [tilespmem:v5+s30+$0x0], $0xffff;
	[tilespmem:s1+$0x20B0] =	vst v14  }
0xec: {  	v14 =	vadd.s32 v2, v54;
	v6 =	vld.idx.msk [tilespmem:v6+s30+$0x0], $0xffff;
	[tilespmem:s1+$0x20C0] =	vst v13  }
0xed: {  	v13 =	vadd.s32 v3, v11;
	[tilespmem:s1+$0x20D0] =	vst v8;
	v62 =	vld.idx.msk [tilespmem:v9+s30+$0x0], $0xffff  }
0xee: {  	v16 =	vadd.s32 v3, v47;
	[tilespmem:s1+$0x40F0] =	vst v7;
	v11 =	vld.idx.msk [tilespmem:v12+s30+$0x0], $0xffff  }
0xef: {  	v17 =	vadd.s32 v3, v48;
	[tilespmem:s1+$0x4090] =	vst v20;
	v63 =	vld.idx.msk [tilespmem:v10+s30+$0x0], $0xffff  }
0xf0: {  	[tilespmem:s1+$0x20E0] =	vst v15;
	v8 =	vadd.s32 v3, v49;
	v10 =	vld.idx.msk [tilespmem:v61+s30+$0x0], $0xffff  }
0xf1: {  	[tilespmem:s1+$0x4080] =	vst v5;
	v7 =	vadd.s32 v3, v50;
	v12 =	vld.idx.msk [tilespmem:v14+s30+$0x0], $0xffff  }
0xf2: {  	v9 =	vld.idx.msk [tilespmem:v13+s30+$0x0], $0xffff;
	[tilespmem:s1+$0x40A0] =	vst v6  }
0xf3: {  	v13 =	vld.idx.msk [tilespmem:v16+s30+$0x0], $0xffff;
	[tilespmem:s1+$0x40B0] =	vst v62  }
0xf4: {  	s5 =	simm.s32 $0x2000;
	s10 =	simm.s32 $0x8;
	v5 =	vadd.s32 v3, v54;
	v6 =	vadd.s32 v3, v53;
	v14 =	vld.idx.msk [tilespmem:v17+s30+$0x0], $0xffff;
	[tilespmem:s1+$0x60F0] =	vst v63  }
.LBB2_9:
0xf5: {  	s6 =	sshra.s32 s5, $0x2;
	s10 =	sadd.s32 $0x8, s10;
	v8 =	vld.idx.msk [tilespmem:v8+s30+$0x0], $0xffff;
	[tilespmem:s1+$0x40C0] =	vst v10  }
0xf6: {  	s9 =	sadd.s32 s6, s31;
	p1 =	slt.u32 s10, $0x38;
	v7 =	vld.idx.msk [tilespmem:v7+s30+$0x0], $0xffff;
	[tilespmem:s1+$0x40D0] =	vst v11  }
0xf7: {  	v10 =	vld [tilespmem:s9+$0x0];
	[tilespmem:s1+$0x40E0] =	vst v12  }
0xf8: {  	v11 =	vld [tilespmem:s9+$0xFFFFFF90];
	[tilespmem:s1+$0x6080] =	vst v9  }
0xf9: {  	v9 =	vld [tilespmem:s9+$0xFFFFFFA0];
	[tilespmem:s1+$0x6090] =	vst v13  }
0xfa: {  	v12 =	vld [tilespmem:s9+$0xFFFFFFB0];
	[tilespmem:s1+$0x60A0] =	vst v14  }
0xfb: {  	v13 =	vld [tilespmem:s9+$0xFFFFFFC0];
	[tilespmem:s1+$0x60B0] =	vst v8  }
0xfc: {  	v14 =	vld [tilespmem:s9+$0xFFFFFFD0];
	v8 =	vadd.s32 v0, v10;
	[tilespmem:s1+$0x60C0] =	vst v7  }
0xfd: {  	v7 =	vadd.s32 v0, v11;
	v15 =	vadd.s32 v1, v11;
	v16 =	vadd.s32 v2, v11;
	v17 =	vld [tilespmem:s9+$0xFFFFFFE0];
	[tilespmem:s0+$0x60E0] =	vst v4;
	s0 =	smov.u32 s1  }
0xfe: {  	v18 =	vadd.s32 v0, v9;
	v19 =	vadd.s32 v1, v9;
	v20 =	vadd.s32 v2, v9;
	v21 =	vld [tilespmem:s9+$0xFFFFFFF0]  }
0xff: {  	v22 =	vadd.s32 v0, v12;
	v23 =	vadd.s32 v1, v12;
	v24 =	vadd.s32 v2, v12;
	v25 =	vld.idx.msk [tilespmem:v6+s30+$0x0], $0xffff  }
0x100: {  	v6 =	vadd.s32 v0, v13;
	v26 =	vadd.s32 v1, v13;
	v27 =	vadd.s32 v2, v13;
	v4 =	vld.idx.msk [tilespmem:v5+s30+$0x0], $0xffff  }
0x101: {  	v5 =	vadd.s32 v0, v14;
	v28 =	vadd.s32 v1, v14;
	v29 =	vadd.s32 v2, v14;
	v30 =	vld.idx.msk [tilespmem:v8+s30+$0x0], $0xffff  }
0x102: {  	v31 =	vld.idx.msk [tilespmem:v7+s30+$0x0], $0xffff;
	v32 =	vadd.s32 v0, v17;
	v33 =	vadd.s32 v1, v17;
	v34 =	vadd.s32 v2, v17  }
0x103: {  	v37 =	vadd.s32 v1, v10;
	v18 =	vld.idx.msk [tilespmem:v18+s30+$0x0], $0xffff;
	v35 =	vadd.s32 v0, v21;
	v36 =	vadd.s32 v1, v21  }
0x104: {  	v38 =	vadd.s32 v3, v11;
	v39 =	vadd.s32 v3, v9;
	v9 =	vld.idx.msk [tilespmem:v22+s30+$0x0], $0xffff;
	v22 =	vadd.s32 v2, v21  }
0x105: {  	v40 =	vadd.s32 v3, v12;
	v8 =	vadd.s32 v3, v13;
	v7 =	vadd.s32 v3, v14;
	v11 =	vld.idx.msk [tilespmem:v6+s30+$0x0], $0xffff  }
0x106: {  	s1 =	sadd.s32 s6, s18;
	v6 =	vadd.s32 v3, v17;
	v12 =	vld.idx.msk [tilespmem:v5+s30+$0x0], $0xffff;
	v5 =	vadd.s32 v3, v21;
	[tilespmem:s0+$0x60D0] =	vst v25  }
0x107: {  	v13 =	vld.idx.msk [tilespmem:v32+s30+$0x0], $0xffff;
	[tilespmem:s1+$0xF0] =	vst v30  }
0x108: {  	[tilespmem:s1+$0x80] =	vst v31;
	v14 =	vld.idx.msk [tilespmem:v37+s30+$0x0], $0xffff  }
0x109: {  	[tilespmem:s1+$0x90] =	vst v18;
	v17 =	vld.idx.msk [tilespmem:v35+s30+$0x0], $0xffff  }
0x10a: {  	v15 =	vld.idx.msk [tilespmem:v15+s30+$0x0], $0xffff;
	[tilespmem:s1+$0xA0] =	vst v9;
	v9 =	vadd.s32 v2, v10  }
0x10b: {  	v18 =	vld.idx.msk [tilespmem:v19+s30+$0x0], $0xffff;
	[tilespmem:s1+$0xB0] =	vst v11  }
0x10c: {  	v11 =	vld.idx.msk [tilespmem:v23+s30+$0x0], $0xffff;
	[tilespmem:s1+$0xC0] =	vst v12  }
0x10d: {  	v12 =	vld.idx.msk [tilespmem:v26+s30+$0x0], $0xffff;
	[tilespmem:s1+$0xD0] =	vst v13  }
0x10e: {  	v13 =	vld.idx.msk [tilespmem:v28+s30+$0x0], $0xffff;
	[tilespmem:s1+$0x20F0] =	vst v14  }
0x10f: {  	[tilespmem:s1+$0xE0] =	vst v17;
	v9 =	vld.idx.msk [tilespmem:v9+s30+$0x0], $0xffff  }
0x110: {  	[tilespmem:s1+$0x2080] =	vst v15;
	v14 =	vld.idx.msk [tilespmem:v33+s30+$0x0], $0xffff  }
0x111: {  	v10 =	vadd.s32 v3, v10;
	[tilespmem:s1+$0x2090] =	vst v18;
	v15 =	vld.idx.msk [tilespmem:v36+s30+$0x0], $0xffff  }
0x112: {  	v16 =	vld.idx.msk [tilespmem:v16+s30+$0x0], $0xffff;
	[tilespmem:s1+$0x20A0] =	vst v11  }
0x113: {  	v17 =	vld.idx.msk [tilespmem:v20+s30+$0x0], $0xffff;
	[tilespmem:s1+$0x20B0] =	vst v12  }
0x114: {  	v18 =	vld.idx.msk [tilespmem:v24+s30+$0x0], $0xffff;
	[tilespmem:s1+$0x20C0] =	vst v13  }
0x115: {  	v19 =	vld.idx.msk [tilespmem:v27+s30+$0x0], $0xffff;
	[tilespmem:s1+$0x40F0] =	vst v9  }
0x116: {  	[tilespmem:s1+$0x20D0] =	vst v14;
	v20 =	vld.idx.msk [tilespmem:v10+s30+$0x0], $0xffff  }
0x117: {  	v10 =	vld.idx.msk [tilespmem:v29+s30+$0x0], $0xffff;
	[tilespmem:s1+$0x20E0] =	vst v15  }
.Ltmp4:
0x118: {  	[tilespmem:s1+$0x4080] =	vst v16;
	v11 =	vld.idx.msk [tilespmem:v34+s30+$0x0], $0xffff;
	(pc) =	sbr.rel @p1 .LBB2_9-.Ltmp4, $4  }
0x119: {  	[tilespmem:s1+$0x4090] =	vst v17;
	v12 =	vld.idx.msk [tilespmem:v22+s30+$0x0], $0xffff  }
0x11a: {  	v9 =	vld.idx.msk [tilespmem:v38+s30+$0x0], $0xffff;
	[tilespmem:s1+$0x40A0] =	vst v18  }
0x11b: {  	v13 =	vld.idx.msk [tilespmem:v39+s30+$0x0], $0xffff;
	[tilespmem:s1+$0x40B0] =	vst v19  }
0x11c: {  	s5 =	sadd.s32 $0x1000, s5;
	v14 =	vld.idx.msk [tilespmem:v40+s30+$0x0], $0xffff;
	[tilespmem:s1+$0x60F0] =	vst v20  }
0x11d: {  	_ =	sdelay $0x1  }
0x11e: {  	[tilespmem:s1+$0x40C0] =	vst v10  }
0x11f: {  	[tilespmem:s1+$0x40D0] =	vst v11  }
0x120: {  	v8 =	vld.idx.msk [tilespmem:v8+s30+$0x0], $0xffff;
	[tilespmem:s0+$0x60E0] =	vst v4  }
0x121: {  	v7 =	vld.idx.msk [tilespmem:v7+s30+$0x0], $0xffff;
	[tilespmem:s1+$0x40E0] =	vst v12  }
0x122: {  	v6 =	vld.idx.msk [tilespmem:v6+s30+$0x0], $0xffff;
	[tilespmem:s1+$0x6080] =	vst v9  }
0x123: {  	v5 =	vld.idx.msk [tilespmem:v5+s30+$0x0], $0xffff;
	[tilespmem:s1+$0x6090] =	vst v13  }
0x124: {  	[tilespmem:s1+$0x60A0] =	vst v14  }
0x125: {  	[tilespmem:s1+$0x60B0] =	vst v8  }
0x126: {  	[tilespmem:s1+$0x60C0] =	vst v7  }
0x127: {  	[tilespmem:s1+$0x60D0] =	vst v6  }
0x128: {  	s9 =	sadd.s32 $0x0, s29;
	[tilespmem:s1+$0x60E0] =	vst v5  }
0x129: {  	v4 =	vld [tilespmem:s9+$0x0]  }
0x12a: {  	v5 =	vld [tilespmem:s9+$0xFFFFFF90]  }
0x12b: {  	v6 =	vld [tilespmem:s9+$0xFFFFFFA0]  }
0x12c: {  	v7 =	vld [tilespmem:s9+$0xFFFFFFB0]  }
0x12d: {  	v8 =	vld [tilespmem:s9+$0xFFFFFFC0]  }
0x12e: {  	v9 =	vld [tilespmem:s9+$0xFFFFFFD0]  }
0x12f: {  	v12 =	vld [tilespmem:s9+$0xFFFFFFE0]  }
0x130: {  	s10 =	sadd.s32 $0x400, s29;
	v14 =	vld [tilespmem:s9+$0xFFFFFFF0]  }
0x131: {  	v48 =	vld [tilespmem:s10+$0xFFFFFFA0]  }
0x132: {  	v49 =	vld [tilespmem:s10+$0xFFFFFFB0];
	v10 =	vadd.s32 v0, v4  }
0x133: {  	v50 =	vld [tilespmem:s10+$0xFFFFFFC0];
	v11 =	vadd.s32 v0, v5  }
0x134: {  	v51 =	vld [tilespmem:s10+$0xFFFFFFD0];
	v13 =	vadd.s32 v0, v6  }
0x135: {  	v54 =	vld [tilespmem:s10+$0xFFFFFFE0];
	v15 =	vadd.s32 v0, v7  }
0x136: {  	v55 =	vld [tilespmem:s10+$0xFFFFFFF0];
	v16 =	vadd.s32 v0, v8  }
0x137: {  	v17 =	vadd.s32 v0, v9;
	v10 =	vld.idx.msk [tilespmem:v10+s30+$0x0], $0xffff  }
0x138: {  	v18 =	vadd.s32 v0, v12;
	v11 =	vld.idx.msk [tilespmem:v11+s30+$0x0], $0xffff  }
0x139: {  	v56 =	vadd.s32 v0, v50;
	v13 =	vld.idx.msk [tilespmem:v13+s30+$0x0], $0xffff  }
0x13a: {  	v20 =	vadd.s32 v0, v14;
	v15 =	vld.idx.msk [tilespmem:v15+s30+$0x0], $0xffff  }
0x13b: {  	v19 =	vadd.s32 v1, v4;
	v16 =	vld.idx.msk [tilespmem:v16+s30+$0x0], $0xffff  }
0x13c: {  	v21 =	vadd.s32 v1, v5;
	v17 =	vld.idx.msk [tilespmem:v17+s30+$0x0], $0xffff  }
0x13d: {  	s31 =	sadd.s32 $0x0, s18;
	v22 =	vadd.s32 v1, v6;
	v18 =	vld.idx.msk [tilespmem:v18+s30+$0x0], $0xffff  }
0x13e: {  	v23 =	vadd.s32 v1, v7;
	v58 =	vld.idx.msk [tilespmem:v56+s30+$0x0], $0xffff;
	[tilespmem:s31+$0x170] =	vst v10  }
0x13f: {  	v24 =	vadd.s32 v1, v9;
	[tilespmem:s31+$0x100] =	vst v11;
	v11 =	vld.idx.msk [tilespmem:v20+s30+$0x0], $0xffff  }
0x140: {  	v10 =	vadd.s32 v1, v8;
	[tilespmem:s31+$0x110] =	vst v13;
	v19 =	vld.idx.msk [tilespmem:v19+s30+$0x0], $0xffff  }
0x141: {  	v35 =	vadd.s32 v1, v12;
	[tilespmem:s31+$0x120] =	vst v15;
	v13 =	vld.idx.msk [tilespmem:v21+s30+$0x0], $0xffff  }
0x142: {  	v36 =	vadd.s32 v1, v14;
	[tilespmem:s31+$0x130] =	vst v16;
	v15 =	vld.idx.msk [tilespmem:v22+s30+$0x0], $0xffff  }
0x143: {  	v34 =	vadd.s32 v2, v4;
	[tilespmem:s31+$0x140] =	vst v17;
	v37 =	vld.idx.msk [tilespmem:v23+s30+$0x0], $0xffff  }
0x144: {  	v38 =	vadd.s32 v2, v5;
	[tilespmem:s31+$0x150] =	vst v18;
	v24 =	vld.idx.msk [tilespmem:v24+s30+$0x0], $0xffff  }
0x145: {  	v39 =	vadd.s32 v2, v6;
	v10 =	vld.idx.msk [tilespmem:v10+s30+$0x0], $0xffff;
	[tilespmem:s31+$0x160] =	vst v11  }
0x146: {  	v40 =	vadd.s32 v2, v7;
	v11 =	vld.idx.msk [tilespmem:v35+s30+$0x0], $0xffff;
	[tilespmem:s31+$0x2170] =	vst v19  }
0x147: {  	v43 =	vadd.s32 v2, v9;
	[tilespmem:s31+$0x2100] =	vst v13;
	v13 =	vld.idx.msk [tilespmem:v36+s30+$0x0], $0xffff  }
0x148: {  	v42 =	vadd.s32 v2, v8;
	[tilespmem:s31+$0x2110] =	vst v15;
	v41 =	vld.idx.msk [tilespmem:v34+s30+$0x0], $0xffff  }
0x149: {  	v44 =	vadd.s32 v2, v12;
	[tilespmem:s31+$0x2120] =	vst v37;
	v15 =	vld.idx.msk [tilespmem:v38+s30+$0x0], $0xffff  }
0x14a: {  	v46 =	vadd.s32 v2, v14;
	[tilespmem:s31+$0x2140] =	vst v24;
	v45 =	vld.idx.msk [tilespmem:v39+s30+$0x0], $0xffff  }
0x14b: {  	v4 =	vadd.s32 v3, v4;
	[tilespmem:s31+$0x2130] =	vst v10;
	v10 =	vld.idx.msk [tilespmem:v40+s30+$0x0], $0xffff  }
0x14c: {  	[tilespmem:s31+$0x2150] =	vst v11;
	v11 =	vld.idx.msk [tilespmem:v43+s30+$0x0], $0xffff  }
0x14d: {  	v47 =	vld.idx.msk [tilespmem:v42+s30+$0x0], $0xffff;
	[tilespmem:s31+$0x2160] =	vst v13  }
0x14e: {  	v5 =	vadd.s32 v3, v5;
	v13 =	vld.idx.msk [tilespmem:v44+s30+$0x0], $0xffff;
	[tilespmem:s31+$0x4170] =	vst v41  }
0x14f: {  	v6 =	vadd.s32 v3, v6;
	[tilespmem:s31+$0x4100] =	vst v15;
	v15 =	vld.idx.msk [tilespmem:v46+s30+$0x0], $0xffff  }
0x150: {  	v7 =	vadd.s32 v3, v7;
	v4 =	vld.idx.msk [tilespmem:v4+s30+$0x0], $0xffff  }
0x151: {  	v8 =	vadd.s32 v3, v8;
	[tilespmem:s31+$0x4120] =	vst v10;
	v10 =	vld [tilespmem:s10+$0x0]  }
0x152: {  	v9 =	vadd.s32 v3, v9;
	[tilespmem:s31+$0x4140] =	vst v11;
	v11 =	vld [tilespmem:s10+$0xFFFFFF90]  }
0x153: {  	v12 =	vadd.s32 v3, v12;
	[tilespmem:s31+$0x4110] =	vst v45;
	v5 =	vld.idx.msk [tilespmem:v5+s30+$0x0], $0xffff  }
0x154: {  	v14 =	vadd.s32 v3, v14;
	v6 =	vld.idx.msk [tilespmem:v6+s30+$0x0], $0xffff;
	[tilespmem:s31+$0x4130] =	vst v47  }
0x155: {  	s0 =	sadd.s32 $0x400, s18;
	v7 =	vld.idx.msk [tilespmem:v7+s30+$0x0], $0xffff;
	[tilespmem:s31+$0x4150] =	vst v13;
	v13 =	vadd.s32 v0, v48  }
0x156: {  	[tilespmem:s0+$0x130] =	vst v58;
	v8 =	vld.idx.msk [tilespmem:v8+s30+$0x0], $0xffff;
	v52 =	vadd.s32 v0, v10  }
0x157: {  	v9 =	vld.idx.msk [tilespmem:v9+s30+$0x0], $0xffff;
	[tilespmem:s31+$0x4160] =	vst v15;
	v53 =	vadd.s32 v0, v11  }
0x158: {  	v15 =	vadd.s32 v0, v49;
	v12 =	vld.idx.msk [tilespmem:v12+s30+$0x0], $0xffff;
	[tilespmem:s31+$0x6170] =	vst v4  }
0x159: {  	v57 =	vadd.s32 v0, v54;
	v4 =	vld.idx.msk [tilespmem:v14+s30+$0x0], $0xffff;
	[tilespmem:s31+$0x6100] =	vst v5  }
0x15a: {  	v5 =	vadd.s32 v0, v51;
	[tilespmem:s31+$0x6120] =	vst v7;
	v7 =	vld.idx.msk [tilespmem:v13+s30+$0x0], $0xffff  }
0x15b: {  	[tilespmem:s31+$0x6130] =	vst v8;
	v8 =	vadd.s32 v0, v55;
	v14 =	vld.idx.msk [tilespmem:v52+s30+$0x0], $0xffff  }
0x15c: {  	[tilespmem:s31+$0x6110] =	vst v6;
	v13 =	vadd.s32 v1, v10;
	v6 =	vld.idx.msk [tilespmem:v53+s30+$0x0], $0xffff  }
0x15d: {  	[tilespmem:s31+$0x6140] =	vst v9;
	v9 =	vadd.s32 v1, v11;
	v15 =	vld.idx.msk [tilespmem:v15+s30+$0x0], $0xffff  }
0x15e: {  	v59 =	vadd.s32 v1, v48;
	v20 =	vld.idx.msk [tilespmem:v57+s30+$0x0], $0xffff;
	[tilespmem:s31+$0x6150] =	vst v12  }
0x15f: {  	v12 =	vadd.s32 v1, v49;
	v5 =	vld.idx.msk [tilespmem:v5+s30+$0x0], $0xffff;
	[tilespmem:s0+$0x110] =	vst v7  }
0x160: {  	v7 =	vld.idx.msk [tilespmem:v8+s30+$0x0], $0xffff;
	[tilespmem:s0+$0x170] =	vst v14;
	v14 =	vadd.s32 v1, v50  }
0x161: {  	[tilespmem:s0+$0x100] =	vst v6;
	v6 =	vld.idx.msk [tilespmem:v13+s30+$0x0], $0xffff;
	v13 =	vadd.s32 v1, v51  }
0x162: {  	[tilespmem:s0+$0x120] =	vst v15;
	v15 =	vadd.s32 v1, v54;
	v8 =	vld.idx.msk [tilespmem:v9+s30+$0x0], $0xffff  }
0x163: {  	[tilespmem:s0+$0x150] =	vst v20;
	v24 =	vld.idx.msk [tilespmem:v59+s30+$0x0], $0xffff;
	v9 =	vadd.s32 v2, v10  }
0x164: {  	v61 =	vadd.s32 v2, v48;
	v12 =	vld.idx.msk [tilespmem:v12+s30+$0x0], $0xffff;
	[tilespmem:s0+$0x140] =	vst v5  }
0x165: {  	v60 =	vadd.s32 v1, v55;
	[tilespmem:s0+$0x160] =	vst v7;
	v14 =	vld.idx.msk [tilespmem:v14+s30+$0x0], $0xffff  }
0x166: {  	v5 =	vadd.s32 v2, v11;
	v13 =	vld.idx.msk [tilespmem:v13+s30+$0x0], $0xffff;
	[tilespmem:s0+$0x2170] =	vst v6  }
0x167: {  	v6 =	vadd.s32 v2, v49;
	[tilespmem:s0+$0x2100] =	vst v8;
	v8 =	vld.idx.msk [tilespmem:v15+s30+$0x0], $0xffff  }
0x168: {  	[tilespmem:s0+$0x2110] =	vst v24;
	v7 =	vld.idx.msk [tilespmem:v9+s30+$0x0], $0xffff;
	v9 =	vadd.s32 v2, v50  }
0x169: {  	[tilespmem:s0+$0x2120] =	vst v12;
	v12 =	vadd.s32 v2, v54;
	v20 =	vld.idx.msk [tilespmem:v61+s30+$0x0], $0xffff  }
0x16a: {  	v10 =	vadd.s32 v3, v10;
	v15 =	vld.idx.msk [tilespmem:v60+s30+$0x0], $0xffff  }
0x16b: {  	v62 =	vadd.s32 v2, v51;
	v5 =	vld.idx.msk [tilespmem:v5+s30+$0x0], $0xffff;
	[tilespmem:s0+$0x2130] =	vst v14  }
0x16c: {  	v14 =	vadd.s32 v2, v55;
	v6 =	vld.idx.msk [tilespmem:v6+s30+$0x0], $0xffff;
	[tilespmem:s0+$0x2140] =	vst v13  }
0x16d: {  	v13 =	vadd.s32 v3, v11;
	[tilespmem:s0+$0x2150] =	vst v8;
	v63 =	vld.idx.msk [tilespmem:v9+s30+$0x0], $0xffff  }
0x16e: {  	v16 =	vadd.s32 v3, v48;
	[tilespmem:s0+$0x4170] =	vst v7;
	v11 =	vld.idx.msk [tilespmem:v12+s30+$0x0], $0xffff  }
0x16f: {  	v17 =	vadd.s32 v3, v49;
	[tilespmem:s0+$0x4110] =	vst v20;
	v25 =	vld.idx.msk [tilespmem:v10+s30+$0x0], $0xffff  }
0x170: {  	[tilespmem:s0+$0x2160] =	vst v15;
	v8 =	vadd.s32 v3, v50;
	v10 =	vld.idx.msk [tilespmem:v62+s30+$0x0], $0xffff  }
0x171: {  	[tilespmem:s0+$0x4100] =	vst v5;
	v7 =	vadd.s32 v3, v51;
	v12 =	vld.idx.msk [tilespmem:v14+s30+$0x0], $0xffff  }
0x172: {  	v9 =	vld.idx.msk [tilespmem:v13+s30+$0x0], $0xffff;
	[tilespmem:s0+$0x4120] =	vst v6  }
0x173: {  	v13 =	vld.idx.msk [tilespmem:v16+s30+$0x0], $0xffff;
	[tilespmem:s0+$0x4130] =	vst v63  }
0x174: {  	s5 =	simm.s32 $0x2000;
	s1 =	smov.u32 s31;
	s10 =	simm.s32 $0x8;
	v5 =	vadd.s32 v3, v55;
	v6 =	vadd.s32 v3, v54;
	v14 =	vld.idx.msk [tilespmem:v17+s30+$0x0], $0xffff;
	[tilespmem:s0+$0x6170] =	vst v25  }
.LBB2_11:
0x175: {  	s6 =	sshra.s32 s5, $0x2;
	s10 =	sadd.s32 $0x8, s10;
	v8 =	vld.idx.msk [tilespmem:v8+s30+$0x0], $0xffff;
	[tilespmem:s0+$0x4140] =	vst v10  }
0x176: {  	s9 =	sadd.s32 s6, s29;
	p1 =	slt.u32 s10, $0x38;
	v7 =	vld.idx.msk [tilespmem:v7+s30+$0x0], $0xffff;
	[tilespmem:s0+$0x4150] =	vst v11  }
0x177: {  	v10 =	vld [tilespmem:s9+$0x0];
	[tilespmem:s0+$0x4160] =	vst v12  }
0x178: {  	v11 =	vld [tilespmem:s9+$0xFFFFFF90];
	[tilespmem:s0+$0x6100] =	vst v9  }
0x179: {  	v9 =	vld [tilespmem:s9+$0xFFFFFFA0];
	[tilespmem:s0+$0x6110] =	vst v13  }
0x17a: {  	v12 =	vld [tilespmem:s9+$0xFFFFFFB0];
	[tilespmem:s0+$0x6120] =	vst v14  }
0x17b: {  	v13 =	vld [tilespmem:s9+$0xFFFFFFC0];
	[tilespmem:s0+$0x6130] =	vst v8  }
0x17c: {  	v14 =	vld [tilespmem:s9+$0xFFFFFFD0];
	v8 =	vadd.s32 v0, v10;
	[tilespmem:s0+$0x6140] =	vst v7  }
0x17d: {  	v7 =	vadd.s32 v0, v11;
	v15 =	vadd.s32 v1, v11;
	v16 =	vadd.s32 v2, v11;
	v17 =	vld [tilespmem:s9+$0xFFFFFFE0];
	[tilespmem:s1+$0x6160] =	vst v4;
	s1 =	smov.u32 s0  }
0x17e: {  	v18 =	vadd.s32 v0, v9;
	v19 =	vadd.s32 v1, v9;
	v20 =	vadd.s32 v2, v9;
	v21 =	vld [tilespmem:s9+$0xFFFFFFF0]  }
0x17f: {  	v22 =	vadd.s32 v0, v12;
	v23 =	vadd.s32 v1, v12;
	v24 =	vadd.s32 v2, v12;
	v25 =	vld.idx.msk [tilespmem:v6+s30+$0x0], $0xffff  }
0x180: {  	v6 =	vadd.s32 v0, v13;
	v26 =	vadd.s32 v1, v13;
	v27 =	vadd.s32 v2, v13;
	v4 =	vld.idx.msk [tilespmem:v5+s30+$0x0], $0xffff  }
0x181: {  	v5 =	vadd.s32 v0, v14;
	v28 =	vadd.s32 v1, v14;
	v29 =	vadd.s32 v2, v14;
	v30 =	vld.idx.msk [tilespmem:v8+s30+$0x0], $0xffff  }
0x182: {  	v31 =	vld.idx.msk [tilespmem:v7+s30+$0x0], $0xffff;
	v32 =	vadd.s32 v0, v17;
	v33 =	vadd.s32 v1, v17;
	v34 =	vadd.s32 v2, v17  }
0x183: {  	v37 =	vadd.s32 v1, v10;
	v18 =	vld.idx.msk [tilespmem:v18+s30+$0x0], $0xffff;
	v35 =	vadd.s32 v0, v21;
	v36 =	vadd.s32 v1, v21  }
0x184: {  	v38 =	vadd.s32 v3, v11;
	v39 =	vadd.s32 v3, v9;
	v9 =	vld.idx.msk [tilespmem:v22+s30+$0x0], $0xffff;
	v22 =	vadd.s32 v2, v21  }
0x185: {  	v40 =	vadd.s32 v3, v12;
	v8 =	vadd.s32 v3, v13;
	v7 =	vadd.s32 v3, v14;
	v11 =	vld.idx.msk [tilespmem:v6+s30+$0x0], $0xffff  }
0x186: {  	s0 =	sadd.s32 s6, s18;
	v6 =	vadd.s32 v3, v17;
	v12 =	vld.idx.msk [tilespmem:v5+s30+$0x0], $0xffff;
	v5 =	vadd.s32 v3, v21;
	[tilespmem:s1+$0x6150] =	vst v25  }
0x187: {  	v13 =	vld.idx.msk [tilespmem:v32+s30+$0x0], $0xffff;
	[tilespmem:s0+$0x170] =	vst v30  }
0x188: {  	[tilespmem:s0+$0x100] =	vst v31;
	v14 =	vld.idx.msk [tilespmem:v37+s30+$0x0], $0xffff  }
0x189: {  	[tilespmem:s0+$0x110] =	vst v18;
	v17 =	vld.idx.msk [tilespmem:v35+s30+$0x0], $0xffff  }
0x18a: {  	v15 =	vld.idx.msk [tilespmem:v15+s30+$0x0], $0xffff;
	[tilespmem:s0+$0x120] =	vst v9;
	v9 =	vadd.s32 v2, v10  }
0x18b: {  	v18 =	vld.idx.msk [tilespmem:v19+s30+$0x0], $0xffff;
	[tilespmem:s0+$0x130] =	vst v11  }
0x18c: {  	v11 =	vld.idx.msk [tilespmem:v23+s30+$0x0], $0xffff;
	[tilespmem:s0+$0x140] =	vst v12  }
0x18d: {  	v12 =	vld.idx.msk [tilespmem:v26+s30+$0x0], $0xffff;
	[tilespmem:s0+$0x150] =	vst v13  }
0x18e: {  	v13 =	vld.idx.msk [tilespmem:v28+s30+$0x0], $0xffff;
	[tilespmem:s0+$0x2170] =	vst v14  }
0x18f: {  	[tilespmem:s0+$0x160] =	vst v17;
	v9 =	vld.idx.msk [tilespmem:v9+s30+$0x0], $0xffff  }
0x190: {  	[tilespmem:s0+$0x2100] =	vst v15;
	v14 =	vld.idx.msk [tilespmem:v33+s30+$0x0], $0xffff  }
0x191: {  	v10 =	vadd.s32 v3, v10;
	[tilespmem:s0+$0x2110] =	vst v18;
	v15 =	vld.idx.msk [tilespmem:v36+s30+$0x0], $0xffff  }
0x192: {  	v16 =	vld.idx.msk [tilespmem:v16+s30+$0x0], $0xffff;
	[tilespmem:s0+$0x2120] =	vst v11  }
0x193: {  	v17 =	vld.idx.msk [tilespmem:v20+s30+$0x0], $0xffff;
	[tilespmem:s0+$0x2130] =	vst v12  }
0x194: {  	v18 =	vld.idx.msk [tilespmem:v24+s30+$0x0], $0xffff;
	[tilespmem:s0+$0x2140] =	vst v13  }
0x195: {  	v19 =	vld.idx.msk [tilespmem:v27+s30+$0x0], $0xffff;
	[tilespmem:s0+$0x4170] =	vst v9  }
0x196: {  	[tilespmem:s0+$0x2150] =	vst v14;
	v20 =	vld.idx.msk [tilespmem:v10+s30+$0x0], $0xffff  }
0x197: {  	v10 =	vld.idx.msk [tilespmem:v29+s30+$0x0], $0xffff;
	[tilespmem:s0+$0x2160] =	vst v15  }
.Ltmp5:
0x198: {  	[tilespmem:s0+$0x4100] =	vst v16;
	v11 =	vld.idx.msk [tilespmem:v34+s30+$0x0], $0xffff;
	(pc) =	sbr.rel @p1 .LBB2_11-.Ltmp5, $4  }
0x199: {  	[tilespmem:s0+$0x4110] =	vst v17;
	v12 =	vld.idx.msk [tilespmem:v22+s30+$0x0], $0xffff  }
0x19a: {  	v9 =	vld.idx.msk [tilespmem:v38+s30+$0x0], $0xffff;
	[tilespmem:s0+$0x4120] =	vst v18  }
0x19b: {  	v13 =	vld.idx.msk [tilespmem:v39+s30+$0x0], $0xffff;
	[tilespmem:s0+$0x4130] =	vst v19  }
0x19c: {  	s5 =	sadd.s32 $0x1000, s5;
	v14 =	vld.idx.msk [tilespmem:v40+s30+$0x0], $0xffff;
	[tilespmem:s0+$0x6170] =	vst v20  }
0x19d: {  	_ =	sdelay $0x1  }
0x19e: {  	[tilespmem:s0+$0x4140] =	vst v10  }
0x19f: {  	[tilespmem:s0+$0x4150] =	vst v11  }
0x1a0: {  	v8 =	vld.idx.msk [tilespmem:v8+s30+$0x0], $0xffff;
	[tilespmem:s1+$0x6160] =	vst v4  }
0x1a1: {  	v7 =	vld.idx.msk [tilespmem:v7+s30+$0x0], $0xffff;
	[tilespmem:s0+$0x4160] =	vst v12  }
0x1a2: {  	v6 =	vld.idx.msk [tilespmem:v6+s30+$0x0], $0xffff;
	[tilespmem:s0+$0x6100] =	vst v9  }
0x1a3: {  	v5 =	vld.idx.msk [tilespmem:v5+s30+$0x0], $0xffff;
	[tilespmem:s0+$0x6110] =	vst v13  }
0x1a4: {  	[tilespmem:s0+$0x6120] =	vst v14  }
0x1a5: {  	[tilespmem:s0+$0x6130] =	vst v8  }
0x1a6: {  	[tilespmem:s0+$0x6140] =	vst v7  }
0x1a7: {  	[tilespmem:s0+$0x6150] =	vst v6  }
0x1a8: {  	s10 =	sadd.s32 $0x0, s28;
	[tilespmem:s0+$0x6160] =	vst v5  }
0x1a9: {  	v4 =	vld [tilespmem:s10+$0x0]  }
0x1aa: {  	v5 =	vld [tilespmem:s10+$0xFFFFFF90]  }
0x1ab: {  	v6 =	vld [tilespmem:s10+$0xFFFFFFA0]  }
0x1ac: {  	v7 =	vld [tilespmem:s10+$0xFFFFFFB0]  }
0x1ad: {  	v8 =	vld [tilespmem:s10+$0xFFFFFFC0]  }
0x1ae: {  	v9 =	vld [tilespmem:s10+$0xFFFFFFD0]  }
0x1af: {  	v12 =	vld [tilespmem:s10+$0xFFFFFFE0]  }
0x1b0: {  	s30 =	sadd.s32 $0x400, s28;
	v14 =	vld [tilespmem:s10+$0xFFFFFFF0]  }
0x1b1: {  	v48 =	vld [tilespmem:s30+$0xFFFFFFA0]  }
0x1b2: {  	v49 =	vld [tilespmem:s30+$0xFFFFFFB0];
	v10 =	vadd.s32 v0, v4  }
0x1b3: {  	v50 =	vld [tilespmem:s30+$0xFFFFFFC0];
	v11 =	vadd.s32 v0, v5  }
0x1b4: {  	v51 =	vld [tilespmem:s30+$0xFFFFFFD0];
	v13 =	vadd.s32 v0, v6  }
0x1b5: {  	v54 =	vld [tilespmem:s30+$0xFFFFFFE0];
	v15 =	vadd.s32 v0, v7  }
0x1b6: {  	s29 =	simm.s32 $0x0;
	v55 =	vld [tilespmem:s30+$0xFFFFFFF0];
	v16 =	vadd.s32 v0, v8  }
0x1b7: {  	v17 =	vadd.s32 v0, v9;
	v10 =	vld.idx.msk [tilespmem:v10+s29+$0x0], $0xffff  }
0x1b8: {  	v18 =	vadd.s32 v0, v12;
	v11 =	vld.idx.msk [tilespmem:v11+s29+$0x0], $0xffff  }
0x1b9: {  	v56 =	vadd.s32 v0, v50;
	v13 =	vld.idx.msk [tilespmem:v13+s29+$0x0], $0xffff  }
0x1ba: {  	v20 =	vadd.s32 v0, v14;
	v15 =	vld.idx.msk [tilespmem:v15+s29+$0x0], $0xffff  }
0x1bb: {  	v19 =	vadd.s32 v1, v4;
	v16 =	vld.idx.msk [tilespmem:v16+s29+$0x0], $0xffff  }
0x1bc: {  	v21 =	vadd.s32 v1, v5;
	v17 =	vld.idx.msk [tilespmem:v17+s29+$0x0], $0xffff  }
0x1bd: {  	v22 =	vadd.s32 v1, v6;
	v18 =	vld.idx.msk [tilespmem:v18+s29+$0x0], $0xffff  }
0x1be: {  	v23 =	vadd.s32 v1, v7;
	v58 =	vld.idx.msk [tilespmem:v56+s29+$0x0], $0xffff;
	[tilespmem:s31+$0x1F0] =	vst v10  }
0x1bf: {  	v24 =	vadd.s32 v1, v9;
	[tilespmem:s31+$0x180] =	vst v11;
	v11 =	vld.idx.msk [tilespmem:v20+s29+$0x0], $0xffff  }
0x1c0: {  	v10 =	vadd.s32 v1, v8;
	[tilespmem:s31+$0x190] =	vst v13;
	v19 =	vld.idx.msk [tilespmem:v19+s29+$0x0], $0xffff  }
0x1c1: {  	v35 =	vadd.s32 v1, v12;
	[tilespmem:s31+$0x1A0] =	vst v15;
	v13 =	vld.idx.msk [tilespmem:v21+s29+$0x0], $0xffff  }
0x1c2: {  	v36 =	vadd.s32 v1, v14;
	[tilespmem:s31+$0x1B0] =	vst v16;
	v15 =	vld.idx.msk [tilespmem:v22+s29+$0x0], $0xffff  }
0x1c3: {  	v34 =	vadd.s32 v2, v4;
	[tilespmem:s31+$0x1C0] =	vst v17;
	v37 =	vld.idx.msk [tilespmem:v23+s29+$0x0], $0xffff  }
0x1c4: {  	v38 =	vadd.s32 v2, v5;
	[tilespmem:s31+$0x1D0] =	vst v18;
	v24 =	vld.idx.msk [tilespmem:v24+s29+$0x0], $0xffff  }
0x1c5: {  	v39 =	vadd.s32 v2, v6;
	v10 =	vld.idx.msk [tilespmem:v10+s29+$0x0], $0xffff;
	[tilespmem:s31+$0x1E0] =	vst v11  }
0x1c6: {  	v40 =	vadd.s32 v2, v7;
	v11 =	vld.idx.msk [tilespmem:v35+s29+$0x0], $0xffff;
	[tilespmem:s31+$0x21F0] =	vst v19  }
0x1c7: {  	v43 =	vadd.s32 v2, v9;
	[tilespmem:s31+$0x2180] =	vst v13;
	v13 =	vld.idx.msk [tilespmem:v36+s29+$0x0], $0xffff  }
0x1c8: {  	v42 =	vadd.s32 v2, v8;
	[tilespmem:s31+$0x2190] =	vst v15;
	v41 =	vld.idx.msk [tilespmem:v34+s29+$0x0], $0xffff  }
0x1c9: {  	v44 =	vadd.s32 v2, v12;
	[tilespmem:s31+$0x21A0] =	vst v37;
	v15 =	vld.idx.msk [tilespmem:v38+s29+$0x0], $0xffff  }
0x1ca: {  	v46 =	vadd.s32 v2, v14;
	[tilespmem:s31+$0x21C0] =	vst v24;
	v45 =	vld.idx.msk [tilespmem:v39+s29+$0x0], $0xffff  }
0x1cb: {  	v4 =	vadd.s32 v3, v4;
	[tilespmem:s31+$0x21B0] =	vst v10;
	v10 =	vld.idx.msk [tilespmem:v40+s29+$0x0], $0xffff  }
0x1cc: {  	[tilespmem:s31+$0x21D0] =	vst v11;
	v11 =	vld.idx.msk [tilespmem:v43+s29+$0x0], $0xffff  }
0x1cd: {  	v47 =	vld.idx.msk [tilespmem:v42+s29+$0x0], $0xffff;
	[tilespmem:s31+$0x21E0] =	vst v13  }
0x1ce: {  	v5 =	vadd.s32 v3, v5;
	v13 =	vld.idx.msk [tilespmem:v44+s29+$0x0], $0xffff;
	[tilespmem:s31+$0x41F0] =	vst v41  }
0x1cf: {  	v6 =	vadd.s32 v3, v6;
	[tilespmem:s31+$0x4180] =	vst v15;
	v15 =	vld.idx.msk [tilespmem:v46+s29+$0x0], $0xffff  }
0x1d0: {  	v7 =	vadd.s32 v3, v7;
	v4 =	vld.idx.msk [tilespmem:v4+s29+$0x0], $0xffff  }
0x1d1: {  	v8 =	vadd.s32 v3, v8;
	[tilespmem:s31+$0x41A0] =	vst v10;
	v10 =	vld [tilespmem:s30+$0x0]  }
0x1d2: {  	v9 =	vadd.s32 v3, v9;
	[tilespmem:s31+$0x41C0] =	vst v11;
	v11 =	vld [tilespmem:s30+$0xFFFFFF90]  }
0x1d3: {  	v12 =	vadd.s32 v3, v12;
	[tilespmem:s31+$0x4190] =	vst v45;
	v5 =	vld.idx.msk [tilespmem:v5+s29+$0x0], $0xffff  }
0x1d4: {  	v14 =	vadd.s32 v3, v14;
	v6 =	vld.idx.msk [tilespmem:v6+s29+$0x0], $0xffff;
	[tilespmem:s31+$0x41B0] =	vst v47  }
0x1d5: {  	s0 =	sadd.s32 $0x400, s18;
	v7 =	vld.idx.msk [tilespmem:v7+s29+$0x0], $0xffff;
	[tilespmem:s31+$0x41D0] =	vst v13;
	v13 =	vadd.s32 v0, v48  }
0x1d6: {  	[tilespmem:s0+$0x1B0] =	vst v58;
	v8 =	vld.idx.msk [tilespmem:v8+s29+$0x0], $0xffff;
	v52 =	vadd.s32 v0, v10  }
0x1d7: {  	v9 =	vld.idx.msk [tilespmem:v9+s29+$0x0], $0xffff;
	[tilespmem:s31+$0x41E0] =	vst v15;
	v53 =	vadd.s32 v0, v11  }
0x1d8: {  	v15 =	vadd.s32 v0, v49;
	v12 =	vld.idx.msk [tilespmem:v12+s29+$0x0], $0xffff;
	[tilespmem:s31+$0x61F0] =	vst v4  }
0x1d9: {  	v57 =	vadd.s32 v0, v54;
	v4 =	vld.idx.msk [tilespmem:v14+s29+$0x0], $0xffff;
	[tilespmem:s31+$0x6180] =	vst v5  }
0x1da: {  	v5 =	vadd.s32 v0, v51;
	[tilespmem:s31+$0x61A0] =	vst v7;
	v7 =	vld.idx.msk [tilespmem:v13+s29+$0x0], $0xffff  }
0x1db: {  	[tilespmem:s31+$0x61B0] =	vst v8;
	v8 =	vadd.s32 v0, v55;
	v14 =	vld.idx.msk [tilespmem:v52+s29+$0x0], $0xffff  }
0x1dc: {  	[tilespmem:s31+$0x6190] =	vst v6;
	v13 =	vadd.s32 v1, v10;
	v6 =	vld.idx.msk [tilespmem:v53+s29+$0x0], $0xffff  }
0x1dd: {  	[tilespmem:s31+$0x61C0] =	vst v9;
	v9 =	vadd.s32 v1, v11;
	v15 =	vld.idx.msk [tilespmem:v15+s29+$0x0], $0xffff  }
0x1de: {  	v59 =	vadd.s32 v1, v48;
	v20 =	vld.idx.msk [tilespmem:v57+s29+$0x0], $0xffff;
	[tilespmem:s31+$0x61D0] =	vst v12  }
0x1df: {  	v12 =	vadd.s32 v1, v49;
	v5 =	vld.idx.msk [tilespmem:v5+s29+$0x0], $0xffff;
	[tilespmem:s0+$0x190] =	vst v7  }
0x1e0: {  	v7 =	vld.idx.msk [tilespmem:v8+s29+$0x0], $0xffff;
	[tilespmem:s0+$0x1F0] =	vst v14;
	v14 =	vadd.s32 v1, v50  }
0x1e1: {  	[tilespmem:s0+$0x180] =	vst v6;
	v6 =	vld.idx.msk [tilespmem:v13+s29+$0x0], $0xffff;
	v13 =	vadd.s32 v1, v51  }
0x1e2: {  	[tilespmem:s0+$0x1A0] =	vst v15;
	v15 =	vadd.s32 v1, v54;
	v8 =	vld.idx.msk [tilespmem:v9+s29+$0x0], $0xffff  }
0x1e3: {  	[tilespmem:s0+$0x1D0] =	vst v20;
	v24 =	vld.idx.msk [tilespmem:v59+s29+$0x0], $0xffff;
	v9 =	vadd.s32 v2, v10  }
0x1e4: {  	v61 =	vadd.s32 v2, v48;
	v12 =	vld.idx.msk [tilespmem:v12+s29+$0x0], $0xffff;
	[tilespmem:s0+$0x1C0] =	vst v5  }
0x1e5: {  	v60 =	vadd.s32 v1, v55;
	[tilespmem:s0+$0x1E0] =	vst v7;
	v14 =	vld.idx.msk [tilespmem:v14+s29+$0x0], $0xffff  }
0x1e6: {  	v5 =	vadd.s32 v2, v11;
	v13 =	vld.idx.msk [tilespmem:v13+s29+$0x0], $0xffff;
	[tilespmem:s0+$0x21F0] =	vst v6  }
0x1e7: {  	v6 =	vadd.s32 v2, v49;
	[tilespmem:s0+$0x2180] =	vst v8;
	v8 =	vld.idx.msk [tilespmem:v15+s29+$0x0], $0xffff  }
0x1e8: {  	[tilespmem:s0+$0x2190] =	vst v24;
	v7 =	vld.idx.msk [tilespmem:v9+s29+$0x0], $0xffff;
	v9 =	vadd.s32 v2, v50  }
0x1e9: {  	[tilespmem:s0+$0x21A0] =	vst v12;
	v12 =	vadd.s32 v2, v54;
	v20 =	vld.idx.msk [tilespmem:v61+s29+$0x0], $0xffff  }
0x1ea: {  	v10 =	vadd.s32 v3, v10;
	v15 =	vld.idx.msk [tilespmem:v60+s29+$0x0], $0xffff  }
0x1eb: {  	v62 =	vadd.s32 v2, v51;
	v5 =	vld.idx.msk [tilespmem:v5+s29+$0x0], $0xffff;
	[tilespmem:s0+$0x21B0] =	vst v14  }
0x1ec: {  	v14 =	vadd.s32 v2, v55;
	v6 =	vld.idx.msk [tilespmem:v6+s29+$0x0], $0xffff;
	[tilespmem:s0+$0x21C0] =	vst v13  }
0x1ed: {  	v13 =	vadd.s32 v3, v11;
	[tilespmem:s0+$0x21D0] =	vst v8;
	v63 =	vld.idx.msk [tilespmem:v9+s29+$0x0], $0xffff  }
0x1ee: {  	v16 =	vadd.s32 v3, v48;
	[tilespmem:s0+$0x41F0] =	vst v7;
	v11 =	vld.idx.msk [tilespmem:v12+s29+$0x0], $0xffff  }
0x1ef: {  	v17 =	vadd.s32 v3, v49;
	[tilespmem:s0+$0x4190] =	vst v20;
	v25 =	vld.idx.msk [tilespmem:v10+s29+$0x0], $0xffff  }
0x1f0: {  	[tilespmem:s0+$0x21E0] =	vst v15;
	v8 =	vadd.s32 v3, v50;
	v10 =	vld.idx.msk [tilespmem:v62+s29+$0x0], $0xffff  }
0x1f1: {  	[tilespmem:s0+$0x4180] =	vst v5;
	v7 =	vadd.s32 v3, v51;
	v12 =	vld.idx.msk [tilespmem:v14+s29+$0x0], $0xffff  }
0x1f2: {  	v9 =	vld.idx.msk [tilespmem:v13+s29+$0x0], $0xffff;
	[tilespmem:s0+$0x41A0] =	vst v6  }
0x1f3: {  	v13 =	vld.idx.msk [tilespmem:v16+s29+$0x0], $0xffff;
	[tilespmem:s0+$0x41B0] =	vst v63  }
0x1f4: {  	s1 =	simm.s32 $0x8;
	s5 =	simm.s32 $0x2000;
	v5 =	vadd.s32 v3, v55;
	v6 =	vadd.s32 v3, v54;
	v14 =	vld.idx.msk [tilespmem:v17+s29+$0x0], $0xffff;
	[tilespmem:s0+$0x61F0] =	vst v25  }
.LBB2_13:
0x1f5: {  	s6 =	sshra.s32 s5, $0x2;
	s1 =	sadd.s32 $0x8, s1;
	v8 =	vld.idx.msk [tilespmem:v8+s29+$0x0], $0xffff;
	[tilespmem:s0+$0x41C0] =	vst v10  }
0x1f6: {  	s9 =	sadd.s32 s6, s28;
	p1 =	slt.u32 s1, $0x38;
	v7 =	vld.idx.msk [tilespmem:v7+s29+$0x0], $0xffff;
	[tilespmem:s0+$0x41D0] =	vst v11  }
0x1f7: {  	v10 =	vld [tilespmem:s9+$0x0];
	[tilespmem:s0+$0x41E0] =	vst v12  }
0x1f8: {  	v11 =	vld [tilespmem:s9+$0xFFFFFF90];
	[tilespmem:s0+$0x6180] =	vst v9  }
0x1f9: {  	v9 =	vld [tilespmem:s9+$0xFFFFFFA0];
	[tilespmem:s0+$0x6190] =	vst v13  }
0x1fa: {  	v12 =	vld [tilespmem:s9+$0xFFFFFFB0];
	[tilespmem:s0+$0x61A0] =	vst v14  }
0x1fb: {  	v13 =	vld [tilespmem:s9+$0xFFFFFFC0];
	[tilespmem:s0+$0x61B0] =	vst v8  }
0x1fc: {  	v14 =	vld [tilespmem:s9+$0xFFFFFFD0];
	v8 =	vadd.s32 v0, v10;
	[tilespmem:s0+$0x61C0] =	vst v7  }
0x1fd: {  	v7 =	vadd.s32 v0, v11;
	v15 =	vadd.s32 v1, v11;
	v16 =	vadd.s32 v2, v11;
	v17 =	vld [tilespmem:s9+$0xFFFFFFE0];
	[tilespmem:s31+$0x61E0] =	vst v4;
	s31 =	smov.u32 s0  }
0x1fe: {  	v18 =	vadd.s32 v0, v9;
	v19 =	vadd.s32 v1, v9;
	v20 =	vadd.s32 v2, v9;
	v21 =	vld [tilespmem:s9+$0xFFFFFFF0]  }
0x1ff: {  	v22 =	vadd.s32 v0, v12;
	v23 =	vadd.s32 v1, v12;
	v24 =	vadd.s32 v2, v12;
	v25 =	vld.idx.msk [tilespmem:v6+s29+$0x0], $0xffff  }
0x200: {  	v6 =	vadd.s32 v0, v13;
	v26 =	vadd.s32 v1, v13;
	v27 =	vadd.s32 v2, v13;
	v4 =	vld.idx.msk [tilespmem:v5+s29+$0x0], $0xffff  }
0x201: {  	v5 =	vadd.s32 v0, v14;
	v28 =	vadd.s32 v1, v14;
	v29 =	vadd.s32 v2, v14;
	v30 =	vld.idx.msk [tilespmem:v8+s29+$0x0], $0xffff  }
0x202: {  	v31 =	vld.idx.msk [tilespmem:v7+s29+$0x0], $0xffff;
	v32 =	vadd.s32 v0, v17;
	v33 =	vadd.s32 v1, v17;
	v34 =	vadd.s32 v2, v17  }
0x203: {  	v37 =	vadd.s32 v1, v10;
	v18 =	vld.idx.msk [tilespmem:v18+s29+$0x0], $0xffff;
	v35 =	vadd.s32 v0, v21;
	v36 =	vadd.s32 v1, v21  }
0x204: {  	v38 =	vadd.s32 v3, v11;
	v39 =	vadd.s32 v3, v9;
	v9 =	vld.idx.msk [tilespmem:v22+s29+$0x0], $0xffff;
	v22 =	vadd.s32 v2, v21  }
0x205: {  	v40 =	vadd.s32 v3, v12;
	v8 =	vadd.s32 v3, v13;
	v7 =	vadd.s32 v3, v14;
	v11 =	vld.idx.msk [tilespmem:v6+s29+$0x0], $0xffff  }
0x206: {  	s0 =	sadd.s32 s6, s18;
	v6 =	vadd.s32 v3, v17;
	v12 =	vld.idx.msk [tilespmem:v5+s29+$0x0], $0xffff;
	v5 =	vadd.s32 v3, v21;
	[tilespmem:s31+$0x61D0] =	vst v25  }
0x207: {  	v13 =	vld.idx.msk [tilespmem:v32+s29+$0x0], $0xffff;
	[tilespmem:s0+$0x1F0] =	vst v30  }
0x208: {  	[tilespmem:s0+$0x180] =	vst v31;
	v14 =	vld.idx.msk [tilespmem:v37+s29+$0x0], $0xffff  }
0x209: {  	[tilespmem:s0+$0x190] =	vst v18;
	v17 =	vld.idx.msk [tilespmem:v35+s29+$0x0], $0xffff  }
0x20a: {  	v15 =	vld.idx.msk [tilespmem:v15+s29+$0x0], $0xffff;
	[tilespmem:s0+$0x1A0] =	vst v9;
	v9 =	vadd.s32 v2, v10  }
0x20b: {  	v18 =	vld.idx.msk [tilespmem:v19+s29+$0x0], $0xffff;
	[tilespmem:s0+$0x1B0] =	vst v11  }
0x20c: {  	v11 =	vld.idx.msk [tilespmem:v23+s29+$0x0], $0xffff;
	[tilespmem:s0+$0x1C0] =	vst v12  }
0x20d: {  	v12 =	vld.idx.msk [tilespmem:v26+s29+$0x0], $0xffff;
	[tilespmem:s0+$0x1D0] =	vst v13  }
0x20e: {  	v13 =	vld.idx.msk [tilespmem:v28+s29+$0x0], $0xffff;
	[tilespmem:s0+$0x21F0] =	vst v14  }
0x20f: {  	[tilespmem:s0+$0x1E0] =	vst v17;
	v9 =	vld.idx.msk [tilespmem:v9+s29+$0x0], $0xffff  }
0x210: {  	[tilespmem:s0+$0x2180] =	vst v15;
	v14 =	vld.idx.msk [tilespmem:v33+s29+$0x0], $0xffff  }
0x211: {  	v10 =	vadd.s32 v3, v10;
	[tilespmem:s0+$0x2190] =	vst v18;
	v15 =	vld.idx.msk [tilespmem:v36+s29+$0x0], $0xffff  }
0x212: {  	v16 =	vld.idx.msk [tilespmem:v16+s29+$0x0], $0xffff;
	[tilespmem:s0+$0x21A0] =	vst v11  }
0x213: {  	v17 =	vld.idx.msk [tilespmem:v20+s29+$0x0], $0xffff;
	[tilespmem:s0+$0x21B0] =	vst v12  }
0x214: {  	v18 =	vld.idx.msk [tilespmem:v24+s29+$0x0], $0xffff;
	[tilespmem:s0+$0x21C0] =	vst v13  }
0x215: {  	v19 =	vld.idx.msk [tilespmem:v27+s29+$0x0], $0xffff;
	[tilespmem:s0+$0x41F0] =	vst v9  }
0x216: {  	[tilespmem:s0+$0x21D0] =	vst v14;
	v20 =	vld.idx.msk [tilespmem:v10+s29+$0x0], $0xffff  }
0x217: {  	v10 =	vld.idx.msk [tilespmem:v29+s29+$0x0], $0xffff;
	[tilespmem:s0+$0x21E0] =	vst v15  }
.Ltmp6:
0x218: {  	[tilespmem:s0+$0x4180] =	vst v16;
	v11 =	vld.idx.msk [tilespmem:v34+s29+$0x0], $0xffff;
	(pc) =	sbr.rel @p1 .LBB2_13-.Ltmp6, $4  }
0x219: {  	[tilespmem:s0+$0x4190] =	vst v17;
	v12 =	vld.idx.msk [tilespmem:v22+s29+$0x0], $0xffff  }
0x21a: {  	v9 =	vld.idx.msk [tilespmem:v38+s29+$0x0], $0xffff;
	[tilespmem:s0+$0x41A0] =	vst v18  }
0x21b: {  	v13 =	vld.idx.msk [tilespmem:v39+s29+$0x0], $0xffff;
	[tilespmem:s0+$0x41B0] =	vst v19  }
0x21c: {  	s5 =	sadd.s32 $0x1000, s5;
	v14 =	vld.idx.msk [tilespmem:v40+s29+$0x0], $0xffff;
	[tilespmem:s0+$0x61F0] =	vst v20  }
0x21d: {  	_ =	sdelay $0x1  }
0x21e: {  	[tilespmem:s0+$0x41C0] =	vst v10  }
0x21f: {  	[tilespmem:s0+$0x41D0] =	vst v11  }
0x220: {  	v8 =	vld.idx.msk [tilespmem:v8+s29+$0x0], $0xffff;
	[tilespmem:s31+$0x61E0] =	vst v4  }
0x221: {  	v7 =	vld.idx.msk [tilespmem:v7+s29+$0x0], $0xffff;
	[tilespmem:s0+$0x41E0] =	vst v12  }
0x222: {  	v6 =	vld.idx.msk [tilespmem:v6+s29+$0x0], $0xffff;
	[tilespmem:s0+$0x6180] =	vst v9  }
0x223: {  	v5 =	vld.idx.msk [tilespmem:v5+s29+$0x0], $0xffff;
	[tilespmem:s0+$0x6190] =	vst v13  }
0x224: {  	[tilespmem:s0+$0x61A0] =	vst v14  }
0x225: {  	[tilespmem:s0+$0x61B0] =	vst v8  }
0x226: {  	[tilespmem:s0+$0x61C0] =	vst v7  }
0x227: {  	[tilespmem:s0+$0x61D0] =	vst v6  }
0x228: {  	s30 =	sadd.s32 $0x0, s26;
	[tilespmem:s0+$0x61E0] =	vst v5  }
0x229: {  	v4 =	vld [tilespmem:s30+$0x0]  }
0x22a: {  	v5 =	vld [tilespmem:s30+$0xFFFFFF90]  }
0x22b: {  	v6 =	vld [tilespmem:s30+$0xFFFFFFA0]  }
0x22c: {  	v7 =	vld [tilespmem:s30+$0xFFFFFFB0]  }
0x22d: {  	v8 =	vld [tilespmem:s30+$0xFFFFFFC0]  }
0x22e: {  	v9 =	vld [tilespmem:s30+$0xFFFFFFD0]  }
0x22f: {  	v12 =	vld [tilespmem:s30+$0xFFFFFFE0]  }
0x230: {  	s31 =	sadd.s32 $0x400, s26;
	v14 =	vld [tilespmem:s30+$0xFFFFFFF0]  }
0x231: {  	v48 =	vld [tilespmem:s31+$0xFFFFFFA0]  }
0x232: {  	v49 =	vld [tilespmem:s31+$0xFFFFFFB0];
	v10 =	vadd.s32 v0, v4  }
0x233: {  	v50 =	vld [tilespmem:s31+$0xFFFFFFC0];
	v11 =	vadd.s32 v0, v5  }
0x234: {  	v51 =	vld [tilespmem:s31+$0xFFFFFFD0];
	v13 =	vadd.s32 v0, v6  }
0x235: {  	v54 =	vld [tilespmem:s31+$0xFFFFFFE0];
	v15 =	vadd.s32 v0, v7  }
0x236: {  	v55 =	vld [tilespmem:s31+$0xFFFFFFF0];
	v16 =	vadd.s32 v0, v8  }
0x237: {  	v17 =	vadd.s32 v0, v9;
	v10 =	vld.idx.msk [tilespmem:v10+s29+$0x0], $0xffff  }
0x238: {  	v18 =	vadd.s32 v0, v12;
	v11 =	vld.idx.msk [tilespmem:v11+s29+$0x0], $0xffff  }
0x239: {  	v56 =	vadd.s32 v0, v50;
	v13 =	vld.idx.msk [tilespmem:v13+s29+$0x0], $0xffff  }
0x23a: {  	v20 =	vadd.s32 v0, v14;
	v15 =	vld.idx.msk [tilespmem:v15+s29+$0x0], $0xffff  }
0x23b: {  	v19 =	vadd.s32 v1, v4;
	v16 =	vld.idx.msk [tilespmem:v16+s29+$0x0], $0xffff  }
0x23c: {  	v21 =	vadd.s32 v1, v5;
	v17 =	vld.idx.msk [tilespmem:v17+s29+$0x0], $0xffff  }
0x23d: {  	s28 =	sadd.s32 $0x0, s18;
	v22 =	vadd.s32 v1, v6;
	v18 =	vld.idx.msk [tilespmem:v18+s29+$0x0], $0xffff  }
0x23e: {  	v23 =	vadd.s32 v1, v7;
	v58 =	vld.idx.msk [tilespmem:v56+s29+$0x0], $0xffff;
	[tilespmem:s28+$0x270] =	vst v10  }
0x23f: {  	v24 =	vadd.s32 v1, v9;
	[tilespmem:s28+$0x200] =	vst v11;
	v11 =	vld.idx.msk [tilespmem:v20+s29+$0x0], $0xffff  }
0x240: {  	v10 =	vadd.s32 v1, v8;
	[tilespmem:s28+$0x210] =	vst v13;
	v19 =	vld.idx.msk [tilespmem:v19+s29+$0x0], $0xffff  }
0x241: {  	v35 =	vadd.s32 v1, v12;
	[tilespmem:s28+$0x220] =	vst v15;
	v13 =	vld.idx.msk [tilespmem:v21+s29+$0x0], $0xffff  }
0x242: {  	v36 =	vadd.s32 v1, v14;
	[tilespmem:s28+$0x230] =	vst v16;
	v15 =	vld.idx.msk [tilespmem:v22+s29+$0x0], $0xffff  }
0x243: {  	v34 =	vadd.s32 v2, v4;
	[tilespmem:s28+$0x240] =	vst v17;
	v37 =	vld.idx.msk [tilespmem:v23+s29+$0x0], $0xffff  }
0x244: {  	v38 =	vadd.s32 v2, v5;
	[tilespmem:s28+$0x250] =	vst v18;
	v24 =	vld.idx.msk [tilespmem:v24+s29+$0x0], $0xffff  }
0x245: {  	v39 =	vadd.s32 v2, v6;
	v10 =	vld.idx.msk [tilespmem:v10+s29+$0x0], $0xffff;
	[tilespmem:s28+$0x260] =	vst v11  }
0x246: {  	v40 =	vadd.s32 v2, v7;
	v11 =	vld.idx.msk [tilespmem:v35+s29+$0x0], $0xffff;
	[tilespmem:s28+$0x2270] =	vst v19  }
0x247: {  	v43 =	vadd.s32 v2, v9;
	[tilespmem:s28+$0x2200] =	vst v13;
	v13 =	vld.idx.msk [tilespmem:v36+s29+$0x0], $0xffff  }
0x248: {  	v42 =	vadd.s32 v2, v8;
	[tilespmem:s28+$0x2210] =	vst v15;
	v41 =	vld.idx.msk [tilespmem:v34+s29+$0x0], $0xffff  }
0x249: {  	v44 =	vadd.s32 v2, v12;
	[tilespmem:s28+$0x2220] =	vst v37;
	v15 =	vld.idx.msk [tilespmem:v38+s29+$0x0], $0xffff  }
0x24a: {  	v46 =	vadd.s32 v2, v14;
	[tilespmem:s28+$0x2240] =	vst v24;
	v45 =	vld.idx.msk [tilespmem:v39+s29+$0x0], $0xffff  }
0x24b: {  	v4 =	vadd.s32 v3, v4;
	[tilespmem:s28+$0x2230] =	vst v10;
	v10 =	vld.idx.msk [tilespmem:v40+s29+$0x0], $0xffff  }
0x24c: {  	[tilespmem:s28+$0x2250] =	vst v11;
	v11 =	vld.idx.msk [tilespmem:v43+s29+$0x0], $0xffff  }
0x24d: {  	v47 =	vld.idx.msk [tilespmem:v42+s29+$0x0], $0xffff;
	[tilespmem:s28+$0x2260] =	vst v13  }
0x24e: {  	v5 =	vadd.s32 v3, v5;
	v13 =	vld.idx.msk [tilespmem:v44+s29+$0x0], $0xffff;
	[tilespmem:s28+$0x4270] =	vst v41  }
0x24f: {  	v6 =	vadd.s32 v3, v6;
	[tilespmem:s28+$0x4200] =	vst v15;
	v15 =	vld.idx.msk [tilespmem:v46+s29+$0x0], $0xffff  }
0x250: {  	v7 =	vadd.s32 v3, v7;
	v4 =	vld.idx.msk [tilespmem:v4+s29+$0x0], $0xffff  }
0x251: {  	v8 =	vadd.s32 v3, v8;
	[tilespmem:s28+$0x4220] =	vst v10;
	v10 =	vld [tilespmem:s31+$0x0]  }
0x252: {  	v9 =	vadd.s32 v3, v9;
	[tilespmem:s28+$0x4240] =	vst v11;
	v11 =	vld [tilespmem:s31+$0xFFFFFF90]  }
0x253: {  	v12 =	vadd.s32 v3, v12;
	[tilespmem:s28+$0x4210] =	vst v45;
	v5 =	vld.idx.msk [tilespmem:v5+s29+$0x0], $0xffff  }
0x254: {  	v14 =	vadd.s32 v3, v14;
	v6 =	vld.idx.msk [tilespmem:v6+s29+$0x0], $0xffff;
	[tilespmem:s28+$0x4230] =	vst v47  }
0x255: {  	s0 =	sadd.s32 $0x400, s18;
	v7 =	vld.idx.msk [tilespmem:v7+s29+$0x0], $0xffff;
	[tilespmem:s28+$0x4250] =	vst v13;
	v13 =	vadd.s32 v0, v48  }
0x256: {  	[tilespmem:s0+$0x230] =	vst v58;
	v8 =	vld.idx.msk [tilespmem:v8+s29+$0x0], $0xffff;
	v52 =	vadd.s32 v0, v10  }
0x257: {  	v9 =	vld.idx.msk [tilespmem:v9+s29+$0x0], $0xffff;
	[tilespmem:s28+$0x4260] =	vst v15;
	v53 =	vadd.s32 v0, v11  }
0x258: {  	v15 =	vadd.s32 v0, v49;
	v12 =	vld.idx.msk [tilespmem:v12+s29+$0x0], $0xffff;
	[tilespmem:s28+$0x6270] =	vst v4  }
0x259: {  	v57 =	vadd.s32 v0, v54;
	v4 =	vld.idx.msk [tilespmem:v14+s29+$0x0], $0xffff;
	[tilespmem:s28+$0x6200] =	vst v5  }
0x25a: {  	v5 =	vadd.s32 v0, v51;
	[tilespmem:s28+$0x6220] =	vst v7;
	v7 =	vld.idx.msk [tilespmem:v13+s29+$0x0], $0xffff  }
0x25b: {  	[tilespmem:s28+$0x6230] =	vst v8;
	v8 =	vadd.s32 v0, v55;
	v14 =	vld.idx.msk [tilespmem:v52+s29+$0x0], $0xffff  }
0x25c: {  	[tilespmem:s28+$0x6210] =	vst v6;
	v13 =	vadd.s32 v1, v10;
	v6 =	vld.idx.msk [tilespmem:v53+s29+$0x0], $0xffff  }
0x25d: {  	[tilespmem:s28+$0x6240] =	vst v9;
	v9 =	vadd.s32 v1, v11;
	v15 =	vld.idx.msk [tilespmem:v15+s29+$0x0], $0xffff  }
0x25e: {  	v59 =	vadd.s32 v1, v48;
	v20 =	vld.idx.msk [tilespmem:v57+s29+$0x0], $0xffff;
	[tilespmem:s28+$0x6250] =	vst v12  }
0x25f: {  	v12 =	vadd.s32 v1, v49;
	v5 =	vld.idx.msk [tilespmem:v5+s29+$0x0], $0xffff;
	[tilespmem:s0+$0x210] =	vst v7  }
0x260: {  	v7 =	vld.idx.msk [tilespmem:v8+s29+$0x0], $0xffff;
	[tilespmem:s0+$0x270] =	vst v14;
	v14 =	vadd.s32 v1, v50  }
0x261: {  	[tilespmem:s0+$0x200] =	vst v6;
	v6 =	vld.idx.msk [tilespmem:v13+s29+$0x0], $0xffff;
	v13 =	vadd.s32 v1, v51  }
0x262: {  	[tilespmem:s0+$0x220] =	vst v15;
	v15 =	vadd.s32 v1, v54;
	v8 =	vld.idx.msk [tilespmem:v9+s29+$0x0], $0xffff  }
0x263: {  	[tilespmem:s0+$0x250] =	vst v20;
	v24 =	vld.idx.msk [tilespmem:v59+s29+$0x0], $0xffff;
	v9 =	vadd.s32 v2, v10  }
0x264: {  	v61 =	vadd.s32 v2, v48;
	v12 =	vld.idx.msk [tilespmem:v12+s29+$0x0], $0xffff;
	[tilespmem:s0+$0x240] =	vst v5  }
0x265: {  	v60 =	vadd.s32 v1, v55;
	[tilespmem:s0+$0x260] =	vst v7;
	v14 =	vld.idx.msk [tilespmem:v14+s29+$0x0], $0xffff  }
0x266: {  	v5 =	vadd.s32 v2, v11;
	v13 =	vld.idx.msk [tilespmem:v13+s29+$0x0], $0xffff;
	[tilespmem:s0+$0x2270] =	vst v6  }
0x267: {  	v6 =	vadd.s32 v2, v49;
	[tilespmem:s0+$0x2200] =	vst v8;
	v8 =	vld.idx.msk [tilespmem:v15+s29+$0x0], $0xffff  }
0x268: {  	[tilespmem:s0+$0x2210] =	vst v24;
	v7 =	vld.idx.msk [tilespmem:v9+s29+$0x0], $0xffff;
	v9 =	vadd.s32 v2, v50  }
0x269: {  	[tilespmem:s0+$0x2220] =	vst v12;
	v12 =	vadd.s32 v2, v54;
	v20 =	vld.idx.msk [tilespmem:v61+s29+$0x0], $0xffff  }
0x26a: {  	v10 =	vadd.s32 v3, v10;
	v15 =	vld.idx.msk [tilespmem:v60+s29+$0x0], $0xffff  }
0x26b: {  	v62 =	vadd.s32 v2, v51;
	v5 =	vld.idx.msk [tilespmem:v5+s29+$0x0], $0xffff;
	[tilespmem:s0+$0x2230] =	vst v14  }
0x26c: {  	v14 =	vadd.s32 v2, v55;
	v6 =	vld.idx.msk [tilespmem:v6+s29+$0x0], $0xffff;
	[tilespmem:s0+$0x2240] =	vst v13  }
0x26d: {  	v13 =	vadd.s32 v3, v11;
	[tilespmem:s0+$0x2250] =	vst v8;
	v63 =	vld.idx.msk [tilespmem:v9+s29+$0x0], $0xffff  }
0x26e: {  	v16 =	vadd.s32 v3, v48;
	[tilespmem:s0+$0x4270] =	vst v7;
	v11 =	vld.idx.msk [tilespmem:v12+s29+$0x0], $0xffff  }
0x26f: {  	v17 =	vadd.s32 v3, v49;
	[tilespmem:s0+$0x4210] =	vst v20;
	v25 =	vld.idx.msk [tilespmem:v10+s29+$0x0], $0xffff  }
0x270: {  	[tilespmem:s0+$0x2260] =	vst v15;
	v8 =	vadd.s32 v3, v50;
	v10 =	vld.idx.msk [tilespmem:v62+s29+$0x0], $0xffff  }
0x271: {  	[tilespmem:s0+$0x4200] =	vst v5;
	v7 =	vadd.s32 v3, v51;
	v12 =	vld.idx.msk [tilespmem:v14+s29+$0x0], $0xffff  }
0x272: {  	v9 =	vld.idx.msk [tilespmem:v13+s29+$0x0], $0xffff;
	[tilespmem:s0+$0x4220] =	vst v6  }
0x273: {  	v13 =	vld.idx.msk [tilespmem:v16+s29+$0x0], $0xffff;
	[tilespmem:s0+$0x4230] =	vst v63  }
0x274: {  	s10 =	simm.s32 $0x8;
	s5 =	simm.s32 $0x2000;
	s1 =	smov.u32 s28;
	v5 =	vadd.s32 v3, v55;
	v6 =	vadd.s32 v3, v54;
	v14 =	vld.idx.msk [tilespmem:v17+s29+$0x0], $0xffff;
	[tilespmem:s0+$0x6270] =	vst v25  }
.LBB2_15:
0x275: {  	s6 =	sshra.s32 s5, $0x2;
	s10 =	sadd.s32 $0x8, s10;
	v8 =	vld.idx.msk [tilespmem:v8+s29+$0x0], $0xffff;
	[tilespmem:s0+$0x4240] =	vst v10  }
0x276: {  	s9 =	sadd.s32 s6, s26;
	p1 =	slt.u32 s10, $0x38;
	v7 =	vld.idx.msk [tilespmem:v7+s29+$0x0], $0xffff;
	[tilespmem:s0+$0x4250] =	vst v11  }
0x277: {  	v10 =	vld [tilespmem:s9+$0x0];
	[tilespmem:s0+$0x4260] =	vst v12  }
0x278: {  	v11 =	vld [tilespmem:s9+$0xFFFFFF90];
	[tilespmem:s0+$0x6200] =	vst v9  }
0x279: {  	v9 =	vld [tilespmem:s9+$0xFFFFFFA0];
	[tilespmem:s0+$0x6210] =	vst v13  }
0x27a: {  	v12 =	vld [tilespmem:s9+$0xFFFFFFB0];
	[tilespmem:s0+$0x6220] =	vst v14  }
0x27b: {  	v13 =	vld [tilespmem:s9+$0xFFFFFFC0];
	[tilespmem:s0+$0x6230] =	vst v8  }
0x27c: {  	v14 =	vld [tilespmem:s9+$0xFFFFFFD0];
	v8 =	vadd.s32 v0, v10;
	[tilespmem:s0+$0x6240] =	vst v7  }
0x27d: {  	v7 =	vadd.s32 v0, v11;
	v15 =	vadd.s32 v1, v11;
	v16 =	vadd.s32 v2, v11;
	v17 =	vld [tilespmem:s9+$0xFFFFFFE0];
	[tilespmem:s1+$0x6260] =	vst v4;
	s1 =	smov.u32 s0  }
0x27e: {  	v18 =	vadd.s32 v0, v9;
	v19 =	vadd.s32 v1, v9;
	v20 =	vadd.s32 v2, v9;
	v21 =	vld [tilespmem:s9+$0xFFFFFFF0]  }
0x27f: {  	v22 =	vadd.s32 v0, v12;
	v23 =	vadd.s32 v1, v12;
	v24 =	vadd.s32 v2, v12;
	v25 =	vld.idx.msk [tilespmem:v6+s29+$0x0], $0xffff  }
0x280: {  	v6 =	vadd.s32 v0, v13;
	v26 =	vadd.s32 v1, v13;
	v27 =	vadd.s32 v2, v13;
	v4 =	vld.idx.msk [tilespmem:v5+s29+$0x0], $0xffff  }
0x281: {  	v5 =	vadd.s32 v0, v14;
	v28 =	vadd.s32 v1, v14;
	v29 =	vadd.s32 v2, v14;
	v30 =	vld.idx.msk [tilespmem:v8+s29+$0x0], $0xffff  }
0x282: {  	v31 =	vld.idx.msk [tilespmem:v7+s29+$0x0], $0xffff;
	v32 =	vadd.s32 v0, v17;
	v33 =	vadd.s32 v1, v17;
	v34 =	vadd.s32 v2, v17  }
0x283: {  	v37 =	vadd.s32 v1, v10;
	v18 =	vld.idx.msk [tilespmem:v18+s29+$0x0], $0xffff;
	v35 =	vadd.s32 v0, v21;
	v36 =	vadd.s32 v1, v21  }
0x284: {  	v38 =	vadd.s32 v3, v11;
	v39 =	vadd.s32 v3, v9;
	v9 =	vld.idx.msk [tilespmem:v22+s29+$0x0], $0xffff;
	v22 =	vadd.s32 v2, v21  }
0x285: {  	v40 =	vadd.s32 v3, v12;
	v8 =	vadd.s32 v3, v13;
	v7 =	vadd.s32 v3, v14;
	v11 =	vld.idx.msk [tilespmem:v6+s29+$0x0], $0xffff  }
0x286: {  	s0 =	sadd.s32 s6, s18;
	v6 =	vadd.s32 v3, v17;
	v12 =	vld.idx.msk [tilespmem:v5+s29+$0x0], $0xffff;
	v5 =	vadd.s32 v3, v21;
	[tilespmem:s1+$0x6250] =	vst v25  }
0x287: {  	v13 =	vld.idx.msk [tilespmem:v32+s29+$0x0], $0xffff;
	[tilespmem:s0+$0x270] =	vst v30  }
0x288: {  	[tilespmem:s0+$0x200] =	vst v31;
	v14 =	vld.idx.msk [tilespmem:v37+s29+$0x0], $0xffff  }
0x289: {  	[tilespmem:s0+$0x210] =	vst v18;
	v17 =	vld.idx.msk [tilespmem:v35+s29+$0x0], $0xffff  }
0x28a: {  	v15 =	vld.idx.msk [tilespmem:v15+s29+$0x0], $0xffff;
	[tilespmem:s0+$0x220] =	vst v9;
	v9 =	vadd.s32 v2, v10  }
0x28b: {  	v18 =	vld.idx.msk [tilespmem:v19+s29+$0x0], $0xffff;
	[tilespmem:s0+$0x230] =	vst v11  }
0x28c: {  	v11 =	vld.idx.msk [tilespmem:v23+s29+$0x0], $0xffff;
	[tilespmem:s0+$0x240] =	vst v12  }
0x28d: {  	v12 =	vld.idx.msk [tilespmem:v26+s29+$0x0], $0xffff;
	[tilespmem:s0+$0x250] =	vst v13  }
0x28e: {  	v13 =	vld.idx.msk [tilespmem:v28+s29+$0x0], $0xffff;
	[tilespmem:s0+$0x2270] =	vst v14  }
0x28f: {  	[tilespmem:s0+$0x260] =	vst v17;
	v9 =	vld.idx.msk [tilespmem:v9+s29+$0x0], $0xffff  }
0x290: {  	[tilespmem:s0+$0x2200] =	vst v15;
	v14 =	vld.idx.msk [tilespmem:v33+s29+$0x0], $0xffff  }
0x291: {  	v10 =	vadd.s32 v3, v10;
	[tilespmem:s0+$0x2210] =	vst v18;
	v15 =	vld.idx.msk [tilespmem:v36+s29+$0x0], $0xffff  }
0x292: {  	v16 =	vld.idx.msk [tilespmem:v16+s29+$0x0], $0xffff;
	[tilespmem:s0+$0x2220] =	vst v11  }
0x293: {  	v17 =	vld.idx.msk [tilespmem:v20+s29+$0x0], $0xffff;
	[tilespmem:s0+$0x2230] =	vst v12  }
0x294: {  	v18 =	vld.idx.msk [tilespmem:v24+s29+$0x0], $0xffff;
	[tilespmem:s0+$0x2240] =	vst v13  }
0x295: {  	v19 =	vld.idx.msk [tilespmem:v27+s29+$0x0], $0xffff;
	[tilespmem:s0+$0x4270] =	vst v9  }
0x296: {  	[tilespmem:s0+$0x2250] =	vst v14;
	v20 =	vld.idx.msk [tilespmem:v10+s29+$0x0], $0xffff  }
0x297: {  	v10 =	vld.idx.msk [tilespmem:v29+s29+$0x0], $0xffff;
	[tilespmem:s0+$0x2260] =	vst v15  }
.Ltmp7:
0x298: {  	[tilespmem:s0+$0x4200] =	vst v16;
	v11 =	vld.idx.msk [tilespmem:v34+s29+$0x0], $0xffff;
	(pc) =	sbr.rel @p1 .LBB2_15-.Ltmp7, $4  }
0x299: {  	[tilespmem:s0+$0x4210] =	vst v17;
	v12 =	vld.idx.msk [tilespmem:v22+s29+$0x0], $0xffff  }
0x29a: {  	v9 =	vld.idx.msk [tilespmem:v38+s29+$0x0], $0xffff;
	[tilespmem:s0+$0x4220] =	vst v18  }
0x29b: {  	v13 =	vld.idx.msk [tilespmem:v39+s29+$0x0], $0xffff;
	[tilespmem:s0+$0x4230] =	vst v19  }
0x29c: {  	s5 =	sadd.s32 $0x1000, s5;
	v14 =	vld.idx.msk [tilespmem:v40+s29+$0x0], $0xffff;
	[tilespmem:s0+$0x6270] =	vst v20  }
0x29d: {  	_ =	sdelay $0x1  }
0x29e: {  	[tilespmem:s0+$0x4240] =	vst v10  }
0x29f: {  	[tilespmem:s0+$0x4250] =	vst v11  }
0x2a0: {  	v8 =	vld.idx.msk [tilespmem:v8+s29+$0x0], $0xffff;
	[tilespmem:s1+$0x6260] =	vst v4  }
0x2a1: {  	v7 =	vld.idx.msk [tilespmem:v7+s29+$0x0], $0xffff;
	[tilespmem:s0+$0x4260] =	vst v12  }
0x2a2: {  	v6 =	vld.idx.msk [tilespmem:v6+s29+$0x0], $0xffff;
	[tilespmem:s0+$0x6200] =	vst v9  }
0x2a3: {  	v5 =	vld.idx.msk [tilespmem:v5+s29+$0x0], $0xffff;
	[tilespmem:s0+$0x6210] =	vst v13  }
0x2a4: {  	[tilespmem:s0+$0x6220] =	vst v14  }
0x2a5: {  	[tilespmem:s0+$0x6230] =	vst v8  }
0x2a6: {  	[tilespmem:s0+$0x6240] =	vst v7  }
0x2a7: {  	[tilespmem:s0+$0x6250] =	vst v6  }
0x2a8: {  	s30 =	sadd.s32 $0x0, s25;
	[tilespmem:s0+$0x6260] =	vst v5  }
0x2a9: {  	v4 =	vld [tilespmem:s30+$0x0]  }
0x2aa: {  	v5 =	vld [tilespmem:s30+$0xFFFFFF90]  }
0x2ab: {  	v6 =	vld [tilespmem:s30+$0xFFFFFFA0]  }
0x2ac: {  	v7 =	vld [tilespmem:s30+$0xFFFFFFB0]  }
0x2ad: {  	v8 =	vld [tilespmem:s30+$0xFFFFFFC0]  }
0x2ae: {  	v9 =	vld [tilespmem:s30+$0xFFFFFFD0]  }
0x2af: {  	v12 =	vld [tilespmem:s30+$0xFFFFFFE0]  }
0x2b0: {  	s31 =	sadd.s32 $0x400, s25;
	v14 =	vld [tilespmem:s30+$0xFFFFFFF0]  }
0x2b1: {  	v48 =	vld [tilespmem:s31+$0xFFFFFFA0]  }
0x2b2: {  	v49 =	vld [tilespmem:s31+$0xFFFFFFB0];
	v10 =	vadd.s32 v0, v4  }
0x2b3: {  	v50 =	vld [tilespmem:s31+$0xFFFFFFC0];
	v11 =	vadd.s32 v0, v5  }
0x2b4: {  	v51 =	vld [tilespmem:s31+$0xFFFFFFD0];
	v13 =	vadd.s32 v0, v6  }
0x2b5: {  	v54 =	vld [tilespmem:s31+$0xFFFFFFE0];
	v15 =	vadd.s32 v0, v7  }
0x2b6: {  	s26 =	simm.s32 $0x0;
	v55 =	vld [tilespmem:s31+$0xFFFFFFF0];
	v16 =	vadd.s32 v0, v8  }
0x2b7: {  	v17 =	vadd.s32 v0, v9;
	v10 =	vld.idx.msk [tilespmem:v10+s26+$0x0], $0xffff  }
0x2b8: {  	v18 =	vadd.s32 v0, v12;
	v11 =	vld.idx.msk [tilespmem:v11+s26+$0x0], $0xffff  }
0x2b9: {  	v56 =	vadd.s32 v0, v50;
	v13 =	vld.idx.msk [tilespmem:v13+s26+$0x0], $0xffff  }
0x2ba: {  	v20 =	vadd.s32 v0, v14;
	v15 =	vld.idx.msk [tilespmem:v15+s26+$0x0], $0xffff  }
0x2bb: {  	v19 =	vadd.s32 v1, v4;
	v16 =	vld.idx.msk [tilespmem:v16+s26+$0x0], $0xffff  }
0x2bc: {  	v21 =	vadd.s32 v1, v5;
	v17 =	vld.idx.msk [tilespmem:v17+s26+$0x0], $0xffff  }
0x2bd: {  	v22 =	vadd.s32 v1, v6;
	v18 =	vld.idx.msk [tilespmem:v18+s26+$0x0], $0xffff  }
0x2be: {  	v23 =	vadd.s32 v1, v7;
	v58 =	vld.idx.msk [tilespmem:v56+s26+$0x0], $0xffff;
	[tilespmem:s28+$0x2F0] =	vst v10  }
0x2bf: {  	v24 =	vadd.s32 v1, v9;
	[tilespmem:s28+$0x280] =	vst v11;
	v11 =	vld.idx.msk [tilespmem:v20+s26+$0x0], $0xffff  }
0x2c0: {  	v10 =	vadd.s32 v1, v8;
	[tilespmem:s28+$0x290] =	vst v13;
	v19 =	vld.idx.msk [tilespmem:v19+s26+$0x0], $0xffff  }
0x2c1: {  	v35 =	vadd.s32 v1, v12;
	[tilespmem:s28+$0x2A0] =	vst v15;
	v13 =	vld.idx.msk [tilespmem:v21+s26+$0x0], $0xffff  }
0x2c2: {  	v36 =	vadd.s32 v1, v14;
	[tilespmem:s28+$0x2B0] =	vst v16;
	v15 =	vld.idx.msk [tilespmem:v22+s26+$0x0], $0xffff  }
0x2c3: {  	v34 =	vadd.s32 v2, v4;
	[tilespmem:s28+$0x2C0] =	vst v17;
	v37 =	vld.idx.msk [tilespmem:v23+s26+$0x0], $0xffff  }
0x2c4: {  	v38 =	vadd.s32 v2, v5;
	[tilespmem:s28+$0x2D0] =	vst v18;
	v24 =	vld.idx.msk [tilespmem:v24+s26+$0x0], $0xffff  }
0x2c5: {  	v39 =	vadd.s32 v2, v6;
	v10 =	vld.idx.msk [tilespmem:v10+s26+$0x0], $0xffff;
	[tilespmem:s28+$0x2E0] =	vst v11  }
0x2c6: {  	v40 =	vadd.s32 v2, v7;
	v11 =	vld.idx.msk [tilespmem:v35+s26+$0x0], $0xffff;
	[tilespmem:s28+$0x22F0] =	vst v19  }
0x2c7: {  	v43 =	vadd.s32 v2, v9;
	[tilespmem:s28+$0x2280] =	vst v13;
	v13 =	vld.idx.msk [tilespmem:v36+s26+$0x0], $0xffff  }
0x2c8: {  	v42 =	vadd.s32 v2, v8;
	[tilespmem:s28+$0x2290] =	vst v15;
	v41 =	vld.idx.msk [tilespmem:v34+s26+$0x0], $0xffff  }
0x2c9: {  	v44 =	vadd.s32 v2, v12;
	[tilespmem:s28+$0x22A0] =	vst v37;
	v15 =	vld.idx.msk [tilespmem:v38+s26+$0x0], $0xffff  }
0x2ca: {  	v46 =	vadd.s32 v2, v14;
	[tilespmem:s28+$0x22C0] =	vst v24;
	v45 =	vld.idx.msk [tilespmem:v39+s26+$0x0], $0xffff  }
0x2cb: {  	v4 =	vadd.s32 v3, v4;
	[tilespmem:s28+$0x22B0] =	vst v10;
	v10 =	vld.idx.msk [tilespmem:v40+s26+$0x0], $0xffff  }
0x2cc: {  	[tilespmem:s28+$0x22D0] =	vst v11;
	v11 =	vld.idx.msk [tilespmem:v43+s26+$0x0], $0xffff  }
0x2cd: {  	v47 =	vld.idx.msk [tilespmem:v42+s26+$0x0], $0xffff;
	[tilespmem:s28+$0x22E0] =	vst v13  }
0x2ce: {  	v5 =	vadd.s32 v3, v5;
	v13 =	vld.idx.msk [tilespmem:v44+s26+$0x0], $0xffff;
	[tilespmem:s28+$0x42F0] =	vst v41  }
0x2cf: {  	v6 =	vadd.s32 v3, v6;
	[tilespmem:s28+$0x4280] =	vst v15;
	v15 =	vld.idx.msk [tilespmem:v46+s26+$0x0], $0xffff  }
0x2d0: {  	v7 =	vadd.s32 v3, v7;
	v4 =	vld.idx.msk [tilespmem:v4+s26+$0x0], $0xffff  }
0x2d1: {  	v8 =	vadd.s32 v3, v8;
	[tilespmem:s28+$0x42A0] =	vst v10;
	v10 =	vld [tilespmem:s31+$0x0]  }
0x2d2: {  	v9 =	vadd.s32 v3, v9;
	[tilespmem:s28+$0x42C0] =	vst v11;
	v11 =	vld [tilespmem:s31+$0xFFFFFF90]  }
0x2d3: {  	v12 =	vadd.s32 v3, v12;
	[tilespmem:s28+$0x4290] =	vst v45;
	v5 =	vld.idx.msk [tilespmem:v5+s26+$0x0], $0xffff  }
0x2d4: {  	v14 =	vadd.s32 v3, v14;
	v6 =	vld.idx.msk [tilespmem:v6+s26+$0x0], $0xffff;
	[tilespmem:s28+$0x42B0] =	vst v47  }
0x2d5: {  	s0 =	sadd.s32 $0x400, s18;
	v7 =	vld.idx.msk [tilespmem:v7+s26+$0x0], $0xffff;
	[tilespmem:s28+$0x42D0] =	vst v13;
	v13 =	vadd.s32 v0, v48  }
0x2d6: {  	[tilespmem:s0+$0x2B0] =	vst v58;
	v8 =	vld.idx.msk [tilespmem:v8+s26+$0x0], $0xffff;
	v52 =	vadd.s32 v0, v10  }
0x2d7: {  	v9 =	vld.idx.msk [tilespmem:v9+s26+$0x0], $0xffff;
	[tilespmem:s28+$0x42E0] =	vst v15;
	v53 =	vadd.s32 v0, v11  }
0x2d8: {  	v15 =	vadd.s32 v0, v49;
	v12 =	vld.idx.msk [tilespmem:v12+s26+$0x0], $0xffff;
	[tilespmem:s28+$0x62F0] =	vst v4  }
0x2d9: {  	v57 =	vadd.s32 v0, v54;
	v4 =	vld.idx.msk [tilespmem:v14+s26+$0x0], $0xffff;
	[tilespmem:s28+$0x6280] =	vst v5  }
0x2da: {  	v5 =	vadd.s32 v0, v51;
	[tilespmem:s28+$0x62A0] =	vst v7;
	v7 =	vld.idx.msk [tilespmem:v13+s26+$0x0], $0xffff  }
0x2db: {  	[tilespmem:s28+$0x62B0] =	vst v8;
	v8 =	vadd.s32 v0, v55;
	v14 =	vld.idx.msk [tilespmem:v52+s26+$0x0], $0xffff  }
0x2dc: {  	[tilespmem:s28+$0x6290] =	vst v6;
	v13 =	vadd.s32 v1, v10;
	v6 =	vld.idx.msk [tilespmem:v53+s26+$0x0], $0xffff  }
0x2dd: {  	[tilespmem:s28+$0x62C0] =	vst v9;
	v9 =	vadd.s32 v1, v11;
	v15 =	vld.idx.msk [tilespmem:v15+s26+$0x0], $0xffff  }
0x2de: {  	v59 =	vadd.s32 v1, v48;
	v20 =	vld.idx.msk [tilespmem:v57+s26+$0x0], $0xffff;
	[tilespmem:s28+$0x62D0] =	vst v12  }
0x2df: {  	v12 =	vadd.s32 v1, v49;
	v5 =	vld.idx.msk [tilespmem:v5+s26+$0x0], $0xffff;
	[tilespmem:s0+$0x290] =	vst v7  }
0x2e0: {  	v7 =	vld.idx.msk [tilespmem:v8+s26+$0x0], $0xffff;
	[tilespmem:s0+$0x2F0] =	vst v14;
	v14 =	vadd.s32 v1, v50  }
0x2e1: {  	[tilespmem:s0+$0x280] =	vst v6;
	v6 =	vld.idx.msk [tilespmem:v13+s26+$0x0], $0xffff;
	v13 =	vadd.s32 v1, v51  }
0x2e2: {  	[tilespmem:s0+$0x2A0] =	vst v15;
	v15 =	vadd.s32 v1, v54;
	v8 =	vld.idx.msk [tilespmem:v9+s26+$0x0], $0xffff  }
0x2e3: {  	[tilespmem:s0+$0x2D0] =	vst v20;
	v24 =	vld.idx.msk [tilespmem:v59+s26+$0x0], $0xffff;
	v9 =	vadd.s32 v2, v10  }
0x2e4: {  	v61 =	vadd.s32 v2, v48;
	v12 =	vld.idx.msk [tilespmem:v12+s26+$0x0], $0xffff;
	[tilespmem:s0+$0x2C0] =	vst v5  }
0x2e5: {  	v60 =	vadd.s32 v1, v55;
	[tilespmem:s0+$0x2E0] =	vst v7;
	v14 =	vld.idx.msk [tilespmem:v14+s26+$0x0], $0xffff  }
0x2e6: {  	v5 =	vadd.s32 v2, v11;
	v13 =	vld.idx.msk [tilespmem:v13+s26+$0x0], $0xffff;
	[tilespmem:s0+$0x22F0] =	vst v6  }
0x2e7: {  	v6 =	vadd.s32 v2, v49;
	[tilespmem:s0+$0x2280] =	vst v8;
	v8 =	vld.idx.msk [tilespmem:v15+s26+$0x0], $0xffff  }
0x2e8: {  	[tilespmem:s0+$0x2290] =	vst v24;
	v7 =	vld.idx.msk [tilespmem:v9+s26+$0x0], $0xffff;
	v9 =	vadd.s32 v2, v50  }
0x2e9: {  	[tilespmem:s0+$0x22A0] =	vst v12;
	v12 =	vadd.s32 v2, v54;
	v20 =	vld.idx.msk [tilespmem:v61+s26+$0x0], $0xffff  }
0x2ea: {  	v10 =	vadd.s32 v3, v10;
	v15 =	vld.idx.msk [tilespmem:v60+s26+$0x0], $0xffff  }
0x2eb: {  	v62 =	vadd.s32 v2, v51;
	v5 =	vld.idx.msk [tilespmem:v5+s26+$0x0], $0xffff;
	[tilespmem:s0+$0x22B0] =	vst v14  }
0x2ec: {  	v14 =	vadd.s32 v2, v55;
	v6 =	vld.idx.msk [tilespmem:v6+s26+$0x0], $0xffff;
	[tilespmem:s0+$0x22C0] =	vst v13  }
0x2ed: {  	v13 =	vadd.s32 v3, v11;
	[tilespmem:s0+$0x22D0] =	vst v8;
	v63 =	vld.idx.msk [tilespmem:v9+s26+$0x0], $0xffff  }
0x2ee: {  	v16 =	vadd.s32 v3, v48;
	[tilespmem:s0+$0x42F0] =	vst v7;
	v11 =	vld.idx.msk [tilespmem:v12+s26+$0x0], $0xffff  }
0x2ef: {  	v17 =	vadd.s32 v3, v49;
	[tilespmem:s0+$0x4290] =	vst v20;
	v25 =	vld.idx.msk [tilespmem:v10+s26+$0x0], $0xffff  }
0x2f0: {  	[tilespmem:s0+$0x22E0] =	vst v15;
	v8 =	vadd.s32 v3, v50;
	v10 =	vld.idx.msk [tilespmem:v62+s26+$0x0], $0xffff  }
0x2f1: {  	[tilespmem:s0+$0x4280] =	vst v5;
	v7 =	vadd.s32 v3, v51;
	v12 =	vld.idx.msk [tilespmem:v14+s26+$0x0], $0xffff  }
0x2f2: {  	v9 =	vld.idx.msk [tilespmem:v13+s26+$0x0], $0xffff;
	[tilespmem:s0+$0x42A0] =	vst v6  }
0x2f3: {  	v13 =	vld.idx.msk [tilespmem:v16+s26+$0x0], $0xffff;
	[tilespmem:s0+$0x42B0] =	vst v63  }
0x2f4: {  	s1 =	simm.s32 $0x8;
	s5 =	simm.s32 $0x2000;
	v5 =	vadd.s32 v3, v55;
	v6 =	vadd.s32 v3, v54;
	v14 =	vld.idx.msk [tilespmem:v17+s26+$0x0], $0xffff;
	[tilespmem:s0+$0x62F0] =	vst v25  }
.LBB2_17:
0x2f5: {  	s6 =	sshra.s32 s5, $0x2;
	s1 =	sadd.s32 $0x8, s1;
	v8 =	vld.idx.msk [tilespmem:v8+s26+$0x0], $0xffff;
	[tilespmem:s0+$0x42C0] =	vst v10  }
0x2f6: {  	s9 =	sadd.s32 s6, s25;
	p1 =	slt.u32 s1, $0x38;
	v7 =	vld.idx.msk [tilespmem:v7+s26+$0x0], $0xffff;
	[tilespmem:s0+$0x42D0] =	vst v11  }
0x2f7: {  	v10 =	vld [tilespmem:s9+$0x0];
	[tilespmem:s0+$0x42E0] =	vst v12  }
0x2f8: {  	v11 =	vld [tilespmem:s9+$0xFFFFFF90];
	[tilespmem:s0+$0x6280] =	vst v9  }
0x2f9: {  	v9 =	vld [tilespmem:s9+$0xFFFFFFA0];
	[tilespmem:s0+$0x6290] =	vst v13  }
0x2fa: {  	v12 =	vld [tilespmem:s9+$0xFFFFFFB0];
	[tilespmem:s0+$0x62A0] =	vst v14  }
0x2fb: {  	v13 =	vld [tilespmem:s9+$0xFFFFFFC0];
	[tilespmem:s0+$0x62B0] =	vst v8  }
0x2fc: {  	v14 =	vld [tilespmem:s9+$0xFFFFFFD0];
	v8 =	vadd.s32 v0, v10;
	[tilespmem:s0+$0x62C0] =	vst v7  }
0x2fd: {  	v7 =	vadd.s32 v0, v11;
	v15 =	vadd.s32 v1, v11;
	v16 =	vadd.s32 v2, v11;
	v17 =	vld [tilespmem:s9+$0xFFFFFFE0];
	[tilespmem:s28+$0x62E0] =	vst v4;
	s28 =	smov.u32 s0  }
0x2fe: {  	v18 =	vadd.s32 v0, v9;
	v19 =	vadd.s32 v1, v9;
	v20 =	vadd.s32 v2, v9;
	v21 =	vld [tilespmem:s9+$0xFFFFFFF0]  }
0x2ff: {  	v22 =	vadd.s32 v0, v12;
	v23 =	vadd.s32 v1, v12;
	v24 =	vadd.s32 v2, v12;
	v25 =	vld.idx.msk [tilespmem:v6+s26+$0x0], $0xffff  }
0x300: {  	v6 =	vadd.s32 v0, v13;
	v26 =	vadd.s32 v1, v13;
	v27 =	vadd.s32 v2, v13;
	v4 =	vld.idx.msk [tilespmem:v5+s26+$0x0], $0xffff  }
0x301: {  	v5 =	vadd.s32 v0, v14;
	v28 =	vadd.s32 v1, v14;
	v29 =	vadd.s32 v2, v14;
	v30 =	vld.idx.msk [tilespmem:v8+s26+$0x0], $0xffff  }
0x302: {  	v31 =	vld.idx.msk [tilespmem:v7+s26+$0x0], $0xffff;
	v32 =	vadd.s32 v0, v17;
	v33 =	vadd.s32 v1, v17;
	v34 =	vadd.s32 v2, v17  }
0x303: {  	v37 =	vadd.s32 v1, v10;
	v18 =	vld.idx.msk [tilespmem:v18+s26+$0x0], $0xffff;
	v35 =	vadd.s32 v0, v21;
	v36 =	vadd.s32 v1, v21  }
0x304: {  	v38 =	vadd.s32 v3, v11;
	v39 =	vadd.s32 v3, v9;
	v9 =	vld.idx.msk [tilespmem:v22+s26+$0x0], $0xffff;
	v22 =	vadd.s32 v2, v21  }
0x305: {  	v40 =	vadd.s32 v3, v12;
	v8 =	vadd.s32 v3, v13;
	v7 =	vadd.s32 v3, v14;
	v11 =	vld.idx.msk [tilespmem:v6+s26+$0x0], $0xffff  }
0x306: {  	s0 =	sadd.s32 s6, s18;
	v6 =	vadd.s32 v3, v17;
	v12 =	vld.idx.msk [tilespmem:v5+s26+$0x0], $0xffff;
	v5 =	vadd.s32 v3, v21;
	[tilespmem:s28+$0x62D0] =	vst v25  }
0x307: {  	v13 =	vld.idx.msk [tilespmem:v32+s26+$0x0], $0xffff;
	[tilespmem:s0+$0x2F0] =	vst v30  }
0x308: {  	[tilespmem:s0+$0x280] =	vst v31;
	v14 =	vld.idx.msk [tilespmem:v37+s26+$0x0], $0xffff  }
0x309: {  	[tilespmem:s0+$0x290] =	vst v18;
	v17 =	vld.idx.msk [tilespmem:v35+s26+$0x0], $0xffff  }
0x30a: {  	v15 =	vld.idx.msk [tilespmem:v15+s26+$0x0], $0xffff;
	[tilespmem:s0+$0x2A0] =	vst v9;
	v9 =	vadd.s32 v2, v10  }
0x30b: {  	v18 =	vld.idx.msk [tilespmem:v19+s26+$0x0], $0xffff;
	[tilespmem:s0+$0x2B0] =	vst v11  }
0x30c: {  	v11 =	vld.idx.msk [tilespmem:v23+s26+$0x0], $0xffff;
	[tilespmem:s0+$0x2C0] =	vst v12  }
0x30d: {  	v12 =	vld.idx.msk [tilespmem:v26+s26+$0x0], $0xffff;
	[tilespmem:s0+$0x2D0] =	vst v13  }
0x30e: {  	v13 =	vld.idx.msk [tilespmem:v28+s26+$0x0], $0xffff;
	[tilespmem:s0+$0x22F0] =	vst v14  }
0x30f: {  	[tilespmem:s0+$0x2E0] =	vst v17;
	v9 =	vld.idx.msk [tilespmem:v9+s26+$0x0], $0xffff  }
0x310: {  	[tilespmem:s0+$0x2280] =	vst v15;
	v14 =	vld.idx.msk [tilespmem:v33+s26+$0x0], $0xffff  }
0x311: {  	v10 =	vadd.s32 v3, v10;
	[tilespmem:s0+$0x2290] =	vst v18;
	v15 =	vld.idx.msk [tilespmem:v36+s26+$0x0], $0xffff  }
0x312: {  	v16 =	vld.idx.msk [tilespmem:v16+s26+$0x0], $0xffff;
	[tilespmem:s0+$0x22A0] =	vst v11  }
0x313: {  	v17 =	vld.idx.msk [tilespmem:v20+s26+$0x0], $0xffff;
	[tilespmem:s0+$0x22B0] =	vst v12  }
0x314: {  	v18 =	vld.idx.msk [tilespmem:v24+s26+$0x0], $0xffff;
	[tilespmem:s0+$0x22C0] =	vst v13  }
0x315: {  	v19 =	vld.idx.msk [tilespmem:v27+s26+$0x0], $0xffff;
	[tilespmem:s0+$0x42F0] =	vst v9  }
0x316: {  	[tilespmem:s0+$0x22D0] =	vst v14;
	v20 =	vld.idx.msk [tilespmem:v10+s26+$0x0], $0xffff  }
0x317: {  	v10 =	vld.idx.msk [tilespmem:v29+s26+$0x0], $0xffff;
	[tilespmem:s0+$0x22E0] =	vst v15  }
.Ltmp8:
0x318: {  	[tilespmem:s0+$0x4280] =	vst v16;
	v11 =	vld.idx.msk [tilespmem:v34+s26+$0x0], $0xffff;
	(pc) =	sbr.rel @p1 .LBB2_17-.Ltmp8, $4  }
0x319: {  	[tilespmem:s0+$0x4290] =	vst v17;
	v12 =	vld.idx.msk [tilespmem:v22+s26+$0x0], $0xffff  }
0x31a: {  	v9 =	vld.idx.msk [tilespmem:v38+s26+$0x0], $0xffff;
	[tilespmem:s0+$0x42A0] =	vst v18  }
0x31b: {  	v13 =	vld.idx.msk [tilespmem:v39+s26+$0x0], $0xffff;
	[tilespmem:s0+$0x42B0] =	vst v19  }
0x31c: {  	s5 =	sadd.s32 $0x1000, s5;
	v14 =	vld.idx.msk [tilespmem:v40+s26+$0x0], $0xffff;
	[tilespmem:s0+$0x62F0] =	vst v20  }
0x31d: {  	_ =	sdelay $0x1  }
0x31e: {  	[tilespmem:s0+$0x42C0] =	vst v10  }
0x31f: {  	[tilespmem:s0+$0x42D0] =	vst v11  }
0x320: {  	v8 =	vld.idx.msk [tilespmem:v8+s26+$0x0], $0xffff;
	[tilespmem:s28+$0x62E0] =	vst v4  }
0x321: {  	v7 =	vld.idx.msk [tilespmem:v7+s26+$0x0], $0xffff;
	[tilespmem:s0+$0x42E0] =	vst v12  }
0x322: {  	v6 =	vld.idx.msk [tilespmem:v6+s26+$0x0], $0xffff;
	[tilespmem:s0+$0x6280] =	vst v9  }
0x323: {  	v5 =	vld.idx.msk [tilespmem:v5+s26+$0x0], $0xffff;
	[tilespmem:s0+$0x6290] =	vst v13  }
0x324: {  	[tilespmem:s0+$0x62A0] =	vst v14  }
0x325: {  	[tilespmem:s0+$0x62B0] =	vst v8  }
0x326: {  	[tilespmem:s0+$0x62C0] =	vst v7  }
0x327: {  	[tilespmem:s0+$0x62D0] =	vst v6  }
0x328: {  	s30 =	sadd.s32 $0x0, s24;
	[tilespmem:s0+$0x62E0] =	vst v5  }
0x329: {  	v4 =	vld [tilespmem:s30+$0x0]  }
0x32a: {  	v5 =	vld [tilespmem:s30+$0xFFFFFF90]  }
0x32b: {  	v6 =	vld [tilespmem:s30+$0xFFFFFFA0]  }
0x32c: {  	v7 =	vld [tilespmem:s30+$0xFFFFFFB0]  }
0x32d: {  	v8 =	vld [tilespmem:s30+$0xFFFFFFC0]  }
0x32e: {  	v9 =	vld [tilespmem:s30+$0xFFFFFFD0]  }
0x32f: {  	v12 =	vld [tilespmem:s30+$0xFFFFFFE0]  }
0x330: {  	s31 =	sadd.s32 $0x400, s24;
	v14 =	vld [tilespmem:s30+$0xFFFFFFF0]  }
0x331: {  	v48 =	vld [tilespmem:s31+$0xFFFFFFA0]  }
0x332: {  	v49 =	vld [tilespmem:s31+$0xFFFFFFB0];
	v10 =	vadd.s32 v0, v4  }
0x333: {  	v50 =	vld [tilespmem:s31+$0xFFFFFFC0];
	v11 =	vadd.s32 v0, v5  }
0x334: {  	v51 =	vld [tilespmem:s31+$0xFFFFFFD0];
	v13 =	vadd.s32 v0, v6  }
0x335: {  	v54 =	vld [tilespmem:s31+$0xFFFFFFE0];
	v15 =	vadd.s32 v0, v7  }
0x336: {  	v55 =	vld [tilespmem:s31+$0xFFFFFFF0];
	v16 =	vadd.s32 v0, v8  }
0x337: {  	v17 =	vadd.s32 v0, v9;
	v10 =	vld.idx.msk [tilespmem:v10+s26+$0x0], $0xffff  }
0x338: {  	v18 =	vadd.s32 v0, v12;
	v11 =	vld.idx.msk [tilespmem:v11+s26+$0x0], $0xffff  }
0x339: {  	v56 =	vadd.s32 v0, v50;
	v13 =	vld.idx.msk [tilespmem:v13+s26+$0x0], $0xffff  }
0x33a: {  	v20 =	vadd.s32 v0, v14;
	v15 =	vld.idx.msk [tilespmem:v15+s26+$0x0], $0xffff  }
0x33b: {  	v19 =	vadd.s32 v1, v4;
	v16 =	vld.idx.msk [tilespmem:v16+s26+$0x0], $0xffff  }
0x33c: {  	v21 =	vadd.s32 v1, v5;
	v17 =	vld.idx.msk [tilespmem:v17+s26+$0x0], $0xffff  }
0x33d: {  	s25 =	sadd.s32 $0x0, s18;
	v22 =	vadd.s32 v1, v6;
	v18 =	vld.idx.msk [tilespmem:v18+s26+$0x0], $0xffff  }
0x33e: {  	v23 =	vadd.s32 v1, v7;
	v58 =	vld.idx.msk [tilespmem:v56+s26+$0x0], $0xffff;
	[tilespmem:s25+$0x370] =	vst v10  }
0x33f: {  	v24 =	vadd.s32 v1, v9;
	[tilespmem:s25+$0x300] =	vst v11;
	v11 =	vld.idx.msk [tilespmem:v20+s26+$0x0], $0xffff  }
0x340: {  	v10 =	vadd.s32 v1, v8;
	[tilespmem:s25+$0x310] =	vst v13;
	v19 =	vld.idx.msk [tilespmem:v19+s26+$0x0], $0xffff  }
0x341: {  	v35 =	vadd.s32 v1, v12;
	[tilespmem:s25+$0x320] =	vst v15;
	v13 =	vld.idx.msk [tilespmem:v21+s26+$0x0], $0xffff  }
0x342: {  	v36 =	vadd.s32 v1, v14;
	[tilespmem:s25+$0x330] =	vst v16;
	v15 =	vld.idx.msk [tilespmem:v22+s26+$0x0], $0xffff  }
0x343: {  	v34 =	vadd.s32 v2, v4;
	[tilespmem:s25+$0x340] =	vst v17;
	v37 =	vld.idx.msk [tilespmem:v23+s26+$0x0], $0xffff  }
0x344: {  	v38 =	vadd.s32 v2, v5;
	[tilespmem:s25+$0x350] =	vst v18;
	v24 =	vld.idx.msk [tilespmem:v24+s26+$0x0], $0xffff  }
0x345: {  	v39 =	vadd.s32 v2, v6;
	v10 =	vld.idx.msk [tilespmem:v10+s26+$0x0], $0xffff;
	[tilespmem:s25+$0x360] =	vst v11  }
0x346: {  	v40 =	vadd.s32 v2, v7;
	v11 =	vld.idx.msk [tilespmem:v35+s26+$0x0], $0xffff;
	[tilespmem:s25+$0x2370] =	vst v19  }
0x347: {  	v43 =	vadd.s32 v2, v9;
	[tilespmem:s25+$0x2300] =	vst v13;
	v13 =	vld.idx.msk [tilespmem:v36+s26+$0x0], $0xffff  }
0x348: {  	v42 =	vadd.s32 v2, v8;
	[tilespmem:s25+$0x2310] =	vst v15;
	v41 =	vld.idx.msk [tilespmem:v34+s26+$0x0], $0xffff  }
0x349: {  	v44 =	vadd.s32 v2, v12;
	[tilespmem:s25+$0x2320] =	vst v37;
	v15 =	vld.idx.msk [tilespmem:v38+s26+$0x0], $0xffff  }
0x34a: {  	v46 =	vadd.s32 v2, v14;
	[tilespmem:s25+$0x2340] =	vst v24;
	v45 =	vld.idx.msk [tilespmem:v39+s26+$0x0], $0xffff  }
0x34b: {  	v4 =	vadd.s32 v3, v4;
	[tilespmem:s25+$0x2330] =	vst v10;
	v10 =	vld.idx.msk [tilespmem:v40+s26+$0x0], $0xffff  }
0x34c: {  	[tilespmem:s25+$0x2350] =	vst v11;
	v11 =	vld.idx.msk [tilespmem:v43+s26+$0x0], $0xffff  }
0x34d: {  	v47 =	vld.idx.msk [tilespmem:v42+s26+$0x0], $0xffff;
	[tilespmem:s25+$0x2360] =	vst v13  }
0x34e: {  	v5 =	vadd.s32 v3, v5;
	v13 =	vld.idx.msk [tilespmem:v44+s26+$0x0], $0xffff;
	[tilespmem:s25+$0x4370] =	vst v41  }
0x34f: {  	v6 =	vadd.s32 v3, v6;
	[tilespmem:s25+$0x4300] =	vst v15;
	v15 =	vld.idx.msk [tilespmem:v46+s26+$0x0], $0xffff  }
0x350: {  	v7 =	vadd.s32 v3, v7;
	v4 =	vld.idx.msk [tilespmem:v4+s26+$0x0], $0xffff  }
0x351: {  	v8 =	vadd.s32 v3, v8;
	[tilespmem:s25+$0x4320] =	vst v10;
	v10 =	vld [tilespmem:s31+$0x0]  }
0x352: {  	v9 =	vadd.s32 v3, v9;
	[tilespmem:s25+$0x4340] =	vst v11;
	v11 =	vld [tilespmem:s31+$0xFFFFFF90]  }
0x353: {  	v12 =	vadd.s32 v3, v12;
	[tilespmem:s25+$0x4310] =	vst v45;
	v5 =	vld.idx.msk [tilespmem:v5+s26+$0x0], $0xffff  }
0x354: {  	v14 =	vadd.s32 v3, v14;
	v6 =	vld.idx.msk [tilespmem:v6+s26+$0x0], $0xffff;
	[tilespmem:s25+$0x4330] =	vst v47  }
0x355: {  	s0 =	sadd.s32 $0x400, s18;
	v7 =	vld.idx.msk [tilespmem:v7+s26+$0x0], $0xffff;
	[tilespmem:s25+$0x4350] =	vst v13;
	v13 =	vadd.s32 v0, v48  }
0x356: {  	[tilespmem:s0+$0x330] =	vst v58;
	v8 =	vld.idx.msk [tilespmem:v8+s26+$0x0], $0xffff;
	v52 =	vadd.s32 v0, v10  }
0x357: {  	v9 =	vld.idx.msk [tilespmem:v9+s26+$0x0], $0xffff;
	[tilespmem:s25+$0x4360] =	vst v15;
	v53 =	vadd.s32 v0, v11  }
0x358: {  	v15 =	vadd.s32 v0, v49;
	v12 =	vld.idx.msk [tilespmem:v12+s26+$0x0], $0xffff;
	[tilespmem:s25+$0x6370] =	vst v4  }
0x359: {  	v57 =	vadd.s32 v0, v54;
	v4 =	vld.idx.msk [tilespmem:v14+s26+$0x0], $0xffff;
	[tilespmem:s25+$0x6300] =	vst v5  }
0x35a: {  	v5 =	vadd.s32 v0, v51;
	[tilespmem:s25+$0x6320] =	vst v7;
	v7 =	vld.idx.msk [tilespmem:v13+s26+$0x0], $0xffff  }
0x35b: {  	[tilespmem:s25+$0x6330] =	vst v8;
	v8 =	vadd.s32 v0, v55;
	v14 =	vld.idx.msk [tilespmem:v52+s26+$0x0], $0xffff  }
0x35c: {  	[tilespmem:s25+$0x6310] =	vst v6;
	v13 =	vadd.s32 v1, v10;
	v6 =	vld.idx.msk [tilespmem:v53+s26+$0x0], $0xffff  }
0x35d: {  	[tilespmem:s25+$0x6340] =	vst v9;
	v9 =	vadd.s32 v1, v11;
	v15 =	vld.idx.msk [tilespmem:v15+s26+$0x0], $0xffff  }
0x35e: {  	v59 =	vadd.s32 v1, v48;
	v20 =	vld.idx.msk [tilespmem:v57+s26+$0x0], $0xffff;
	[tilespmem:s25+$0x6350] =	vst v12  }
0x35f: {  	v12 =	vadd.s32 v1, v49;
	v5 =	vld.idx.msk [tilespmem:v5+s26+$0x0], $0xffff;
	[tilespmem:s0+$0x310] =	vst v7  }
0x360: {  	v7 =	vld.idx.msk [tilespmem:v8+s26+$0x0], $0xffff;
	[tilespmem:s0+$0x370] =	vst v14;
	v14 =	vadd.s32 v1, v50  }
0x361: {  	[tilespmem:s0+$0x300] =	vst v6;
	v6 =	vld.idx.msk [tilespmem:v13+s26+$0x0], $0xffff;
	v13 =	vadd.s32 v1, v51  }
0x362: {  	[tilespmem:s0+$0x320] =	vst v15;
	v15 =	vadd.s32 v1, v54;
	v8 =	vld.idx.msk [tilespmem:v9+s26+$0x0], $0xffff  }
0x363: {  	[tilespmem:s0+$0x350] =	vst v20;
	v24 =	vld.idx.msk [tilespmem:v59+s26+$0x0], $0xffff;
	v9 =	vadd.s32 v2, v10  }
0x364: {  	v61 =	vadd.s32 v2, v48;
	v12 =	vld.idx.msk [tilespmem:v12+s26+$0x0], $0xffff;
	[tilespmem:s0+$0x340] =	vst v5  }
0x365: {  	v60 =	vadd.s32 v1, v55;
	[tilespmem:s0+$0x360] =	vst v7;
	v14 =	vld.idx.msk [tilespmem:v14+s26+$0x0], $0xffff  }
0x366: {  	v5 =	vadd.s32 v2, v11;
	v13 =	vld.idx.msk [tilespmem:v13+s26+$0x0], $0xffff;
	[tilespmem:s0+$0x2370] =	vst v6  }
0x367: {  	v6 =	vadd.s32 v2, v49;
	[tilespmem:s0+$0x2300] =	vst v8;
	v8 =	vld.idx.msk [tilespmem:v15+s26+$0x0], $0xffff  }
0x368: {  	[tilespmem:s0+$0x2310] =	vst v24;
	v7 =	vld.idx.msk [tilespmem:v9+s26+$0x0], $0xffff;
	v9 =	vadd.s32 v2, v50  }
0x369: {  	[tilespmem:s0+$0x2320] =	vst v12;
	v12 =	vadd.s32 v2, v54;
	v20 =	vld.idx.msk [tilespmem:v61+s26+$0x0], $0xffff  }
0x36a: {  	v10 =	vadd.s32 v3, v10;
	v15 =	vld.idx.msk [tilespmem:v60+s26+$0x0], $0xffff  }
0x36b: {  	v62 =	vadd.s32 v2, v51;
	v5 =	vld.idx.msk [tilespmem:v5+s26+$0x0], $0xffff;
	[tilespmem:s0+$0x2330] =	vst v14  }
0x36c: {  	v14 =	vadd.s32 v2, v55;
	v6 =	vld.idx.msk [tilespmem:v6+s26+$0x0], $0xffff;
	[tilespmem:s0+$0x2340] =	vst v13  }
0x36d: {  	v13 =	vadd.s32 v3, v11;
	[tilespmem:s0+$0x2350] =	vst v8;
	v63 =	vld.idx.msk [tilespmem:v9+s26+$0x0], $0xffff  }
0x36e: {  	v16 =	vadd.s32 v3, v48;
	[tilespmem:s0+$0x4370] =	vst v7;
	v11 =	vld.idx.msk [tilespmem:v12+s26+$0x0], $0xffff  }
0x36f: {  	v17 =	vadd.s32 v3, v49;
	[tilespmem:s0+$0x4310] =	vst v20;
	v25 =	vld.idx.msk [tilespmem:v10+s26+$0x0], $0xffff  }
0x370: {  	[tilespmem:s0+$0x2360] =	vst v15;
	v8 =	vadd.s32 v3, v50;
	v10 =	vld.idx.msk [tilespmem:v62+s26+$0x0], $0xffff  }
0x371: {  	[tilespmem:s0+$0x4300] =	vst v5;
	v7 =	vadd.s32 v3, v51;
	v12 =	vld.idx.msk [tilespmem:v14+s26+$0x0], $0xffff  }
0x372: {  	v9 =	vld.idx.msk [tilespmem:v13+s26+$0x0], $0xffff;
	[tilespmem:s0+$0x4320] =	vst v6  }
0x373: {  	v13 =	vld.idx.msk [tilespmem:v16+s26+$0x0], $0xffff;
	[tilespmem:s0+$0x4330] =	vst v63  }
0x374: {  	s10 =	simm.s32 $0x8;
	s5 =	simm.s32 $0x2000;
	s1 =	smov.u32 s25;
	v5 =	vadd.s32 v3, v55;
	v6 =	vadd.s32 v3, v54;
	v14 =	vld.idx.msk [tilespmem:v17+s26+$0x0], $0xffff;
	[tilespmem:s0+$0x6370] =	vst v25  }
.LBB2_19:
0x375: {  	s6 =	sshra.s32 s5, $0x2;
	s10 =	sadd.s32 $0x8, s10;
	v8 =	vld.idx.msk [tilespmem:v8+s26+$0x0], $0xffff;
	[tilespmem:s0+$0x4340] =	vst v10  }
0x376: {  	s9 =	sadd.s32 s6, s24;
	p1 =	slt.u32 s10, $0x38;
	v7 =	vld.idx.msk [tilespmem:v7+s26+$0x0], $0xffff;
	[tilespmem:s0+$0x4350] =	vst v11  }
0x377: {  	v10 =	vld [tilespmem:s9+$0x0];
	[tilespmem:s0+$0x4360] =	vst v12  }
0x378: {  	v11 =	vld [tilespmem:s9+$0xFFFFFF90];
	[tilespmem:s0+$0x6300] =	vst v9  }
0x379: {  	v9 =	vld [tilespmem:s9+$0xFFFFFFA0];
	[tilespmem:s0+$0x6310] =	vst v13  }
0x37a: {  	v12 =	vld [tilespmem:s9+$0xFFFFFFB0];
	[tilespmem:s0+$0x6320] =	vst v14  }
0x37b: {  	v13 =	vld [tilespmem:s9+$0xFFFFFFC0];
	[tilespmem:s0+$0x6330] =	vst v8  }
0x37c: {  	v14 =	vld [tilespmem:s9+$0xFFFFFFD0];
	v8 =	vadd.s32 v0, v10;
	[tilespmem:s0+$0x6340] =	vst v7  }
0x37d: {  	v7 =	vadd.s32 v0, v11;
	v15 =	vadd.s32 v1, v11;
	v16 =	vadd.s32 v2, v11;
	v17 =	vld [tilespmem:s9+$0xFFFFFFE0];
	[tilespmem:s1+$0x6360] =	vst v4;
	s1 =	smov.u32 s0  }
0x37e: {  	v18 =	vadd.s32 v0, v9;
	v19 =	vadd.s32 v1, v9;
	v20 =	vadd.s32 v2, v9;
	v21 =	vld [tilespmem:s9+$0xFFFFFFF0]  }
0x37f: {  	v22 =	vadd.s32 v0, v12;
	v23 =	vadd.s32 v1, v12;
	v24 =	vadd.s32 v2, v12;
	v25 =	vld.idx.msk [tilespmem:v6+s26+$0x0], $0xffff  }
0x380: {  	v6 =	vadd.s32 v0, v13;
	v26 =	vadd.s32 v1, v13;
	v27 =	vadd.s32 v2, v13;
	v4 =	vld.idx.msk [tilespmem:v5+s26+$0x0], $0xffff  }
0x381: {  	v5 =	vadd.s32 v0, v14;
	v28 =	vadd.s32 v1, v14;
	v29 =	vadd.s32 v2, v14;
	v30 =	vld.idx.msk [tilespmem:v8+s26+$0x0], $0xffff  }
0x382: {  	v31 =	vld.idx.msk [tilespmem:v7+s26+$0x0], $0xffff;
	v32 =	vadd.s32 v0, v17;
	v33 =	vadd.s32 v1, v17;
	v34 =	vadd.s32 v2, v17  }
0x383: {  	v37 =	vadd.s32 v1, v10;
	v18 =	vld.idx.msk [tilespmem:v18+s26+$0x0], $0xffff;
	v35 =	vadd.s32 v0, v21;
	v36 =	vadd.s32 v1, v21  }
0x384: {  	v38 =	vadd.s32 v3, v11;
	v39 =	vadd.s32 v3, v9;
	v9 =	vld.idx.msk [tilespmem:v22+s26+$0x0], $0xffff;
	v22 =	vadd.s32 v2, v21  }
0x385: {  	v40 =	vadd.s32 v3, v12;
	v8 =	vadd.s32 v3, v13;
	v7 =	vadd.s32 v3, v14;
	v11 =	vld.idx.msk [tilespmem:v6+s26+$0x0], $0xffff  }
0x386: {  	s0 =	sadd.s32 s6, s18;
	v6 =	vadd.s32 v3, v17;
	v12 =	vld.idx.msk [tilespmem:v5+s26+$0x0], $0xffff;
	v5 =	vadd.s32 v3, v21;
	[tilespmem:s1+$0x6350] =	vst v25  }
0x387: {  	v13 =	vld.idx.msk [tilespmem:v32+s26+$0x0], $0xffff;
	[tilespmem:s0+$0x370] =	vst v30  }
0x388: {  	[tilespmem:s0+$0x300] =	vst v31;
	v14 =	vld.idx.msk [tilespmem:v37+s26+$0x0], $0xffff  }
0x389: {  	[tilespmem:s0+$0x310] =	vst v18;
	v17 =	vld.idx.msk [tilespmem:v35+s26+$0x0], $0xffff  }
0x38a: {  	v15 =	vld.idx.msk [tilespmem:v15+s26+$0x0], $0xffff;
	[tilespmem:s0+$0x320] =	vst v9;
	v9 =	vadd.s32 v2, v10  }
0x38b: {  	v18 =	vld.idx.msk [tilespmem:v19+s26+$0x0], $0xffff;
	[tilespmem:s0+$0x330] =	vst v11  }
0x38c: {  	v11 =	vld.idx.msk [tilespmem:v23+s26+$0x0], $0xffff;
	[tilespmem:s0+$0x340] =	vst v12  }
0x38d: {  	v12 =	vld.idx.msk [tilespmem:v26+s26+$0x0], $0xffff;
	[tilespmem:s0+$0x350] =	vst v13  }
0x38e: {  	v13 =	vld.idx.msk [tilespmem:v28+s26+$0x0], $0xffff;
	[tilespmem:s0+$0x2370] =	vst v14  }
0x38f: {  	[tilespmem:s0+$0x360] =	vst v17;
	v9 =	vld.idx.msk [tilespmem:v9+s26+$0x0], $0xffff  }
0x390: {  	[tilespmem:s0+$0x2300] =	vst v15;
	v14 =	vld.idx.msk [tilespmem:v33+s26+$0x0], $0xffff  }
0x391: {  	v10 =	vadd.s32 v3, v10;
	[tilespmem:s0+$0x2310] =	vst v18;
	v15 =	vld.idx.msk [tilespmem:v36+s26+$0x0], $0xffff  }
0x392: {  	v16 =	vld.idx.msk [tilespmem:v16+s26+$0x0], $0xffff;
	[tilespmem:s0+$0x2320] =	vst v11  }
0x393: {  	v17 =	vld.idx.msk [tilespmem:v20+s26+$0x0], $0xffff;
	[tilespmem:s0+$0x2330] =	vst v12  }
0x394: {  	v18 =	vld.idx.msk [tilespmem:v24+s26+$0x0], $0xffff;
	[tilespmem:s0+$0x2340] =	vst v13  }
0x395: {  	v19 =	vld.idx.msk [tilespmem:v27+s26+$0x0], $0xffff;
	[tilespmem:s0+$0x4370] =	vst v9  }
0x396: {  	[tilespmem:s0+$0x2350] =	vst v14;
	v20 =	vld.idx.msk [tilespmem:v10+s26+$0x0], $0xffff  }
0x397: {  	v10 =	vld.idx.msk [tilespmem:v29+s26+$0x0], $0xffff;
	[tilespmem:s0+$0x2360] =	vst v15  }
.Ltmp9:
0x398: {  	[tilespmem:s0+$0x4300] =	vst v16;
	v11 =	vld.idx.msk [tilespmem:v34+s26+$0x0], $0xffff;
	(pc) =	sbr.rel @p1 .LBB2_19-.Ltmp9, $4  }
0x399: {  	[tilespmem:s0+$0x4310] =	vst v17;
	v12 =	vld.idx.msk [tilespmem:v22+s26+$0x0], $0xffff  }
0x39a: {  	v9 =	vld.idx.msk [tilespmem:v38+s26+$0x0], $0xffff;
	[tilespmem:s0+$0x4320] =	vst v18  }
0x39b: {  	v13 =	vld.idx.msk [tilespmem:v39+s26+$0x0], $0xffff;
	[tilespmem:s0+$0x4330] =	vst v19  }
0x39c: {  	s5 =	sadd.s32 $0x1000, s5;
	v14 =	vld.idx.msk [tilespmem:v40+s26+$0x0], $0xffff;
	[tilespmem:s0+$0x6370] =	vst v20  }
0x39d: {  	_ =	sdelay $0x1  }
0x39e: {  	[tilespmem:s0+$0x4340] =	vst v10  }
0x39f: {  	[tilespmem:s0+$0x4350] =	vst v11  }
0x3a0: {  	v8 =	vld.idx.msk [tilespmem:v8+s26+$0x0], $0xffff;
	[tilespmem:s1+$0x6360] =	vst v4  }
0x3a1: {  	v7 =	vld.idx.msk [tilespmem:v7+s26+$0x0], $0xffff;
	[tilespmem:s0+$0x4360] =	vst v12  }
0x3a2: {  	v6 =	vld.idx.msk [tilespmem:v6+s26+$0x0], $0xffff;
	[tilespmem:s0+$0x6300] =	vst v9  }
0x3a3: {  	v5 =	vld.idx.msk [tilespmem:v5+s26+$0x0], $0xffff;
	[tilespmem:s0+$0x6310] =	vst v13  }
0x3a4: {  	[tilespmem:s0+$0x6320] =	vst v14  }
0x3a5: {  	[tilespmem:s0+$0x6330] =	vst v8  }
0x3a6: {  	[tilespmem:s0+$0x6340] =	vst v7  }
0x3a7: {  	[tilespmem:s0+$0x6350] =	vst v6  }
0x3a8: {  	s30 =	sadd.s32 $0x0, s23;
	[tilespmem:s0+$0x6360] =	vst v5  }
0x3a9: {  	v4 =	vld [tilespmem:s30+$0x0]  }
0x3aa: {  	v5 =	vld [tilespmem:s30+$0xFFFFFF90]  }
0x3ab: {  	v6 =	vld [tilespmem:s30+$0xFFFFFFA0]  }
0x3ac: {  	v7 =	vld [tilespmem:s30+$0xFFFFFFB0]  }
0x3ad: {  	v8 =	vld [tilespmem:s30+$0xFFFFFFC0]  }
0x3ae: {  	v9 =	vld [tilespmem:s30+$0xFFFFFFD0]  }
0x3af: {  	v12 =	vld [tilespmem:s30+$0xFFFFFFE0]  }
0x3b0: {  	s31 =	sadd.s32 $0x400, s23;
	v14 =	vld [tilespmem:s30+$0xFFFFFFF0]  }
0x3b1: {  	v48 =	vld [tilespmem:s31+$0xFFFFFFA0]  }
0x3b2: {  	v49 =	vld [tilespmem:s31+$0xFFFFFFB0];
	v10 =	vadd.s32 v0, v4  }
0x3b3: {  	v50 =	vld [tilespmem:s31+$0xFFFFFFC0];
	v11 =	vadd.s32 v0, v5  }
0x3b4: {  	v51 =	vld [tilespmem:s31+$0xFFFFFFD0];
	v13 =	vadd.s32 v0, v6  }
0x3b5: {  	v54 =	vld [tilespmem:s31+$0xFFFFFFE0];
	v15 =	vadd.s32 v0, v7  }
0x3b6: {  	v55 =	vld [tilespmem:s31+$0xFFFFFFF0];
	v16 =	vadd.s32 v0, v8  }
0x3b7: {  	v17 =	vadd.s32 v0, v9;
	v10 =	vld.idx.msk [tilespmem:v10+s3+$0x0], $0xffff  }
0x3b8: {  	v18 =	vadd.s32 v0, v12;
	v11 =	vld.idx.msk [tilespmem:v11+s3+$0x0], $0xffff  }
0x3b9: {  	v56 =	vadd.s32 v0, v50;
	v13 =	vld.idx.msk [tilespmem:v13+s3+$0x0], $0xffff  }
0x3ba: {  	v20 =	vadd.s32 v0, v14;
	v15 =	vld.idx.msk [tilespmem:v15+s3+$0x0], $0xffff  }
0x3bb: {  	v19 =	vadd.s32 v1, v4;
	v16 =	vld.idx.msk [tilespmem:v16+s3+$0x0], $0xffff  }
0x3bc: {  	v21 =	vadd.s32 v1, v5;
	v17 =	vld.idx.msk [tilespmem:v17+s3+$0x0], $0xffff  }
0x3bd: {  	v22 =	vadd.s32 v1, v6;
	v18 =	vld.idx.msk [tilespmem:v18+s3+$0x0], $0xffff  }
0x3be: {  	v23 =	vadd.s32 v1, v7;
	v58 =	vld.idx.msk [tilespmem:v56+s3+$0x0], $0xffff;
	[tilespmem:s25+$0x3F0] =	vst v10  }
0x3bf: {  	v24 =	vadd.s32 v1, v9;
	[tilespmem:s25+$0x380] =	vst v11;
	v11 =	vld.idx.msk [tilespmem:v20+s3+$0x0], $0xffff  }
0x3c0: {  	v10 =	vadd.s32 v1, v8;
	[tilespmem:s25+$0x390] =	vst v13;
	v19 =	vld.idx.msk [tilespmem:v19+s3+$0x0], $0xffff  }
0x3c1: {  	v35 =	vadd.s32 v1, v12;
	[tilespmem:s25+$0x3A0] =	vst v15;
	v13 =	vld.idx.msk [tilespmem:v21+s3+$0x0], $0xffff  }
0x3c2: {  	v36 =	vadd.s32 v1, v14;
	[tilespmem:s25+$0x3B0] =	vst v16;
	v15 =	vld.idx.msk [tilespmem:v22+s3+$0x0], $0xffff  }
0x3c3: {  	v34 =	vadd.s32 v2, v4;
	[tilespmem:s25+$0x3C0] =	vst v17;
	v37 =	vld.idx.msk [tilespmem:v23+s3+$0x0], $0xffff  }
0x3c4: {  	v38 =	vadd.s32 v2, v5;
	[tilespmem:s25+$0x3D0] =	vst v18;
	v24 =	vld.idx.msk [tilespmem:v24+s3+$0x0], $0xffff  }
0x3c5: {  	v39 =	vadd.s32 v2, v6;
	v10 =	vld.idx.msk [tilespmem:v10+s3+$0x0], $0xffff;
	[tilespmem:s25+$0x3E0] =	vst v11  }
0x3c6: {  	v40 =	vadd.s32 v2, v7;
	v11 =	vld.idx.msk [tilespmem:v35+s3+$0x0], $0xffff;
	[tilespmem:s25+$0x23F0] =	vst v19  }
0x3c7: {  	v43 =	vadd.s32 v2, v9;
	[tilespmem:s25+$0x2380] =	vst v13;
	v13 =	vld.idx.msk [tilespmem:v36+s3+$0x0], $0xffff  }
0x3c8: {  	v42 =	vadd.s32 v2, v8;
	[tilespmem:s25+$0x2390] =	vst v15;
	v41 =	vld.idx.msk [tilespmem:v34+s3+$0x0], $0xffff  }
0x3c9: {  	v44 =	vadd.s32 v2, v12;
	[tilespmem:s25+$0x23A0] =	vst v37;
	v15 =	vld.idx.msk [tilespmem:v38+s3+$0x0], $0xffff  }
0x3ca: {  	v46 =	vadd.s32 v2, v14;
	[tilespmem:s25+$0x23C0] =	vst v24;
	v45 =	vld.idx.msk [tilespmem:v39+s3+$0x0], $0xffff  }
0x3cb: {  	v4 =	vadd.s32 v3, v4;
	[tilespmem:s25+$0x23B0] =	vst v10;
	v10 =	vld.idx.msk [tilespmem:v40+s3+$0x0], $0xffff  }
0x3cc: {  	[tilespmem:s25+$0x23D0] =	vst v11;
	v11 =	vld.idx.msk [tilespmem:v43+s3+$0x0], $0xffff  }
0x3cd: {  	v47 =	vld.idx.msk [tilespmem:v42+s3+$0x0], $0xffff;
	[tilespmem:s25+$0x23E0] =	vst v13  }
0x3ce: {  	v5 =	vadd.s32 v3, v5;
	v13 =	vld.idx.msk [tilespmem:v44+s3+$0x0], $0xffff;
	[tilespmem:s25+$0x43F0] =	vst v41  }
0x3cf: {  	v6 =	vadd.s32 v3, v6;
	[tilespmem:s25+$0x4380] =	vst v15;
	v15 =	vld.idx.msk [tilespmem:v46+s3+$0x0], $0xffff  }
0x3d0: {  	v7 =	vadd.s32 v3, v7;
	v4 =	vld.idx.msk [tilespmem:v4+s3+$0x0], $0xffff  }
0x3d1: {  	v8 =	vadd.s32 v3, v8;
	[tilespmem:s25+$0x43A0] =	vst v10;
	v10 =	vld [tilespmem:s31+$0x0]  }
0x3d2: {  	v9 =	vadd.s32 v3, v9;
	[tilespmem:s25+$0x43C0] =	vst v11;
	v11 =	vld [tilespmem:s31+$0xFFFFFF90]  }
0x3d3: {  	v12 =	vadd.s32 v3, v12;
	[tilespmem:s25+$0x4390] =	vst v45;
	v5 =	vld.idx.msk [tilespmem:v5+s3+$0x0], $0xffff  }
0x3d4: {  	v14 =	vadd.s32 v3, v14;
	v6 =	vld.idx.msk [tilespmem:v6+s3+$0x0], $0xffff;
	[tilespmem:s25+$0x43B0] =	vst v47  }
0x3d5: {  	s0 =	sadd.s32 $0x400, s18;
	v7 =	vld.idx.msk [tilespmem:v7+s3+$0x0], $0xffff;
	[tilespmem:s25+$0x43D0] =	vst v13;
	v13 =	vadd.s32 v0, v48  }
0x3d6: {  	[tilespmem:s0+$0x3B0] =	vst v58;
	v8 =	vld.idx.msk [tilespmem:v8+s3+$0x0], $0xffff;
	v52 =	vadd.s32 v0, v10  }
0x3d7: {  	v9 =	vld.idx.msk [tilespmem:v9+s3+$0x0], $0xffff;
	[tilespmem:s25+$0x43E0] =	vst v15;
	v53 =	vadd.s32 v0, v11  }
0x3d8: {  	v15 =	vadd.s32 v0, v49;
	v12 =	vld.idx.msk [tilespmem:v12+s3+$0x0], $0xffff;
	[tilespmem:s25+$0x63F0] =	vst v4  }
0x3d9: {  	v57 =	vadd.s32 v0, v54;
	v4 =	vld.idx.msk [tilespmem:v14+s3+$0x0], $0xffff;
	[tilespmem:s25+$0x6380] =	vst v5  }
0x3da: {  	v5 =	vadd.s32 v0, v51;
	[tilespmem:s25+$0x63A0] =	vst v7;
	v7 =	vld.idx.msk [tilespmem:v13+s3+$0x0], $0xffff  }
0x3db: {  	[tilespmem:s25+$0x63B0] =	vst v8;
	v8 =	vadd.s32 v0, v55;
	v14 =	vld.idx.msk [tilespmem:v52+s3+$0x0], $0xffff  }
0x3dc: {  	[tilespmem:s25+$0x6390] =	vst v6;
	v13 =	vadd.s32 v1, v10;
	v6 =	vld.idx.msk [tilespmem:v53+s3+$0x0], $0xffff  }
0x3dd: {  	[tilespmem:s25+$0x63C0] =	vst v9;
	v9 =	vadd.s32 v1, v11;
	v15 =	vld.idx.msk [tilespmem:v15+s3+$0x0], $0xffff  }
0x3de: {  	v59 =	vadd.s32 v1, v48;
	v20 =	vld.idx.msk [tilespmem:v57+s3+$0x0], $0xffff;
	[tilespmem:s25+$0x63D0] =	vst v12  }
0x3df: {  	v12 =	vadd.s32 v1, v49;
	v5 =	vld.idx.msk [tilespmem:v5+s3+$0x0], $0xffff;
	[tilespmem:s0+$0x390] =	vst v7  }
0x3e0: {  	v7 =	vld.idx.msk [tilespmem:v8+s3+$0x0], $0xffff;
	[tilespmem:s0+$0x3F0] =	vst v14;
	v14 =	vadd.s32 v1, v50  }
0x3e1: {  	[tilespmem:s0+$0x380] =	vst v6;
	v6 =	vld.idx.msk [tilespmem:v13+s3+$0x0], $0xffff;
	v13 =	vadd.s32 v1, v51  }
0x3e2: {  	[tilespmem:s0+$0x3A0] =	vst v15;
	v15 =	vadd.s32 v1, v54;
	v8 =	vld.idx.msk [tilespmem:v9+s3+$0x0], $0xffff  }
0x3e3: {  	[tilespmem:s0+$0x3D0] =	vst v20;
	v24 =	vld.idx.msk [tilespmem:v59+s3+$0x0], $0xffff;
	v9 =	vadd.s32 v2, v10  }
0x3e4: {  	v61 =	vadd.s32 v2, v48;
	v12 =	vld.idx.msk [tilespmem:v12+s3+$0x0], $0xffff;
	[tilespmem:s0+$0x3C0] =	vst v5  }
0x3e5: {  	v60 =	vadd.s32 v1, v55;
	[tilespmem:s0+$0x3E0] =	vst v7;
	v14 =	vld.idx.msk [tilespmem:v14+s3+$0x0], $0xffff  }
0x3e6: {  	v5 =	vadd.s32 v2, v11;
	v13 =	vld.idx.msk [tilespmem:v13+s3+$0x0], $0xffff;
	[tilespmem:s0+$0x23F0] =	vst v6  }
0x3e7: {  	v6 =	vadd.s32 v2, v49;
	[tilespmem:s0+$0x2380] =	vst v8;
	v8 =	vld.idx.msk [tilespmem:v15+s3+$0x0], $0xffff  }
0x3e8: {  	[tilespmem:s0+$0x2390] =	vst v24;
	v7 =	vld.idx.msk [tilespmem:v9+s3+$0x0], $0xffff;
	v9 =	vadd.s32 v2, v50  }
0x3e9: {  	[tilespmem:s0+$0x23A0] =	vst v12;
	v12 =	vadd.s32 v2, v54;
	v20 =	vld.idx.msk [tilespmem:v61+s3+$0x0], $0xffff  }
0x3ea: {  	v10 =	vadd.s32 v3, v10;
	v15 =	vld.idx.msk [tilespmem:v60+s3+$0x0], $0xffff  }
0x3eb: {  	v62 =	vadd.s32 v2, v51;
	v5 =	vld.idx.msk [tilespmem:v5+s3+$0x0], $0xffff;
	[tilespmem:s0+$0x23B0] =	vst v14  }
0x3ec: {  	v14 =	vadd.s32 v2, v55;
	v6 =	vld.idx.msk [tilespmem:v6+s3+$0x0], $0xffff;
	[tilespmem:s0+$0x23C0] =	vst v13  }
0x3ed: {  	v13 =	vadd.s32 v3, v11;
	[tilespmem:s0+$0x23D0] =	vst v8;
	v63 =	vld.idx.msk [tilespmem:v9+s3+$0x0], $0xffff  }
0x3ee: {  	v16 =	vadd.s32 v3, v48;
	[tilespmem:s0+$0x43F0] =	vst v7;
	v11 =	vld.idx.msk [tilespmem:v12+s3+$0x0], $0xffff  }
0x3ef: {  	v17 =	vadd.s32 v3, v49;
	[tilespmem:s0+$0x4390] =	vst v20;
	v25 =	vld.idx.msk [tilespmem:v10+s3+$0x0], $0xffff  }
0x3f0: {  	[tilespmem:s0+$0x23E0] =	vst v15;
	v8 =	vadd.s32 v3, v50;
	v10 =	vld.idx.msk [tilespmem:v62+s3+$0x0], $0xffff  }
0x3f1: {  	[tilespmem:s0+$0x4380] =	vst v5;
	v7 =	vadd.s32 v3, v51;
	v12 =	vld.idx.msk [tilespmem:v14+s3+$0x0], $0xffff  }
0x3f2: {  	v9 =	vld.idx.msk [tilespmem:v13+s3+$0x0], $0xffff;
	[tilespmem:s0+$0x43A0] =	vst v6  }
0x3f3: {  	v13 =	vld.idx.msk [tilespmem:v16+s3+$0x0], $0xffff;
	[tilespmem:s0+$0x43B0] =	vst v63  }
0x3f4: {  	s1 =	simm.s32 $0x8;
	s5 =	simm.s32 $0x2000;
	v5 =	vadd.s32 v3, v55;
	v6 =	vadd.s32 v3, v54;
	v14 =	vld.idx.msk [tilespmem:v17+s3+$0x0], $0xffff;
	[tilespmem:s0+$0x63F0] =	vst v25  }
.LBB2_21:
0x3f5: {  	s6 =	sshra.s32 s5, $0x2;
	s1 =	sadd.s32 $0x8, s1;
	v8 =	vld.idx.msk [tilespmem:v8+s3+$0x0], $0xffff;
	[tilespmem:s0+$0x43C0] =	vst v10  }
0x3f6: {  	s9 =	sadd.s32 s6, s23;
	p1 =	slt.u32 s1, $0x38;
	v7 =	vld.idx.msk [tilespmem:v7+s3+$0x0], $0xffff;
	[tilespmem:s0+$0x43D0] =	vst v11  }
0x3f7: {  	v10 =	vld [tilespmem:s9+$0x0];
	[tilespmem:s0+$0x43E0] =	vst v12  }
0x3f8: {  	v11 =	vld [tilespmem:s9+$0xFFFFFF90];
	[tilespmem:s0+$0x6380] =	vst v9  }
0x3f9: {  	v9 =	vld [tilespmem:s9+$0xFFFFFFA0];
	[tilespmem:s0+$0x6390] =	vst v13  }
0x3fa: {  	v12 =	vld [tilespmem:s9+$0xFFFFFFB0];
	[tilespmem:s0+$0x63A0] =	vst v14  }
0x3fb: {  	v13 =	vld [tilespmem:s9+$0xFFFFFFC0];
	[tilespmem:s0+$0x63B0] =	vst v8  }
0x3fc: {  	v14 =	vld [tilespmem:s9+$0xFFFFFFD0];
	v8 =	vadd.s32 v0, v10;
	[tilespmem:s0+$0x63C0] =	vst v7  }
0x3fd: {  	v7 =	vadd.s32 v0, v11;
	v15 =	vadd.s32 v1, v11;
	v16 =	vadd.s32 v2, v11;
	v17 =	vld [tilespmem:s9+$0xFFFFFFE0];
	[tilespmem:s25+$0x63E0] =	vst v4;
	s25 =	smov.u32 s0  }
0x3fe: {  	v18 =	vadd.s32 v0, v9;
	v19 =	vadd.s32 v1, v9;
	v20 =	vadd.s32 v2, v9;
	v21 =	vld [tilespmem:s9+$0xFFFFFFF0]  }
0x3ff: {  	v22 =	vadd.s32 v0, v12;
	v23 =	vadd.s32 v1, v12;
	v24 =	vadd.s32 v2, v12;
	v25 =	vld.idx.msk [tilespmem:v6+s3+$0x0], $0xffff  }
0x400: {  	v6 =	vadd.s32 v0, v13;
	v26 =	vadd.s32 v1, v13;
	v27 =	vadd.s32 v2, v13;
	v4 =	vld.idx.msk [tilespmem:v5+s3+$0x0], $0xffff  }
0x401: {  	v5 =	vadd.s32 v0, v14;
	v28 =	vadd.s32 v1, v14;
	v29 =	vadd.s32 v2, v14;
	v30 =	vld.idx.msk [tilespmem:v8+s3+$0x0], $0xffff  }
0x402: {  	v31 =	vld.idx.msk [tilespmem:v7+s3+$0x0], $0xffff;
	v32 =	vadd.s32 v0, v17;
	v33 =	vadd.s32 v1, v17;
	v34 =	vadd.s32 v2, v17  }
0x403: {  	v37 =	vadd.s32 v1, v10;
	v18 =	vld.idx.msk [tilespmem:v18+s3+$0x0], $0xffff;
	v35 =	vadd.s32 v0, v21;
	v36 =	vadd.s32 v1, v21  }
0x404: {  	v38 =	vadd.s32 v3, v11;
	v39 =	vadd.s32 v3, v9;
	v9 =	vld.idx.msk [tilespmem:v22+s3+$0x0], $0xffff;
	v22 =	vadd.s32 v2, v21  }
0x405: {  	v40 =	vadd.s32 v3, v12;
	v8 =	vadd.s32 v3, v13;
	v7 =	vadd.s32 v3, v14;
	v11 =	vld.idx.msk [tilespmem:v6+s3+$0x0], $0xffff  }
0x406: {  	s0 =	sadd.s32 s6, s18;
	v6 =	vadd.s32 v3, v17;
	v12 =	vld.idx.msk [tilespmem:v5+s3+$0x0], $0xffff;
	v5 =	vadd.s32 v3, v21;
	[tilespmem:s25+$0x63D0] =	vst v25  }
0x407: {  	v13 =	vld.idx.msk [tilespmem:v32+s3+$0x0], $0xffff;
	[tilespmem:s0+$0x3F0] =	vst v30  }
0x408: {  	[tilespmem:s0+$0x380] =	vst v31;
	v14 =	vld.idx.msk [tilespmem:v37+s3+$0x0], $0xffff  }
0x409: {  	[tilespmem:s0+$0x390] =	vst v18;
	v17 =	vld.idx.msk [tilespmem:v35+s3+$0x0], $0xffff  }
0x40a: {  	v15 =	vld.idx.msk [tilespmem:v15+s3+$0x0], $0xffff;
	[tilespmem:s0+$0x3A0] =	vst v9;
	v9 =	vadd.s32 v2, v10  }
0x40b: {  	v18 =	vld.idx.msk [tilespmem:v19+s3+$0x0], $0xffff;
	[tilespmem:s0+$0x3B0] =	vst v11  }
0x40c: {  	v11 =	vld.idx.msk [tilespmem:v23+s3+$0x0], $0xffff;
	[tilespmem:s0+$0x3C0] =	vst v12  }
0x40d: {  	v12 =	vld.idx.msk [tilespmem:v26+s3+$0x0], $0xffff;
	[tilespmem:s0+$0x3D0] =	vst v13  }
0x40e: {  	v13 =	vld.idx.msk [tilespmem:v28+s3+$0x0], $0xffff;
	[tilespmem:s0+$0x23F0] =	vst v14  }
0x40f: {  	[tilespmem:s0+$0x3E0] =	vst v17;
	v9 =	vld.idx.msk [tilespmem:v9+s3+$0x0], $0xffff  }
0x410: {  	[tilespmem:s0+$0x2380] =	vst v15;
	v14 =	vld.idx.msk [tilespmem:v33+s3+$0x0], $0xffff  }
0x411: {  	v10 =	vadd.s32 v3, v10;
	[tilespmem:s0+$0x2390] =	vst v18;
	v15 =	vld.idx.msk [tilespmem:v36+s3+$0x0], $0xffff  }
0x412: {  	v16 =	vld.idx.msk [tilespmem:v16+s3+$0x0], $0xffff;
	[tilespmem:s0+$0x23A0] =	vst v11  }
0x413: {  	v17 =	vld.idx.msk [tilespmem:v20+s3+$0x0], $0xffff;
	[tilespmem:s0+$0x23B0] =	vst v12  }
0x414: {  	v18 =	vld.idx.msk [tilespmem:v24+s3+$0x0], $0xffff;
	[tilespmem:s0+$0x23C0] =	vst v13  }
0x415: {  	v19 =	vld.idx.msk [tilespmem:v27+s3+$0x0], $0xffff;
	[tilespmem:s0+$0x43F0] =	vst v9  }
0x416: {  	[tilespmem:s0+$0x23D0] =	vst v14;
	v20 =	vld.idx.msk [tilespmem:v10+s3+$0x0], $0xffff  }
0x417: {  	v10 =	vld.idx.msk [tilespmem:v29+s3+$0x0], $0xffff;
	[tilespmem:s0+$0x23E0] =	vst v15  }
.Ltmp10:
0x418: {  	[tilespmem:s0+$0x4380] =	vst v16;
	v11 =	vld.idx.msk [tilespmem:v34+s3+$0x0], $0xffff;
	(pc) =	sbr.rel @p1 .LBB2_21-.Ltmp10, $4  }
0x419: {  	[tilespmem:s0+$0x4390] =	vst v17;
	v12 =	vld.idx.msk [tilespmem:v22+s3+$0x0], $0xffff  }
0x41a: {  	v9 =	vld.idx.msk [tilespmem:v38+s3+$0x0], $0xffff;
	[tilespmem:s0+$0x43A0] =	vst v18  }
0x41b: {  	v13 =	vld.idx.msk [tilespmem:v39+s3+$0x0], $0xffff;
	[tilespmem:s0+$0x43B0] =	vst v19  }
0x41c: {  	s5 =	sadd.s32 $0x1000, s5;
	v14 =	vld.idx.msk [tilespmem:v40+s3+$0x0], $0xffff;
	[tilespmem:s0+$0x63F0] =	vst v20  }
0x41d: {  	_ =	sdelay $0x1  }
0x41e: {  	[tilespmem:s0+$0x43C0] =	vst v10  }
0x41f: {  	[tilespmem:s0+$0x43D0] =	vst v11  }
0x420: {  	v0 =	vld.idx.msk [tilespmem:v8+s3+$0x0], $0xffff;
	[tilespmem:s25+$0x63E0] =	vst v4  }
0x421: {  	[tilespmem:s0+$0x43E0] =	vst v12;
	v1 =	vld.idx.msk [tilespmem:v7+s3+$0x0], $0xffff  }
0x422: {  	v2 =	vld.idx.msk [tilespmem:v6+s3+$0x0], $0xffff;
	[tilespmem:s0+$0x6380] =	vst v9  }
0x423: {  	v3 =	vld.idx.msk [tilespmem:v5+s3+$0x0], $0xffff;
	[tilespmem:s0+$0x6390] =	vst v13  }
0x424: {  	[tilespmem:s0+$0x63A0] =	vst v14  }
0x425: {  	s1 =	sshll.u32 s16, $0x13;
	[tilespmem:s0+$0x63B0] =	vst v0  }
0x426: {  	s1 =	sor.u32 s8, s1;
	[tilespmem:s0+$0x63C0] =	vst v1  }
0x427: {  	s29 =	sadd.s32 $0x3, s16;
	s1 =	sadd.s32 s1, s17;
	[tilespmem:s0+$0x63D0] =	vst v2  }
0x428: {  	s15 =	sadd.s32 $0x1, s15;
	s5 =	sadd.s32 s2, s1;
	s30 =	sor.u32 $0x20000, s1;
	[tilespmem:s0+$0x63E0] =	vst v3  }
0x429: {  	[hbm4b:s5+s3] =	stream.linear.scatter [tilespmem:s19], [sflag:s29], $0x2000, $0x38;
	[tilespmem:$0x1BC80] =	vst v63  }
0x42a: {  	p1 =	sne.s32 s15, $0x10;
	s5 =	sadd.s32 s2, s30  }
0x42b: {  	[hbm4b:s5+s3] =	stream.linear.scatter [tilespmem:s21], [sflag:s29], $0x2000, $0x38;
	[tilespmem:$0x1BC80] =	vst v63  }
.Ltmp11:
0x42c: {  	s31 =	sor.u32 $0x40000, s1;
	(pc) =	sbr.rel @p1 .LBB2_2-.Ltmp11, $4  }
.Ltmp12:
0x42d: {  	s1 =	sor.u32 $0x60000, s1;
	s5 =	sadd.s32 s2, s31;
	(pc) =	sbr.rel @!p1 .LBB2_23-.Ltmp12, $4  }
0x42e: {  	[hbm4b:s5+s3] =	stream.linear.scatter [tilespmem:s20], [sflag:s29], $0x2000, $0x38;
	[tilespmem:$0x1BC80] =	vst v63  }
0x42f: {  	p0 =	por !p0, !p0;
	s1 =	sadd.s32 s2, s1  }
0x430: {  	[hbm4b:s1+s3] =	stream.linear.scatter [tilespmem:s22], [sflag:s29], $0x2000, $0x38;
	[tilespmem:$0x1BC80] =	vst v63  }
0x431: {  	_ = 	snop  }
.LBB2_4:
0x432: {  	p1 =	sne.s32 s16, $0x0  }
.Ltmp13:
0x433: {  	_ = 	snop;
	(pc) =	sbr.rel @p1 .LBB2_6-.Ltmp13, $4  }
.Ltmp14:
0x434: {  	_ = 	snop;
	(pc) =	sbr.rel @!p1 .LBB2_5-.Ltmp14, $4  }
0x435: {  	_ = 	snop  }
0x436: {  	_ = 	snop  }
0x437: {  	_ = 	snop  }
0x438: {  	_ = 	snop  }
.LBB2_24:
0x439: {  	_ =	sfence.sel $0x180000  }
0x43a: {  	[bflag:$0x0] =	sbarrier.arrive $0xFFFF  }
0x43b: {  	_ =	strace $0x90000047  }
0x43c: {  	s0 =	stileid.u32;
	[bflag:$0x2] =	sbarrier.arrive $0xFFFF  }
0x43d: {  	p0 =	sne.s32 s0, $0x0;
	s0 =	rddreg [dreg:$0x3]  }
0x43e: {  	s0 =	sadd.s32 @!p0 $0x100000, s0  }
0x43f: {  	[sflag:s0] =	ssyncadd.tile.s32 @!p0 $0x1;
	_ =	shalt  }
.Lfunc_end2:
_tile_overlayer_lowered:
.L_overlay_start_2:
0x440: {  	(tag) =	ssettag $0x2  }
0x441: {  	s0 =	rddreg [dreg:$0x0];
	s2 =	stileid.u32  }
0x442: {  	s1 =	rddreg [dreg:$0x1];
	p0 =	sne.s32 s2, $0x0  }
0x443: {  	s3 =	rddreg [dreg:$0x2];
	[bflag:$0x3] =	sbarrier.arrive $0xFFFF;
	s2 =	simm.s32 @!p0 $0x1C05  }
0x444: {  	[timem:s3], [sflag:s2] =	dma.local @!p0 [hbm:s0], s1  }
0x445: {  	s0 =	simm.s32 @!p0 $0x5  }
0x446: {  	_ =	swait.ge @!p0 [sflag:s0], s1  }
0x447: {  	s1 =	ssub.s32 @!p0 $0x0, s1;
	[sflag:s0] =	ssyncset.done @!p0 $0x0  }
0x448: {  	[sflag:s0] =	ssyncadd.s32 @!p0 s1  }
0x449: {  	[bflag:$0x3] =	sbarrier.arrive $0xFFFF  }
0x44a: {  	_ =	shalt  }

</sc_bundles>
